<compile_context>
chip_gen: v7x
topology: tpu7x:2x2x1
jax: 0.10.2.dev20260603
libtpu: 0.0.44.dev20260713+nightly
codegen_flags: <defaults>
</compile_context>

<pallas_src>
import functools

import jax
import jax.numpy as jnp
from jax import lax
from jax.experimental import pallas as pl
from jax.experimental.pallas import tpu as pltpu
from jax.experimental.pallas import tpu_sc as plsc

N1 = 10000
N2 = 10000
DEG = 32
D = 128
E = N2 * DEG

N_SLICES = 5
NODES_PER_SLICE = N2 // N_SLICES
EDGES_PER_SLICE = NODES_PER_SLICE * DEG


def _proj_body(x_ref, w_ref, out_ref):
    kv = jnp.dot(x_ref[...], w_ref[...], preferred_element_type=jnp.float32)
    kb = kv[:, :D].astype(jnp.bfloat16)
    vb = kv[:, D:].astype(jnp.bfloat16)
    ku = lax.bitcast_convert_type(kb, jnp.uint16).astype(jnp.uint32)
    vu = lax.bitcast_convert_type(vb, jnp.uint16).astype(jnp.uint32)
    out_ref[...] = lax.bitcast_convert_type((vu << 16) | ku, jnp.int32)


def _proj(x, w):
    blk = 2000
    return pl.pallas_call(
        _proj_body,
        grid=(N1 // blk,),
        in_specs=[
            pl.BlockSpec((blk, D), lambda i: (i, 0)),
            pl.BlockSpec((D, 2 * D), lambda i: (0, 0)),
        ],
        out_specs=pl.BlockSpec((blk, D), lambda i: (i, 0)),
        out_shape=jax.ShapeDtypeStruct((N1, D), jnp.int32),
    )(x, w)



_SC_CHUNK = 200


def _sc_gather(table, idx, n_edges):
    info = plsc.get_sparse_core_info()
    nc, ns = info.num_cores, info.num_subcores
    nw = nc * ns
    per_w = n_edges // nw
    n_pairs = per_w // (2 * _SC_CHUNK)
    width = table.shape[1]
    c = _SC_CHUNK

    mesh = plsc.VectorSubcoreMesh(core_axis_name="c", subcore_axis_name="s")

    @functools.partial(
        pl.kernel,
        out_type=jax.ShapeDtypeStruct((n_edges, width), table.dtype),
        mesh=mesh,
        scratch_types=[
            pltpu.VMEM((c,), jnp.int32),
            pltpu.VMEM((c,), jnp.int32),
            pltpu.VMEM((c, width), table.dtype),
            pltpu.VMEM((c, width), table.dtype),
            pltpu.SemaphoreType.DMA,
            pltpu.SemaphoreType.DMA,
        ],
        cost_estimate=pl.CostEstimate(
            flops=0,
            transcendentals=0,
            bytes_accessed=2 * n_edges * width * 4,
        ),
    )
    def k(table_hbm, idx_hbm, out_hbm, idx_a, idx_b, rows_a, rows_b,
          sem_a, sem_b):
        wid = lax.axis_index("s") * nc + lax.axis_index("c")
        w_base = wid * per_w

        def gather_a():
            return pltpu.make_async_copy(table_hbm.at[idx_a], rows_a, sem_a)

        def gather_b():
            return pltpu.make_async_copy(table_hbm.at[idx_b], rows_b, sem_b)

        pltpu.sync_copy(idx_hbm.at[pl.ds(w_base, c)], idx_a)
        gather_a().start()

        def body(i, carry):
            base_a = w_base + (2 * i) * c
            base_b = base_a + c
            pltpu.sync_copy(idx_hbm.at[pl.ds(base_b, c)], idx_b)
            gather_b().start()
            gather_a().wait()
            pltpu.sync_copy(rows_a, out_hbm.at[pl.ds(base_a, c)])

            @pl.when(i + 1 < n_pairs)
            def _():
                pltpu.sync_copy(idx_hbm.at[pl.ds(base_b + c, c)], idx_a)
                gather_a().start()

            gather_b().wait()
            pltpu.sync_copy(rows_b, out_hbm.at[pl.ds(base_b, c)])
            return carry

        lax.fori_loop(0, n_pairs, body, 0)

    return k(table, idx)



def _attn_body(x_ref, ea_ref, kvg_ref, wq_ref, we1_ref, we2y_ref, be2l_ref,
               t32_ref, gsum_ref, gsum2_ref, m2_ref,
               mh_ref, mj_ref, me2_ref, mj2_ref, out_ref):
    b = x_ref.shape[0]
    r = b * DEG
    f32 = jnp.float32
    bf16 = jnp.bfloat16

    xb = x_ref[...].astype(bf16)
    q = jnp.dot(xb, wq_ref[...], preferred_element_type=f32)
    qb = q.astype(bf16)
    q_rows = jnp.broadcast_to(qb[:, None, :], (b, DEG, D)).reshape(r, D)
    qtile = jnp.dot(q_rows * mh_ref[...], t32_ref[...],
                    preferred_element_type=f32)

    ea = ea_ref[...].astype(bf16)
    e1 = jnp.dot(ea, we1_ref[...], preferred_element_type=f32)
    e2y = jnp.dot(ea, we2y_ref[...], preferred_element_type=f32)

    kvg = lax.bitcast_convert_type(kvg_ref[...], jnp.uint32)
    kg = lax.bitcast_convert_type((kvg & 0xFFFF).astype(jnp.uint16), bf16)
    vg = lax.bitcast_convert_type((kvg >> 16).astype(jnp.uint16), bf16)

    t = (e1 * qtile).astype(bf16) * kg
    cs = jnp.dot(t, gsum_ref[...], preferred_element_type=f32)
    contrib = cs * mj_ref[...] + e2y * me2_ref[...]
    logits = jnp.clip(contrib.reshape(b, DEG, D).sum(axis=1) + be2l_ref[...],
                      -8.0, 8.0)
    num = jnp.exp(logits)
    den = jnp.dot(num.astype(bf16), gsum2_ref[...],
                  preferred_element_type=f32)
    p2 = num / den

    pb = p2.astype(bf16)
    p_rows = jnp.broadcast_to(pb[:, None, :], (b, DEG, D)).reshape(r, D)
    w = jnp.dot(p_rows * mj2_ref[...], m2_ref[...],
                preferred_element_type=f32)
    out_ref[...] = (w * vg.astype(f32)).reshape(b, DEG, D).sum(axis=1)


_ATTN_B = 200


def _attn_slice(x, edge_attr, kvg_s, weights, consts, s):
    b = _ATTN_B
    r = b * DEG
    grid = NODES_PER_SLICE // b
    off = s * (NODES_PER_SLICE // b)
    const_specs = [
        pl.BlockSpec(cc.shape, lambda i: tuple(0 for _ in cc.shape))
        for cc in consts
    ]
    wq, we1, we2y, be2l = weights
    return pl.pallas_call(
        _attn_body,
        grid=(grid,),
        in_specs=[
            pl.BlockSpec((b, D), lambda i: (off + i, 0)),
            pl.BlockSpec((r, D), lambda i: (off + i, 0)),
            pl.BlockSpec((r, D), lambda i: (i, 0)),
            pl.BlockSpec((D, D), lambda i: (0, 0)),
            pl.BlockSpec((D, D), lambda i: (0, 0)),
            pl.BlockSpec((D, D), lambda i: (0, 0)),
            pl.BlockSpec((1, D), lambda i: (0, 0)),
        ] + const_specs,
        out_specs=pl.BlockSpec((b, D), lambda i: (i, 0)),
        out_shape=jax.ShapeDtypeStruct((NODES_PER_SLICE, D), jnp.float32),
    )(x, edge_attr, kvg_s, wq, we1, we2y, be2l, *consts)


def _make_consts():
    f32 = jnp.float32
    bf16 = jnp.bfloat16
    r = _ATTN_B * DEG
    row = jax.lax.broadcasted_iota(jnp.int32, (r, D), 0) % 32
    lane = jax.lax.broadcasted_iota(jnp.int32, (r, D), 1)
    s1 = jax.lax.broadcasted_iota(jnp.int32, (D, D), 0)
    s2 = jax.lax.broadcasted_iota(jnp.int32, (D, D), 1)

    t32 = (s1 % 32 == s2 % 32).astype(bf16)
    gsum = (s1 // 32 == s2 // 32).astype(bf16)
    gsum2 = ((s1 % 32) // 8 == (s2 % 32) // 8).astype(bf16)
    m2 = (s2 // 32 == (s1 % 32) // 8).astype(bf16)
    mask_h = (lane // 32 == row // 8).astype(bf16)
    mask_j = (lane % 32 == row).astype(f32)
    mask_e2 = ((lane // 32 == row % 4)
               & (lane % 32 % 8 == row // 4)).astype(f32)
    mask_j2 = ((lane % 32 % 8) * 4 + lane // 32 == row).astype(bf16)
    return (t32, gsum, gsum2, m2, mask_h, mask_j, mask_e2, mask_j2)



def kernel(x, edge_index, edge_attr, WQ, WK, WV, WE1, WE2, bE2):
    idx = edge_index[0].astype(jnp.int32)
    wkv = jnp.concatenate([WK, WV], axis=1)
    lanes = jnp.arange(D)
    we2y = WE2[:, (lanes % 32) // 8].astype(jnp.bfloat16)
    be2l = bE2[(lanes % 32) // 8].reshape(1, D)
    weights = (WQ.astype(jnp.bfloat16), WE1.astype(jnp.bfloat16), we2y, be2l)
    consts = _make_consts()

    kv = _proj(x, wkv)
    outs = []
    for s in range(N_SLICES):
        idx_s = lax.dynamic_slice_in_dim(idx, s * EDGES_PER_SLICE,
                                         EDGES_PER_SLICE)
        kvg_s = _sc_gather(kv, idx_s, EDGES_PER_SLICE)
        outs.append(_attn_slice(x, edge_attr, kvg_s, weights, consts, s))
    return jnp.concatenate(outs, axis=0)

# --- scband reference (transcript-rebuilt; emitter-appended) ---
"""Pipeline reference for scband-spexphormer-attention-79774722556001 (READ-ONLY COPY).

The authoritative reference and input builder live on the scoring server;
editing this copy changes nothing except your own understanding.
"""

import jax, jax.numpy as jnp
import numpy as np

N1 = 10000
N2 = 10000
DEG = 32
IN_DIM = 128
H = 4
DH = 32  # out_dim // num_heads = 128 // 4
E = N2 * DEG


def setup_inputs(seed: int = 0) -> dict:
    key = jax.random.key(seed)
    ks = jax.random.split(key, 10)
    x = jax.random.normal(ks[0], (N1, IN_DIM), dtype=jnp.float32)
    edge_index = jax.random.randint(ks[1], (2, E), 0, N1, dtype=jnp.int64)
    edge_attr = jax.random.normal(ks[2], (E, IN_DIM), dtype=jnp.float32)
    s = 1.0 / np.sqrt(IN_DIM)
    WQ = jax.random.uniform(ks[3], (IN_DIM, H * DH), dtype=jnp.float32, minval=-s, maxval=s)
    WK = jax.random.uniform(ks[4], (IN_DIM, H * DH), dtype=jnp.float32, minval=-s, maxval=s)
    WV = jax.random.uniform(ks[5], (IN_DIM, H * DH), dtype=jnp.float32, minval=-s, maxval=s)
    WE1 = jax.random.uniform(ks[6], (IN_DIM, H * DH), dtype=jnp.float32, minval=-s, maxval=s)
    WE2 = jax.random.uniform(ks[7], (IN_DIM, H), dtype=jnp.float32, minval=-s, maxval=s)
    bE2 = jax.random.uniform(ks[8], (H,), dtype=jnp.float32, minval=-s, maxval=s)
    return {"x": x, "edge_index": edge_index, "edge_attr": edge_attr,
            "WQ": WQ, "WK": WK, "WV": WV, "WE1": WE1, "WE2": WE2, "bE2": bE2}


def reference(x, edge_index, edge_attr, WQ, WK, WV, WE1, WE2, bE2):
    n2 = N2
    deg = edge_index.shape[1] // n2
    Q_h = (x[:n2] @ WQ).reshape(-1, H, DH)
    K_h = (x @ WK).reshape(-1, H, DH)
    V_h = (x @ WV).reshape(-1, H, DH)
    E1 = (edge_attr @ WE1).reshape(n2, deg, H, DH)
    E2 = (edge_attr @ WE2 + bE2).reshape(n2, deg, H, 1)
    neighbors = edge_index[0, :].reshape(n2, deg)
    K_g = K_h[neighbors]  # [n2, deg, H, DH] gather
    V_g = V_h[neighbors]  # [n2, deg, H, DH] gather
    score = E1 * K_g
    score = jnp.matmul(score.reshape(-1, deg, DH), Q_h.reshape(-1, DH, 1))
    score = score.reshape(-1, H, deg)
    score = score + jnp.transpose(jnp.squeeze(E2, -1), (0, 2, 1))
    score = jnp.clip(score, -8.0, 8.0)
    score = jax.nn.softmax(score, axis=-1)
    V_p = jnp.transpose(V_g, (0, 2, 1, 3))  # [n2, H, deg, DH]
    h_out = (score[..., None] * V_p).sum(axis=2)
    return h_out.reshape(n2, -1)

if __name__ == "__main__":
    import jax
    _d = setup_inputs()
    print(jax.jit(kernel)(*tuple(_d.values())))

</pallas_src>

<mosaic_0001>
#map = affine_map<(d0, d1) -> (0, 0)>
#map1 = affine_map<(d0, d1) -> (0)>
module attributes {stable_mosaic.version = 14 : i64} {
  func.func @k(%arg0: i32, %arg1: i32, %arg2: memref<10000x128xi32, #tpu.memory_space<hbm>>, %arg3: memref<64000xi32, #tpu.memory_space<hbm>>, %arg4: memref<64000x128xi32, #tpu.memory_space<hbm>>, %arg5: memref<200xi32, #tpu.memory_space<vmem>>, %arg6: memref<200xi32, #tpu.memory_space<vmem>>, %arg7: memref<200x128xi32, #tpu.memory_space<vmem>>, %arg8: memref<200x128xi32, #tpu.memory_space<vmem>>, %arg9: memref<!tpu.dma_semaphore, #tpu.memory_space<semaphore_mem>>, %arg10: memref<!tpu.dma_semaphore, #tpu.memory_space<semaphore_mem>>) attributes {dimension_semantics = [#tpu.dimension_semantics<core_parallel>, #tpu.dimension_semantics<subcore_parallel>], iteration_bounds = array<i64: 2, 16>, scalar_prefetch = 0 : i64, scratch_operands = 6 : i64, tpu.core_type = #tpu.core_type<sc_vector_subcore>, window_params = [{transform_indices = #map}, {transform_indices = #map1}, {transform_indices = #map}]} {
    %mul3A = arith.constant 2 : i32
    %mul3A_0 = arith.muli %arg1, %mul3A : i32
    %add3A = arith.addi %mul3A_0, %arg0 : i32
    %mul3A_1 = arith.constant 2000 : i32
    %mul3A_2 = arith.muli %add3A, %mul3A_1 : i32
    "tpu.region"() ({
      %run_scoped3A = tpu.sem_alloc : memref<!tpu.dma_semaphore, #tpu.memory_space<semaphore_mem>>
      %dma_start3A_10 = tpu.memref_slice %arg3[%mul3A_2] : memref<64000xi32, #tpu.memory_space<hbm>> -> memref<200xi32, #tpu.memory_space<hbm>>
      %dma_start3A_11 = tpu.memref_slice %arg3[%mul3A_2] : memref<64000xi32, #tpu.memory_space<hbm>> -> memref<200xi32, #tpu.memory_space<hbm>>
      tpu.enqueue_dma source(%dma_start3A_11 : memref<200xi32, #tpu.memory_space<hbm>>) target(%arg5 : memref<200xi32, #tpu.memory_space<vmem>>) target_semaphore(%run_scoped3A : memref<!tpu.dma_semaphore, #tpu.memory_space<semaphore_mem>>)
      %dma_wait3A = tpu.memref_slice %arg3[%mul3A_2] : memref<64000xi32, #tpu.memory_space<hbm>> -> memref<200xi32, #tpu.memory_space<hbm>>
      %dma_wait3A_12 = tpu.memref_slice %arg3[%mul3A_2] : memref<64000xi32, #tpu.memory_space<hbm>> -> memref<200xi32, #tpu.memory_space<hbm>>
      tpu.wait_dma2 semaphore(%run_scoped3A : memref<!tpu.dma_semaphore, #tpu.memory_space<semaphore_mem>>) src(%dma_wait3A_12 : memref<200xi32, #tpu.memory_space<hbm>>) dst(%arg5 : memref<200xi32, #tpu.memory_space<vmem>>)
      tpu.yield
    }) : () -> ()
    %dma_start3A = arith.constant 0 : i32
    %dma_start3A_3 = arith.constant 0 : i32
    %dma_start3A_4 = tpu.memref_slice %arg2[%dma_start3A, %dma_start3A_3] : memref<10000x128xi32, #tpu.memory_space<hbm>> -> memref<10000x128xi32, #tpu.memory_space<hbm>>
    tpu.enqueue_indirect_dma source(%dma_start3A_4 : memref<10000x128xi32, #tpu.memory_space<hbm>>) target(%arg7 : memref<200x128xi32, #tpu.memory_space<vmem>>) offsets(%arg5 : memref<200xi32, #tpu.memory_space<vmem>>) semaphore(%arg9 : memref<!tpu.dma_semaphore, #tpu.memory_space<semaphore_mem>>)
    %scan3A = arith.constant 0 : i32
    %scan3A_5 = arith.constant 0 : i32
    %scan3A_6 = arith.constant 5 : i32
    %scan3A_7 = arith.addi %scan3A_5, %scan3A_6 : i32
    %scan3A_8 = arith.constant 1 : i32
    scf.for %scan3A_10 = %scan3A_5 to %scan3A_7 step %scan3A_8  : i32 {
      %mul3A_11 = arith.constant 2 : i32
      %mul3A_12 = arith.muli %mul3A_11, %scan3A_10 : i32
      %mul3A_13 = arith.constant 200 : i32
      %mul3A_14 = arith.muli %mul3A_12, %mul3A_13 : i32
      %add3A_15 = arith.addi %mul3A_2, %mul3A_14 : i32
      %add3A_16 = arith.constant 200 : i32
      %add3A_17 = arith.addi %add3A_15, %add3A_16 : i32
      "tpu.region"() ({
        %run_scoped3A = tpu.sem_alloc : memref<!tpu.dma_semaphore, #tpu.memory_space<semaphore_mem>>
        %dma_start3A_30 = tpu.memref_slice %arg3[%add3A_17] : memref<64000xi32, #tpu.memory_space<hbm>> -> memref<200xi32, #tpu.memory_space<hbm>>
        %dma_start3A_31 = tpu.memref_slice %arg3[%add3A_17] : memref<64000xi32, #tpu.memory_space<hbm>> -> memref<200xi32, #tpu.memory_space<hbm>>
        tpu.enqueue_dma source(%dma_start3A_31 : memref<200xi32, #tpu.memory_space<hbm>>) target(%arg6 : memref<200xi32, #tpu.memory_space<vmem>>) target_semaphore(%run_scoped3A : memref<!tpu.dma_semaphore, #tpu.memory_space<semaphore_mem>>)
        %dma_wait3A_32 = tpu.memref_slice %arg3[%add3A_17] : memref<64000xi32, #tpu.memory_space<hbm>> -> memref<200xi32, #tpu.memory_space<hbm>>
        %dma_wait3A_33 = tpu.memref_slice %arg3[%add3A_17] : memref<64000xi32, #tpu.memory_space<hbm>> -> memref<200xi32, #tpu.memory_space<hbm>>
        tpu.wait_dma2 semaphore(%run_scoped3A : memref<!tpu.dma_semaphore, #tpu.memory_space<semaphore_mem>>) src(%dma_wait3A_33 : memref<200xi32, #tpu.memory_space<hbm>>) dst(%arg6 : memref<200xi32, #tpu.memory_space<vmem>>)
        tpu.yield
      }) : () -> ()
      %dma_start3A_18 = arith.constant 0 : i32
      %dma_start3A_19 = arith.constant 0 : i32
      %dma_start3A_20 = tpu.memref_slice %arg2[%dma_start3A_18, %dma_start3A_19] : memref<10000x128xi32, #tpu.memory_space<hbm>> -> memref<10000x128xi32, #tpu.memory_space<hbm>>
      tpu.enqueue_indirect_dma source(%dma_start3A_20 : memref<10000x128xi32, #tpu.memory_space<hbm>>) target(%arg8 : memref<200x128xi32, #tpu.memory_space<vmem>>) offsets(%arg6 : memref<200xi32, #tpu.memory_space<vmem>>) semaphore(%arg10 : memref<!tpu.dma_semaphore, #tpu.memory_space<semaphore_mem>>)
      %dma_wait3A = arith.constant 0 : i32
      %dma_wait3A_21 = arith.constant 0 : i32
      %dma_wait3A_22 = tpu.memref_slice %arg2[%dma_wait3A, %dma_wait3A_21] : memref<10000x128xi32, #tpu.memory_space<hbm>> -> memref<10000x128xi32, #tpu.memory_space<hbm>>
      tpu.wait_indirect_dma semaphore(%arg9 : memref<!tpu.dma_semaphore, #tpu.memory_space<semaphore_mem>>) src(%dma_wait3A_22 : memref<10000x128xi32, #tpu.memory_space<hbm>>) dst(%arg7 : memref<200x128xi32, #tpu.memory_space<vmem>>)
      "tpu.region"() ({
        %run_scoped3A = tpu.sem_alloc : memref<!tpu.dma_semaphore, #tpu.memory_space<semaphore_mem>>
        %dma_start3A_30 = arith.constant 0 : i32
        %dma_start3A_31 = tpu.memref_slice %arg4[%add3A_15, %dma_start3A_30] : memref<64000x128xi32, #tpu.memory_space<hbm>> -> memref<200x128xi32, #tpu.memory_space<hbm>>
        %dma_start3A_32 = arith.constant 0 : i32
        %dma_start3A_33 = tpu.memref_slice %arg4[%add3A_15, %dma_start3A_32] : memref<64000x128xi32, #tpu.memory_space<hbm>> -> memref<200x128xi32, #tpu.memory_space<hbm>>
        tpu.enqueue_dma source(%arg7 : memref<200x128xi32, #tpu.memory_space<vmem>>) target(%dma_start3A_33 : memref<200x128xi32, #tpu.memory_space<hbm>>) target_semaphore(%run_scoped3A : memref<!tpu.dma_semaphore, #tpu.memory_space<semaphore_mem>>)
        %dma_wait3A_34 = arith.constant 0 : i32
        %dma_wait3A_35 = tpu.memref_slice %arg4[%add3A_15, %dma_wait3A_34] : memref<64000x128xi32, #tpu.memory_space<hbm>> -> memref<200x128xi32, #tpu.memory_space<hbm>>
        %dma_wait3A_36 = arith.constant 0 : i32
        %dma_wait3A_37 = tpu.memref_slice %arg4[%add3A_15, %dma_wait3A_36] : memref<64000x128xi32, #tpu.memory_space<hbm>> -> memref<200x128xi32, #tpu.memory_space<hbm>>
        tpu.wait_dma2 semaphore(%run_scoped3A : memref<!tpu.dma_semaphore, #tpu.memory_space<semaphore_mem>>) src(%arg7 : memref<200x128xi32, #tpu.memory_space<vmem>>) dst(%dma_wait3A_37 : memref<200x128xi32, #tpu.memory_space<hbm>>)
        tpu.yield
      }) : () -> ()
      %add3A_23 = arith.constant 1 : i32
      %add3A_24 = arith.addi %scan3A_10, %add3A_23 : i32
      %lt3A = arith.constant 5 : i32
      %lt3A_25 = arith.cmpi slt, %add3A_24, %lt3A : i32
      %convert_element_type3A = arith.extui %lt3A_25 : i1 to i32
      %cond3A = arith.constant 0 : i32
      %cond3A_26 = arith.cmpi ne, %convert_element_type3A, %cond3A : i32
      scf.if %cond3A_26 {
        %add3A_30 = arith.constant 200 : i32
        %add3A_31 = arith.addi %add3A_17, %add3A_30 : i32
        "tpu.region"() ({
          %run_scoped3A = tpu.sem_alloc : memref<!tpu.dma_semaphore, #tpu.memory_space<semaphore_mem>>
          %dma_start3A_35 = tpu.memref_slice %arg3[%add3A_31] : memref<64000xi32, #tpu.memory_space<hbm>> -> memref<200xi32, #tpu.memory_space<hbm>>
          %dma_start3A_36 = tpu.memref_slice %arg3[%add3A_31] : memref<64000xi32, #tpu.memory_space<hbm>> -> memref<200xi32, #tpu.memory_space<hbm>>
          tpu.enqueue_dma source(%dma_start3A_36 : memref<200xi32, #tpu.memory_space<hbm>>) target(%arg5 : memref<200xi32, #tpu.memory_space<vmem>>) target_semaphore(%run_scoped3A : memref<!tpu.dma_semaphore, #tpu.memory_space<semaphore_mem>>)
          %dma_wait3A_37 = tpu.memref_slice %arg3[%add3A_31] : memref<64000xi32, #tpu.memory_space<hbm>> -> memref<200xi32, #tpu.memory_space<hbm>>
          %dma_wait3A_38 = tpu.memref_slice %arg3[%add3A_31] : memref<64000xi32, #tpu.memory_space<hbm>> -> memref<200xi32, #tpu.memory_space<hbm>>
          tpu.wait_dma2 semaphore(%run_scoped3A : memref<!tpu.dma_semaphore, #tpu.memory_space<semaphore_mem>>) src(%dma_wait3A_38 : memref<200xi32, #tpu.memory_space<hbm>>) dst(%arg5 : memref<200xi32, #tpu.memory_space<vmem>>)
          tpu.yield
        }) : () -> ()
        %dma_start3A_32 = arith.constant 0 : i32
        %dma_start3A_33 = arith.constant 0 : i32
        %dma_start3A_34 = tpu.memref_slice %arg2[%dma_start3A_32, %dma_start3A_33] : memref<10000x128xi32, #tpu.memory_space<hbm>> -> memref<10000x128xi32, #tpu.memory_space<hbm>>
        tpu.enqueue_indirect_dma source(%dma_start3A_34 : memref<10000x128xi32, #tpu.memory_space<hbm>>) target(%arg7 : memref<200x128xi32, #tpu.memory_space<vmem>>) offsets(%arg5 : memref<200xi32, #tpu.memory_space<vmem>>) semaphore(%arg9 : memref<!tpu.dma_semaphore, #tpu.memory_space<semaphore_mem>>)
      } else {
      }
      %dma_wait3A_27 = arith.constant 0 : i32
      %dma_wait3A_28 = arith.constant 0 : i32
      %dma_wait3A_29 = tpu.memref_slice %arg2[%dma_wait3A_27, %dma_wait3A_28] : memref<10000x128xi32, #tpu.memory_space<hbm>> -> memref<10000x128xi32, #tpu.memory_space<hbm>>
      tpu.wait_indirect_dma semaphore(%arg10 : memref<!tpu.dma_semaphore, #tpu.memory_space<semaphore_mem>>) src(%dma_wait3A_29 : memref<10000x128xi32, #tpu.memory_space<hbm>>) dst(%arg8 : memref<200x128xi32, #tpu.memory_space<vmem>>)
      "tpu.region"() ({
        %run_scoped3A = tpu.sem_alloc : memref<!tpu.dma_semaphore, #tpu.memory_space<semaphore_mem>>
        %dma_start3A_30 = arith.constant 0 : i32
        %dma_start3A_31 = tpu.memref_slice %arg4[%add3A_17, %dma_start3A_30] : memref<64000x128xi32, #tpu.memory_space<hbm>> -> memref<200x128xi32, #tpu.memory_space<hbm>>
        %dma_start3A_32 = arith.constant 0 : i32
        %dma_start3A_33 = tpu.memref_slice %arg4[%add3A_17, %dma_start3A_32] : memref<64000x128xi32, #tpu.memory_space<hbm>> -> memref<200x128xi32, #tpu.memory_space<hbm>>
        tpu.enqueue_dma source(%arg8 : memref<200x128xi32, #tpu.memory_space<vmem>>) target(%dma_start3A_33 : memref<200x128xi32, #tpu.memory_space<hbm>>) target_semaphore(%run_scoped3A : memref<!tpu.dma_semaphore, #tpu.memory_space<semaphore_mem>>)
        %dma_wait3A_34 = arith.constant 0 : i32
        %dma_wait3A_35 = tpu.memref_slice %arg4[%add3A_17, %dma_wait3A_34] : memref<64000x128xi32, #tpu.memory_space<hbm>> -> memref<200x128xi32, #tpu.memory_space<hbm>>
        %dma_wait3A_36 = arith.constant 0 : i32
        %dma_wait3A_37 = tpu.memref_slice %arg4[%add3A_17, %dma_wait3A_36] : memref<64000x128xi32, #tpu.memory_space<hbm>> -> memref<200x128xi32, #tpu.memory_space<hbm>>
        tpu.wait_dma2 semaphore(%run_scoped3A : memref<!tpu.dma_semaphore, #tpu.memory_space<semaphore_mem>>) src(%arg8 : memref<200x128xi32, #tpu.memory_space<vmem>>) dst(%dma_wait3A_37 : memref<200x128xi32, #tpu.memory_space<hbm>>)
        tpu.yield
      }) : () -> ()
    }
    %scan3A_9 = arith.constant 5 : i32
    return
  }
}

#map = affine_map<(d0, d1) -> (0, 0)>
#map1 = affine_map<(d0, d1) -> (0)>
module attributes {stable_mosaic.version = 14 : i64} {
  func.func @k(%arg0: i32, %arg1: i32, %arg2: memref<10000x128xi32, #tpu.memory_space<hbm>>, %arg3: memref<64000xi32, #tpu.memory_space<hbm>>, %arg4: memref<64000x128xi32, #tpu.memory_space<hbm>>, %arg5: memref<200xi32, #tpu.memory_space<vmem>>, %arg6: memref<200xi32, #tpu.memory_space<vmem>>, %arg7: memref<200x128xi32, #tpu.memory_space<vmem>>, %arg8: memref<200x128xi32, #tpu.memory_space<vmem>>, %arg9: memref<!tpu.dma_semaphore, #tpu.memory_space<semaphore_mem>>, %arg10: memref<!tpu.dma_semaphore, #tpu.memory_space<semaphore_mem>>) attributes {dimension_semantics = [#tpu.dimension_semantics<core_parallel>, #tpu.dimension_semantics<subcore_parallel>], iteration_bounds = array<i64: 2, 16>, scalar_prefetch = 0 : i64, scratch_operands = 6 : i64, tpu.core_type = #tpu.core_type<sc_vector_subcore>, window_params = [{transform_indices = #map}, {transform_indices = #map1}, {transform_indices = #map}]} {
    %mul3A = arith.constant 2 : i32
    %mul3A_0 = arith.muli %arg1, %mul3A : i32
    %add3A = arith.addi %mul3A_0, %arg0 : i32
    %mul3A_1 = arith.constant 2000 : i32
    %mul3A_2 = arith.muli %add3A, %mul3A_1 : i32
    "tpu.region"() ({
      %run_scoped3A = tpu.sem_alloc : memref<!tpu.dma_semaphore, #tpu.memory_space<semaphore_mem>>
      %dma_start3A_10 = tpu.memref_slice %arg3[%mul3A_2] : memref<64000xi32, #tpu.memory_space<hbm>> -> memref<200xi32, #tpu.memory_space<hbm>>
      %dma_start3A_11 = tpu.memref_slice %arg3[%mul3A_2] : memref<64000xi32, #tpu.memory_space<hbm>> -> memref<200xi32, #tpu.memory_space<hbm>>
      tpu.enqueue_dma source(%dma_start3A_11 : memref<200xi32, #tpu.memory_space<hbm>>) target(%arg5 : memref<200xi32, #tpu.memory_space<vmem>>) target_semaphore(%run_scoped3A : memref<!tpu.dma_semaphore, #tpu.memory_space<semaphore_mem>>)
      %dma_wait3A = tpu.memref_slice %arg3[%mul3A_2] : memref<64000xi32, #tpu.memory_space<hbm>> -> memref<200xi32, #tpu.memory_space<hbm>>
      %dma_wait3A_12 = tpu.memref_slice %arg3[%mul3A_2] : memref<64000xi32, #tpu.memory_space<hbm>> -> memref<200xi32, #tpu.memory_space<hbm>>
      tpu.wait_dma2 semaphore(%run_scoped3A : memref<!tpu.dma_semaphore, #tpu.memory_space<semaphore_mem>>) src(%dma_wait3A_12 : memref<200xi32, #tpu.memory_space<hbm>>) dst(%arg5 : memref<200xi32, #tpu.memory_space<vmem>>)
      tpu.yield
    }) : () -> ()
    %dma_start3A = arith.constant 0 : i32
    %dma_start3A_3 = arith.constant 0 : i32
    %dma_start3A_4 = tpu.memref_slice %arg2[%dma_start3A, %dma_start3A_3] : memref<10000x128xi32, #tpu.memory_space<hbm>> -> memref<10000x128xi32, #tpu.memory_space<hbm>>
    tpu.enqueue_indirect_dma source(%dma_start3A_4 : memref<10000x128xi32, #tpu.memory_space<hbm>>) target(%arg7 : memref<200x128xi32, #tpu.memory_space<vmem>>) offsets(%arg5 : memref<200xi32, #tpu.memory_space<vmem>>) semaphore(%arg9 : memref<!tpu.dma_semaphore, #tpu.memory_space<semaphore_mem>>)
    %scan3A = arith.constant 0 : i32
    %scan3A_5 = arith.constant 0 : i32
    %scan3A_6 = arith.constant 5 : i32
    %scan3A_7 = arith.addi %scan3A_5, %scan3A_6 : i32
    %scan3A_8 = arith.constant 1 : i32
    scf.for %scan3A_10 = %scan3A_5 to %scan3A_7 step %scan3A_8  : i32 {
      %mul3A_11 = arith.constant 2 : i32
      %mul3A_12 = arith.muli %mul3A_11, %scan3A_10 : i32
      %mul3A_13 = arith.constant 200 : i32
      %mul3A_14 = arith.muli %mul3A_12, %mul3A_13 : i32
      %add3A_15 = arith.addi %mul3A_2, %mul3A_14 : i32
      %add3A_16 = arith.constant 200 : i32
      %add3A_17 = arith.addi %add3A_15, %add3A_16 : i32
      "tpu.region"() ({
        %run_scoped3A = tpu.sem_alloc : memref<!tpu.dma_semaphore, #tpu.memory_space<semaphore_mem>>
        %dma_start3A_30 = tpu.memref_slice %arg3[%add3A_17] : memref<64000xi32, #tpu.memory_space<hbm>> -> memref<200xi32, #tpu.memory_space<hbm>>
        %dma_start3A_31 = tpu.memref_slice %arg3[%add3A_17] : memref<64000xi32, #tpu.memory_space<hbm>> -> memref<200xi32, #tpu.memory_space<hbm>>
        tpu.enqueue_dma source(%dma_start3A_31 : memref<200xi32, #tpu.memory_space<hbm>>) target(%arg6 : memref<200xi32, #tpu.memory_space<vmem>>) target_semaphore(%run_scoped3A : memref<!tpu.dma_semaphore, #tpu.memory_space<semaphore_mem>>)
        %dma_wait3A_32 = tpu.memref_slice %arg3[%add3A_17] : memref<64000xi32, #tpu.memory_space<hbm>> -> memref<200xi32, #tpu.memory_space<hbm>>
        %dma_wait3A_33 = tpu.memref_slice %arg3[%add3A_17] : memref<64000xi32, #tpu.memory_space<hbm>> -> memref<200xi32, #tpu.memory_space<hbm>>
        tpu.wait_dma2 semaphore(%run_scoped3A : memref<!tpu.dma_semaphore, #tpu.memory_space<semaphore_mem>>) src(%dma_wait3A_33 : memref<200xi32, #tpu.memory_space<hbm>>) dst(%arg6 : memref<200xi32, #tpu.memory_space<vmem>>)
        tpu.yield
      }) : () -> ()
      %dma_start3A_18 = arith.constant 0 : i32
      %dma_start3A_19 = arith.constant 0 : i32
      %dma_start3A_20 = tpu.memref_slice %arg2[%dma_start3A_18, %dma_start3A_19] : memref<10000x128xi32, #tpu.memory_space<hbm>> -> memref<10000x128xi32, #tpu.memory_space<hbm>>
      tpu.enqueue_indirect_dma source(%dma_start3A_20 : memref<10000x128xi32, #tpu.memory_space<hbm>>) target(%arg8 : memref<200x128xi32, #tpu.memory_space<vmem>>) offsets(%arg6 : memref<200xi32, #tpu.memory_space<vmem>>) semaphore(%arg10 : memref<!tpu.dma_semaphore, #tpu.memory_space<semaphore_mem>>)
      %dma_wait3A = arith.constant 0 : i32
      %dma_wait3A_21 = arith.constant 0 : i32
      %dma_wait3A_22 = tpu.memref_slice %arg2[%dma_wait3A, %dma_wait3A_21] : memref<10000x128xi32, #tpu.memory_space<hbm>> -> memref<10000x128xi32, #tpu.memory_space<hbm>>
      tpu.wait_indirect_dma semaphore(%arg9 : memref<!tpu.dma_semaphore, #tpu.memory_space<semaphore_mem>>) src(%dma_wait3A_22 : memref<10000x128xi32, #tpu.memory_space<hbm>>) dst(%arg7 : memref<200x128xi32, #tpu.memory_space<vmem>>)
      "tpu.region"() ({
        %run_scoped3A = tpu.sem_alloc : memref<!tpu.dma_semaphore, #tpu.memory_space<semaphore_mem>>
        %dma_start3A_30 = arith.constant 0 : i32
        %dma_start3A_31 = tpu.memref_slice %arg4[%add3A_15, %dma_start3A_30] : memref<64000x128xi32, #tpu.memory_space<hbm>> -> memref<200x128xi32, #tpu.memory_space<hbm>>
        %dma_start3A_32 = arith.constant 0 : i32
        %dma_start3A_33 = tpu.memref_slice %arg4[%add3A_15, %dma_start3A_32] : memref<64000x128xi32, #tpu.memory_space<hbm>> -> memref<200x128xi32, #tpu.memory_space<hbm>>
        tpu.enqueue_dma source(%arg7 : memref<200x128xi32, #tpu.memory_space<vmem>>) target(%dma_start3A_33 : memref<200x128xi32, #tpu.memory_space<hbm>>) target_semaphore(%run_scoped3A : memref<!tpu.dma_semaphore, #tpu.memory_space<semaphore_mem>>)
        %dma_wait3A_34 = arith.constant 0 : i32
        %dma_wait3A_35 = tpu.memref_slice %arg4[%add3A_15, %dma_wait3A_34] : memref<64000x128xi32, #tpu.memory_space<hbm>> -> memref<200x128xi32, #tpu.memory_space<hbm>>
        %dma_wait3A_36 = arith.constant 0 : i32
        %dma_wait3A_37 = tpu.memref_slice %arg4[%add3A_15, %dma_wait3A_36] : memref<64000x128xi32, #tpu.memory_space<hbm>> -> memref<200x128xi32, #tpu.memory_space<hbm>>
        tpu.wait_dma2 semaphore(%run_scoped3A : memref<!tpu.dma_semaphore, #tpu.memory_space<semaphore_mem>>) src(%arg7 : memref<200x128xi32, #tpu.memory_space<vmem>>) dst(%dma_wait3A_37 : memref<200x128xi32, #tpu.memory_space<hbm>>)
        tpu.yield
      }) : () -> ()
      %add3A_23 = arith.constant 1 : i32
      %add3A_24 = arith.addi %scan3A_10, %add3A_23 : i32
      %lt3A = arith.constant 5 : i32
      %lt3A_25 = arith.cmpi slt, %add3A_24, %lt3A : i32
      %convert_element_type3A = arith.extui %lt3A_25 : i1 to i32
      %cond3A = arith.constant 0 : i32
      %cond3A_26 = arith.cmpi ne, %convert_element_type3A, %cond3A : i32
      scf.if %cond3A_26 {
        %add3A_30 = arith.constant 200 : i32
        %add3A_31 = arith.addi %add3A_17, %add3A_30 : i32
        "tpu.region"() ({
          %run_scoped3A = tpu.sem_alloc : memref<!tpu.dma_semaphore, #tpu.memory_space<semaphore_mem>>
          %dma_start3A_35 = tpu.memref_slice %arg3[%add3A_31] : memref<64000xi32, #tpu.memory_space<hbm>> -> memref<200xi32, #tpu.memory_space<hbm>>
          %dma_start3A_36 = tpu.memref_slice %arg3[%add3A_31] : memref<64000xi32, #tpu.memory_space<hbm>> -> memref<200xi32, #tpu.memory_space<hbm>>
          tpu.enqueue_dma source(%dma_start3A_36 : memref<200xi32, #tpu.memory_space<hbm>>) target(%arg5 : memref<200xi32, #tpu.memory_space<vmem>>) target_semaphore(%run_scoped3A : memref<!tpu.dma_semaphore, #tpu.memory_space<semaphore_mem>>)
          %dma_wait3A_37 = tpu.memref_slice %arg3[%add3A_31] : memref<64000xi32, #tpu.memory_space<hbm>> -> memref<200xi32, #tpu.memory_space<hbm>>
          %dma_wait3A_38 = tpu.memref_slice %arg3[%add3A_31] : memref<64000xi32, #tpu.memory_space<hbm>> -> memref<200xi32, #tpu.memory_space<hbm>>
          tpu.wait_dma2 semaphore(%run_scoped3A : memref<!tpu.dma_semaphore, #tpu.memory_space<semaphore_mem>>) src(%dma_wait3A_38 : memref<200xi32, #tpu.memory_space<hbm>>) dst(%arg5 : memref<200xi32, #tpu.memory_space<vmem>>)
          tpu.yield
        }) : () -> ()
        %dma_start3A_32 = arith.constant 0 : i32
        %dma_start3A_33 = arith.constant 0 : i32
        %dma_start3A_34 = tpu.memref_slice %arg2[%dma_start3A_32, %dma_start3A_33] : memref<10000x128xi32, #tpu.memory_space<hbm>> -> memref<10000x128xi32, #tpu.memory_space<hbm>>
        tpu.enqueue_indirect_dma source(%dma_start3A_34 : memref<10000x128xi32, #tpu.memory_space<hbm>>) target(%arg7 : memref<200x128xi32, #tpu.memory_space<vmem>>) offsets(%arg5 : memref<200xi32, #tpu.memory_space<vmem>>) semaphore(%arg9 : memref<!tpu.dma_semaphore, #tpu.memory_space<semaphore_mem>>)
      } else {
      }
      %dma_wait3A_27 = arith.constant 0 : i32
      %dma_wait3A_28 = arith.constant 0 : i32
      %dma_wait3A_29 = tpu.memref_slice %arg2[%dma_wait3A_27, %dma_wait3A_28] : memref<10000x128xi32, #tpu.memory_space<hbm>> -> memref<10000x128xi32, #tpu.memory_space<hbm>>
      tpu.wait_indirect_dma semaphore(%arg10 : memref<!tpu.dma_semaphore, #tpu.memory_space<semaphore_mem>>) src(%dma_wait3A_29 : memref<10000x128xi32, #tpu.memory_space<hbm>>) dst(%arg8 : memref<200x128xi32, #tpu.memory_space<vmem>>)
      "tpu.region"() ({
        %run_scoped3A = tpu.sem_alloc : memref<!tpu.dma_semaphore, #tpu.memory_space<semaphore_mem>>
        %dma_start3A_30 = arith.constant 0 : i32
        %dma_start3A_31 = tpu.memref_slice %arg4[%add3A_17, %dma_start3A_30] : memref<64000x128xi32, #tpu.memory_space<hbm>> -> memref<200x128xi32, #tpu.memory_space<hbm>>
        %dma_start3A_32 = arith.constant 0 : i32
        %dma_start3A_33 = tpu.memref_slice %arg4[%add3A_17, %dma_start3A_32] : memref<64000x128xi32, #tpu.memory_space<hbm>> -> memref<200x128xi32, #tpu.memory_space<hbm>>
        tpu.enqueue_dma source(%arg8 : memref<200x128xi32, #tpu.memory_space<vmem>>) target(%dma_start3A_33 : memref<200x128xi32, #tpu.memory_space<hbm>>) target_semaphore(%run_scoped3A : memref<!tpu.dma_semaphore, #tpu.memory_space<semaphore_mem>>)
        %dma_wait3A_34 = arith.constant 0 : i32
        %dma_wait3A_35 = tpu.memref_slice %arg4[%add3A_17, %dma_wait3A_34] : memref<64000x128xi32, #tpu.memory_space<hbm>> -> memref<200x128xi32, #tpu.memory_space<hbm>>
        %dma_wait3A_36 = arith.constant 0 : i32
        %dma_wait3A_37 = tpu.memref_slice %arg4[%add3A_17, %dma_wait3A_36] : memref<64000x128xi32, #tpu.memory_space<hbm>> -> memref<200x128xi32, #tpu.memory_space<hbm>>
        tpu.wait_dma2 semaphore(%run_scoped3A : memref<!tpu.dma_semaphore, #tpu.memory_space<semaphore_mem>>) src(%arg8 : memref<200x128xi32, #tpu.memory_space<vmem>>) dst(%dma_wait3A_37 : memref<200x128xi32, #tpu.memory_space<hbm>>)
        tpu.yield
      }) : () -> ()
    }
    %scan3A_9 = arith.constant 5 : i32
    return
  }
}

#map = affine_map<(d0, d1) -> (0, 0)>
#map1 = affine_map<(d0, d1) -> (0)>
module attributes {stable_mosaic.version = 14 : i64} {
  func.func @k(%arg0: i32, %arg1: i32, %arg2: memref<10000x128xi32, #tpu.memory_space<hbm>>, %arg3: memref<64000xi32, #tpu.memory_space<hbm>>, %arg4: memref<64000x128xi32, #tpu.memory_space<hbm>>, %arg5: memref<200xi32, #tpu.memory_space<vmem>>, %arg6: memref<200xi32, #tpu.memory_space<vmem>>, %arg7: memref<200x128xi32, #tpu.memory_space<vmem>>, %arg8: memref<200x128xi32, #tpu.memory_space<vmem>>, %arg9: memref<!tpu.dma_semaphore, #tpu.memory_space<semaphore_mem>>, %arg10: memref<!tpu.dma_semaphore, #tpu.memory_space<semaphore_mem>>) attributes {dimension_semantics = [#tpu.dimension_semantics<core_parallel>, #tpu.dimension_semantics<subcore_parallel>], iteration_bounds = array<i64: 2, 16>, scalar_prefetch = 0 : i64, scratch_operands = 6 : i64, tpu.core_type = #tpu.core_type<sc_vector_subcore>, window_params = [{transform_indices = #map}, {transform_indices = #map1}, {transform_indices = #map}]} {
    %mul3A = arith.constant 2 : i32
    %mul3A_0 = arith.muli %arg1, %mul3A : i32
    %add3A = arith.addi %mul3A_0, %arg0 : i32
    %mul3A_1 = arith.constant 2000 : i32
    %mul3A_2 = arith.muli %add3A, %mul3A_1 : i32
    "tpu.region"() ({
      %run_scoped3A = tpu.sem_alloc : memref<!tpu.dma_semaphore, #tpu.memory_space<semaphore_mem>>
      %dma_start3A_10 = tpu.memref_slice %arg3[%mul3A_2] : memref<64000xi32, #tpu.memory_space<hbm>> -> memref<200xi32, #tpu.memory_space<hbm>>
      %dma_start3A_11 = tpu.memref_slice %arg3[%mul3A_2] : memref<64000xi32, #tpu.memory_space<hbm>> -> memref<200xi32, #tpu.memory_space<hbm>>
      tpu.enqueue_dma source(%dma_start3A_11 : memref<200xi32, #tpu.memory_space<hbm>>) target(%arg5 : memref<200xi32, #tpu.memory_space<vmem>>) target_semaphore(%run_scoped3A : memref<!tpu.dma_semaphore, #tpu.memory_space<semaphore_mem>>)
      %dma_wait3A = tpu.memref_slice %arg3[%mul3A_2] : memref<64000xi32, #tpu.memory_space<hbm>> -> memref<200xi32, #tpu.memory_space<hbm>>
      %dma_wait3A_12 = tpu.memref_slice %arg3[%mul3A_2] : memref<64000xi32, #tpu.memory_space<hbm>> -> memref<200xi32, #tpu.memory_space<hbm>>
      tpu.wait_dma2 semaphore(%run_scoped3A : memref<!tpu.dma_semaphore, #tpu.memory_space<semaphore_mem>>) src(%dma_wait3A_12 : memref<200xi32, #tpu.memory_space<hbm>>) dst(%arg5 : memref<200xi32, #tpu.memory_space<vmem>>)
      tpu.yield
    }) : () -> ()
    %dma_start3A = arith.constant 0 : i32
    %dma_start3A_3 = arith.constant 0 : i32
    %dma_start3A_4 = tpu.memref_slice %arg2[%dma_start3A, %dma_start3A_3] : memref<10000x128xi32, #tpu.memory_space<hbm>> -> memref<10000x128xi32, #tpu.memory_space<hbm>>
    tpu.enqueue_indirect_dma source(%dma_start3A_4 : memref<10000x128xi32, #tpu.memory_space<hbm>>) target(%arg7 : memref<200x128xi32, #tpu.memory_space<vmem>>) offsets(%arg5 : memref<200xi32, #tpu.memory_space<vmem>>) semaphore(%arg9 : memref<!tpu.dma_semaphore, #tpu.memory_space<semaphore_mem>>)
    %scan3A = arith.constant 0 : i32
    %scan3A_5 = arith.constant 0 : i32
    %scan3A_6 = arith.constant 5 : i32
    %scan3A_7 = arith.addi %scan3A_5, %scan3A_6 : i32
    %scan3A_8 = arith.constant 1 : i32
    scf.for %scan3A_10 = %scan3A_5 to %scan3A_7 step %scan3A_8  : i32 {
      %mul3A_11 = arith.constant 2 : i32
      %mul3A_12 = arith.muli %mul3A_11, %scan3A_10 : i32
      %mul3A_13 = arith.constant 200 : i32
      %mul3A_14 = arith.muli %mul3A_12, %mul3A_13 : i32
      %add3A_15 = arith.addi %mul3A_2, %mul3A_14 : i32
      %add3A_16 = arith.constant 200 : i32
      %add3A_17 = arith.addi %add3A_15, %add3A_16 : i32
      "tpu.region"() ({
        %run_scoped3A = tpu.sem_alloc : memref<!tpu.dma_semaphore, #tpu.memory_space<semaphore_mem>>
        %dma_start3A_30 = tpu.memref_slice %arg3[%add3A_17] : memref<64000xi32, #tpu.memory_space<hbm>> -> memref<200xi32, #tpu.memory_space<hbm>>
        %dma_start3A_31 = tpu.memref_slice %arg3[%add3A_17] : memref<64000xi32, #tpu.memory_space<hbm>> -> memref<200xi32, #tpu.memory_space<hbm>>
        tpu.enqueue_dma source(%dma_start3A_31 : memref<200xi32, #tpu.memory_space<hbm>>) target(%arg6 : memref<200xi32, #tpu.memory_space<vmem>>) target_semaphore(%run_scoped3A : memref<!tpu.dma_semaphore, #tpu.memory_space<semaphore_mem>>)
        %dma_wait3A_32 = tpu.memref_slice %arg3[%add3A_17] : memref<64000xi32, #tpu.memory_space<hbm>> -> memref<200xi32, #tpu.memory_space<hbm>>
        %dma_wait3A_33 = tpu.memref_slice %arg3[%add3A_17] : memref<64000xi32, #tpu.memory_space<hbm>> -> memref<200xi32, #tpu.memory_space<hbm>>
        tpu.wait_dma2 semaphore(%run_scoped3A : memref<!tpu.dma_semaphore, #tpu.memory_space<semaphore_mem>>) src(%dma_wait3A_33 : memref<200xi32, #tpu.memory_space<hbm>>) dst(%arg6 : memref<200xi32, #tpu.memory_space<vmem>>)
        tpu.yield
      }) : () -> ()
      %dma_start3A_18 = arith.constant 0 : i32
      %dma_start3A_19 = arith.constant 0 : i32
      %dma_start3A_20 = tpu.memref_slice %arg2[%dma_start3A_18, %dma_start3A_19] : memref<10000x128xi32, #tpu.memory_space<hbm>> -> memref<10000x128xi32, #tpu.memory_space<hbm>>
      tpu.enqueue_indirect_dma source(%dma_start3A_20 : memref<10000x128xi32, #tpu.memory_space<hbm>>) target(%arg8 : memref<200x128xi32, #tpu.memory_space<vmem>>) offsets(%arg6 : memref<200xi32, #tpu.memory_space<vmem>>) semaphore(%arg10 : memref<!tpu.dma_semaphore, #tpu.memory_space<semaphore_mem>>)
      %dma_wait3A = arith.constant 0 : i32
      %dma_wait3A_21 = arith.constant 0 : i32
      %dma_wait3A_22 = tpu.memref_slice %arg2[%dma_wait3A, %dma_wait3A_21] : memref<10000x128xi32, #tpu.memory_space<hbm>> -> memref<10000x128xi32, #tpu.memory_space<hbm>>
      tpu.wait_indirect_dma semaphore(%arg9 : memref<!tpu.dma_semaphore, #tpu.memory_space<semaphore_mem>>) src(%dma_wait3A_22 : memref<10000x128xi32, #tpu.memory_space<hbm>>) dst(%arg7 : memref<200x128xi32, #tpu.memory_space<vmem>>)
      "tpu.region"() ({
        %run_scoped3A = tpu.sem_alloc : memref<!tpu.dma_semaphore, #tpu.memory_space<semaphore_mem>>
        %dma_start3A_30 = arith.constant 0 : i32
        %dma_start3A_31 = tpu.memref_slice %arg4[%add3A_15, %dma_start3A_30] : memref<64000x128xi32, #tpu.memory_space<hbm>> -> memref<200x128xi32, #tpu.memory_space<hbm>>
        %dma_start3A_32 = arith.constant 0 : i32
        %dma_start3A_33 = tpu.memref_slice %arg4[%add3A_15, %dma_start3A_32] : memref<64000x128xi32, #tpu.memory_space<hbm>> -> memref<200x128xi32, #tpu.memory_space<hbm>>
        tpu.enqueue_dma source(%arg7 : memref<200x128xi32, #tpu.memory_space<vmem>>) target(%dma_start3A_33 : memref<200x128xi32, #tpu.memory_space<hbm>>) target_semaphore(%run_scoped3A : memref<!tpu.dma_semaphore, #tpu.memory_space<semaphore_mem>>)
        %dma_wait3A_34 = arith.constant 0 : i32
        %dma_wait3A_35 = tpu.memref_slice %arg4[%add3A_15, %dma_wait3A_34] : memref<64000x128xi32, #tpu.memory_space<hbm>> -> memref<200x128xi32, #tpu.memory_space<hbm>>
        %dma_wait3A_36 = arith.constant 0 : i32
        %dma_wait3A_37 = tpu.memref_slice %arg4[%add3A_15, %dma_wait3A_36] : memref<64000x128xi32, #tpu.memory_space<hbm>> -> memref<200x128xi32, #tpu.memory_space<hbm>>
        tpu.wait_dma2 semaphore(%run_scoped3A : memref<!tpu.dma_semaphore, #tpu.memory_space<semaphore_mem>>) src(%arg7 : memref<200x128xi32, #tpu.memory_space<vmem>>) dst(%dma_wait3A_37 : memref<200x128xi32, #tpu.memory_space<hbm>>)
        tpu.yield
      }) : () -> ()
      %add3A_23 = arith.constant 1 : i32
      %add3A_24 = arith.addi %scan3A_10, %add3A_23 : i32
      %lt3A = arith.constant 5 : i32
      %lt3A_25 = arith.cmpi slt, %add3A_24, %lt3A : i32
      %convert_element_type3A = arith.extui %lt3A_25 : i1 to i32
      %cond3A = arith.constant 0 : i32
      %cond3A_26 = arith.cmpi ne, %convert_element_type3A, %cond3A : i32
      scf.if %cond3A_26 {
        %add3A_30 = arith.constant 200 : i32
        %add3A_31 = arith.addi %add3A_17, %add3A_30 : i32
        "tpu.region"() ({
          %run_scoped3A = tpu.sem_alloc : memref<!tpu.dma_semaphore, #tpu.memory_space<semaphore_mem>>
          %dma_start3A_35 = tpu.memref_slice %arg3[%add3A_31] : memref<64000xi32, #tpu.memory_space<hbm>> -> memref<200xi32, #tpu.memory_space<hbm>>
          %dma_start3A_36 = tpu.memref_slice %arg3[%add3A_31] : memref<64000xi32, #tpu.memory_space<hbm>> -> memref<200xi32, #tpu.memory_space<hbm>>
          tpu.enqueue_dma source(%dma_start3A_36 : memref<200xi32, #tpu.memory_space<hbm>>) target(%arg5 : memref<200xi32, #tpu.memory_space<vmem>>) target_semaphore(%run_scoped3A : memref<!tpu.dma_semaphore, #tpu.memory_space<semaphore_mem>>)
          %dma_wait3A_37 = tpu.memref_slice %arg3[%add3A_31] : memref<64000xi32, #tpu.memory_space<hbm>> -> memref<200xi32, #tpu.memory_space<hbm>>
          %dma_wait3A_38 = tpu.memref_slice %arg3[%add3A_31] : memref<64000xi32, #tpu.memory_space<hbm>> -> memref<200xi32, #tpu.memory_space<hbm>>
          tpu.wait_dma2 semaphore(%run_scoped3A : memref<!tpu.dma_semaphore, #tpu.memory_space<semaphore_mem>>) src(%dma_wait3A_38 : memref<200xi32, #tpu.memory_space<hbm>>) dst(%arg5 : memref<200xi32, #tpu.memory_space<vmem>>)
          tpu.yield
        }) : () -> ()
        %dma_start3A_32 = arith.constant 0 : i32
        %dma_start3A_33 = arith.constant 0 : i32
        %dma_start3A_34 = tpu.memref_slice %arg2[%dma_start3A_32, %dma_start3A_33] : memref<10000x128xi32, #tpu.memory_space<hbm>> -> memref<10000x128xi32, #tpu.memory_space<hbm>>
        tpu.enqueue_indirect_dma source(%dma_start3A_34 : memref<10000x128xi32, #tpu.memory_space<hbm>>) target(%arg7 : memref<200x128xi32, #tpu.memory_space<vmem>>) offsets(%arg5 : memref<200xi32, #tpu.memory_space<vmem>>) semaphore(%arg9 : memref<!tpu.dma_semaphore, #tpu.memory_space<semaphore_mem>>)
      } else {
      }
      %dma_wait3A_27 = arith.constant 0 : i32
      %dma_wait3A_28 = arith.constant 0 : i32
      %dma_wait3A_29 = tpu.memref_slice %arg2[%dma_wait3A_27, %dma_wait3A_28] : memref<10000x128xi32, #tpu.memory_space<hbm>> -> memref<10000x128xi32, #tpu.memory_space<hbm>>
      tpu.wait_indirect_dma semaphore(%arg10 : memref<!tpu.dma_semaphore, #tpu.memory_space<semaphore_mem>>) src(%dma_wait3A_29 : memref<10000x128xi32, #tpu.memory_space<hbm>>) dst(%arg8 : memref<200x128xi32, #tpu.memory_space<vmem>>)
      "tpu.region"() ({
        %run_scoped3A = tpu.sem_alloc : memref<!tpu.dma_semaphore, #tpu.memory_space<semaphore_mem>>
        %dma_start3A_30 = arith.constant 0 : i32
        %dma_start3A_31 = tpu.memref_slice %arg4[%add3A_17, %dma_start3A_30] : memref<64000x128xi32, #tpu.memory_space<hbm>> -> memref<200x128xi32, #tpu.memory_space<hbm>>
        %dma_start3A_32 = arith.constant 0 : i32
        %dma_start3A_33 = tpu.memref_slice %arg4[%add3A_17, %dma_start3A_32] : memref<64000x128xi32, #tpu.memory_space<hbm>> -> memref<200x128xi32, #tpu.memory_space<hbm>>
        tpu.enqueue_dma source(%arg8 : memref<200x128xi32, #tpu.memory_space<vmem>>) target(%dma_start3A_33 : memref<200x128xi32, #tpu.memory_space<hbm>>) target_semaphore(%run_scoped3A : memref<!tpu.dma_semaphore, #tpu.memory_space<semaphore_mem>>)
        %dma_wait3A_34 = arith.constant 0 : i32
        %dma_wait3A_35 = tpu.memref_slice %arg4[%add3A_17, %dma_wait3A_34] : memref<64000x128xi32, #tpu.memory_space<hbm>> -> memref<200x128xi32, #tpu.memory_space<hbm>>
        %dma_wait3A_36 = arith.constant 0 : i32
        %dma_wait3A_37 = tpu.memref_slice %arg4[%add3A_17, %dma_wait3A_36] : memref<64000x128xi32, #tpu.memory_space<hbm>> -> memref<200x128xi32, #tpu.memory_space<hbm>>
        tpu.wait_dma2 semaphore(%run_scoped3A : memref<!tpu.dma_semaphore, #tpu.memory_space<semaphore_mem>>) src(%arg8 : memref<200x128xi32, #tpu.memory_space<vmem>>) dst(%dma_wait3A_37 : memref<200x128xi32, #tpu.memory_space<hbm>>)
        tpu.yield
      }) : () -> ()
    }
    %scan3A_9 = arith.constant 5 : i32
    return
  }
}

#map = affine_map<(d0, d1) -> (0, 0)>
#map1 = affine_map<(d0, d1) -> (0)>
module attributes {stable_mosaic.version = 14 : i64} {
  func.func @k(%arg0: i32, %arg1: i32, %arg2: memref<10000x128xi32, #tpu.memory_space<hbm>>, %arg3: memref<64000xi32, #tpu.memory_space<hbm>>, %arg4: memref<64000x128xi32, #tpu.memory_space<hbm>>, %arg5: memref<200xi32, #tpu.memory_space<vmem>>, %arg6: memref<200xi32, #tpu.memory_space<vmem>>, %arg7: memref<200x128xi32, #tpu.memory_space<vmem>>, %arg8: memref<200x128xi32, #tpu.memory_space<vmem>>, %arg9: memref<!tpu.dma_semaphore, #tpu.memory_space<semaphore_mem>>, %arg10: memref<!tpu.dma_semaphore, #tpu.memory_space<semaphore_mem>>) attributes {dimension_semantics = [#tpu.dimension_semantics<core_parallel>, #tpu.dimension_semantics<subcore_parallel>], iteration_bounds = array<i64: 2, 16>, scalar_prefetch = 0 : i64, scratch_operands = 6 : i64, tpu.core_type = #tpu.core_type<sc_vector_subcore>, window_params = [{transform_indices = #map}, {transform_indices = #map1}, {transform_indices = #map}]} {
    %mul3A = arith.constant 2 : i32
    %mul3A_0 = arith.muli %arg1, %mul3A : i32
    %add3A = arith.addi %mul3A_0, %arg0 : i32
    %mul3A_1 = arith.constant 2000 : i32
    %mul3A_2 = arith.muli %add3A, %mul3A_1 : i32
    "tpu.region"() ({
      %run_scoped3A = tpu.sem_alloc : memref<!tpu.dma_semaphore, #tpu.memory_space<semaphore_mem>>
      %dma_start3A_10 = tpu.memref_slice %arg3[%mul3A_2] : memref<64000xi32, #tpu.memory_space<hbm>> -> memref<200xi32, #tpu.memory_space<hbm>>
      %dma_start3A_11 = tpu.memref_slice %arg3[%mul3A_2] : memref<64000xi32, #tpu.memory_space<hbm>> -> memref<200xi32, #tpu.memory_space<hbm>>
      tpu.enqueue_dma source(%dma_start3A_11 : memref<200xi32, #tpu.memory_space<hbm>>) target(%arg5 : memref<200xi32, #tpu.memory_space<vmem>>) target_semaphore(%run_scoped3A : memref<!tpu.dma_semaphore, #tpu.memory_space<semaphore_mem>>)
      %dma_wait3A = tpu.memref_slice %arg3[%mul3A_2] : memref<64000xi32, #tpu.memory_space<hbm>> -> memref<200xi32, #tpu.memory_space<hbm>>
      %dma_wait3A_12 = tpu.memref_slice %arg3[%mul3A_2] : memref<64000xi32, #tpu.memory_space<hbm>> -> memref<200xi32, #tpu.memory_space<hbm>>
      tpu.wait_dma2 semaphore(%run_scoped3A : memref<!tpu.dma_semaphore, #tpu.memory_space<semaphore_mem>>) src(%dma_wait3A_12 : memref<200xi32, #tpu.memory_space<hbm>>) dst(%arg5 : memref<200xi32, #tpu.memory_space<vmem>>)
      tpu.yield
    }) : () -> ()
    %dma_start3A = arith.constant 0 : i32
    %dma_start3A_3 = arith.constant 0 : i32
    %dma_start3A_4 = tpu.memref_slice %arg2[%dma_start3A, %dma_start3A_3] : memref<10000x128xi32, #tpu.memory_space<hbm>> -> memref<10000x128xi32, #tpu.memory_space<hbm>>
    tpu.enqueue_indirect_dma source(%dma_start3A_4 : memref<10000x128xi32, #tpu.memory_space<hbm>>) target(%arg7 : memref<200x128xi32, #tpu.memory_space<vmem>>) offsets(%arg5 : memref<200xi32, #tpu.memory_space<vmem>>) semaphore(%arg9 : memref<!tpu.dma_semaphore, #tpu.memory_space<semaphore_mem>>)
    %scan3A = arith.constant 0 : i32
    %scan3A_5 = arith.constant 0 : i32
    %scan3A_6 = arith.constant 5 : i32
    %scan3A_7 = arith.addi %scan3A_5, %scan3A_6 : i32
    %scan3A_8 = arith.constant 1 : i32
    scf.for %scan3A_10 = %scan3A_5 to %scan3A_7 step %scan3A_8  : i32 {
      %mul3A_11 = arith.constant 2 : i32
      %mul3A_12 = arith.muli %mul3A_11, %scan3A_10 : i32
      %mul3A_13 = arith.constant 200 : i32
      %mul3A_14 = arith.muli %mul3A_12, %mul3A_13 : i32
      %add3A_15 = arith.addi %mul3A_2, %mul3A_14 : i32
      %add3A_16 = arith.constant 200 : i32
      %add3A_17 = arith.addi %add3A_15, %add3A_16 : i32
      "tpu.region"() ({
        %run_scoped3A = tpu.sem_alloc : memref<!tpu.dma_semaphore, #tpu.memory_space<semaphore_mem>>
        %dma_start3A_30 = tpu.memref_slice %arg3[%add3A_17] : memref<64000xi32, #tpu.memory_space<hbm>> -> memref<200xi32, #tpu.memory_space<hbm>>
        %dma_start3A_31 = tpu.memref_slice %arg3[%add3A_17] : memref<64000xi32, #tpu.memory_space<hbm>> -> memref<200xi32, #tpu.memory_space<hbm>>
        tpu.enqueue_dma source(%dma_start3A_31 : memref<200xi32, #tpu.memory_space<hbm>>) target(%arg6 : memref<200xi32, #tpu.memory_space<vmem>>) target_semaphore(%run_scoped3A : memref<!tpu.dma_semaphore, #tpu.memory_space<semaphore_mem>>)
        %dma_wait3A_32 = tpu.memref_slice %arg3[%add3A_17] : memref<64000xi32, #tpu.memory_space<hbm>> -> memref<200xi32, #tpu.memory_space<hbm>>
        %dma_wait3A_33 = tpu.memref_slice %arg3[%add3A_17] : memref<64000xi32, #tpu.memory_space<hbm>> -> memref<200xi32, #tpu.memory_space<hbm>>
        tpu.wait_dma2 semaphore(%run_scoped3A : memref<!tpu.dma_semaphore, #tpu.memory_space<semaphore_mem>>) src(%dma_wait3A_33 : memref<200xi32, #tpu.memory_space<hbm>>) dst(%arg6 : memref<200xi32, #tpu.memory_space<vmem>>)
        tpu.yield
      }) : () -> ()
      %dma_start3A_18 = arith.constant 0 : i32
      %dma_start3A_19 = arith.constant 0 : i32
      %dma_start3A_20 = tpu.memref_slice %arg2[%dma_start3A_18, %dma_start3A_19] : memref<10000x128xi32, #tpu.memory_space<hbm>> -> memref<10000x128xi32, #tpu.memory_space<hbm>>
      tpu.enqueue_indirect_dma source(%dma_start3A_20 : memref<10000x128xi32, #tpu.memory_space<hbm>>) target(%arg8 : memref<200x128xi32, #tpu.memory_space<vmem>>) offsets(%arg6 : memref<200xi32, #tpu.memory_space<vmem>>) semaphore(%arg10 : memref<!tpu.dma_semaphore, #tpu.memory_space<semaphore_mem>>)
      %dma_wait3A = arith.constant 0 : i32
      %dma_wait3A_21 = arith.constant 0 : i32
      %dma_wait3A_22 = tpu.memref_slice %arg2[%dma_wait3A, %dma_wait3A_21] : memref<10000x128xi32, #tpu.memory_space<hbm>> -> memref<10000x128xi32, #tpu.memory_space<hbm>>
      tpu.wait_indirect_dma semaphore(%arg9 : memref<!tpu.dma_semaphore, #tpu.memory_space<semaphore_mem>>) src(%dma_wait3A_22 : memref<10000x128xi32, #tpu.memory_space<hbm>>) dst(%arg7 : memref<200x128xi32, #tpu.memory_space<vmem>>)
      "tpu.region"() ({
        %run_scoped3A = tpu.sem_alloc : memref<!tpu.dma_semaphore, #tpu.memory_space<semaphore_mem>>
        %dma_start3A_30 = arith.constant 0 : i32
        %dma_start3A_31 = tpu.memref_slice %arg4[%add3A_15, %dma_start3A_30] : memref<64000x128xi32, #tpu.memory_space<hbm>> -> memref<200x128xi32, #tpu.memory_space<hbm>>
        %dma_start3A_32 = arith.constant 0 : i32
        %dma_start3A_33 = tpu.memref_slice %arg4[%add3A_15, %dma_start3A_32] : memref<64000x128xi32, #tpu.memory_space<hbm>> -> memref<200x128xi32, #tpu.memory_space<hbm>>
        tpu.enqueue_dma source(%arg7 : memref<200x128xi32, #tpu.memory_space<vmem>>) target(%dma_start3A_33 : memref<200x128xi32, #tpu.memory_space<hbm>>) target_semaphore(%run_scoped3A : memref<!tpu.dma_semaphore, #tpu.memory_space<semaphore_mem>>)
        %dma_wait3A_34 = arith.constant 0 : i32
        %dma_wait3A_35 = tpu.memref_slice %arg4[%add3A_15, %dma_wait3A_34] : memref<64000x128xi32, #tpu.memory_space<hbm>> -> memref<200x128xi32, #tpu.memory_space<hbm>>
        %dma_wait3A_36 = arith.constant 0 : i32
        %dma_wait3A_37 = tpu.memref_slice %arg4[%add3A_15, %dma_wait3A_36] : memref<64000x128xi32, #tpu.memory_space<hbm>> -> memref<200x128xi32, #tpu.memory_space<hbm>>
        tpu.wait_dma2 semaphore(%run_scoped3A : memref<!tpu.dma_semaphore, #tpu.memory_space<semaphore_mem>>) src(%arg7 : memref<200x128xi32, #tpu.memory_space<vmem>>) dst(%dma_wait3A_37 : memref<200x128xi32, #tpu.memory_space<hbm>>)
        tpu.yield
      }) : () -> ()
      %add3A_23 = arith.constant 1 : i32
      %add3A_24 = arith.addi %scan3A_10, %add3A_23 : i32
      %lt3A = arith.constant 5 : i32
      %lt3A_25 = arith.cmpi slt, %add3A_24, %lt3A : i32
      %convert_element_type3A = arith.extui %lt3A_25 : i1 to i32
      %cond3A = arith.constant 0 : i32
      %cond3A_26 = arith.cmpi ne, %convert_element_type3A, %cond3A : i32
      scf.if %cond3A_26 {
        %add3A_30 = arith.constant 200 : i32
        %add3A_31 = arith.addi %add3A_17, %add3A_30 : i32
        "tpu.region"() ({
          %run_scoped3A = tpu.sem_alloc : memref<!tpu.dma_semaphore, #tpu.memory_space<semaphore_mem>>
          %dma_start3A_35 = tpu.memref_slice %arg3[%add3A_31] : memref<64000xi32, #tpu.memory_space<hbm>> -> memref<200xi32, #tpu.memory_space<hbm>>
          %dma_start3A_36 = tpu.memref_slice %arg3[%add3A_31] : memref<64000xi32, #tpu.memory_space<hbm>> -> memref<200xi32, #tpu.memory_space<hbm>>
          tpu.enqueue_dma source(%dma_start3A_36 : memref<200xi32, #tpu.memory_space<hbm>>) target(%arg5 : memref<200xi32, #tpu.memory_space<vmem>>) target_semaphore(%run_scoped3A : memref<!tpu.dma_semaphore, #tpu.memory_space<semaphore_mem>>)
          %dma_wait3A_37 = tpu.memref_slice %arg3[%add3A_31] : memref<64000xi32, #tpu.memory_space<hbm>> -> memref<200xi32, #tpu.memory_space<hbm>>
          %dma_wait3A_38 = tpu.memref_slice %arg3[%add3A_31] : memref<64000xi32, #tpu.memory_space<hbm>> -> memref<200xi32, #tpu.memory_space<hbm>>
          tpu.wait_dma2 semaphore(%run_scoped3A : memref<!tpu.dma_semaphore, #tpu.memory_space<semaphore_mem>>) src(%dma_wait3A_38 : memref<200xi32, #tpu.memory_space<hbm>>) dst(%arg5 : memref<200xi32, #tpu.memory_space<vmem>>)
          tpu.yield
        }) : () -> ()
        %dma_start3A_32 = arith.constant 0 : i32
        %dma_start3A_33 = arith.constant 0 : i32
        %dma_start3A_34 = tpu.memref_slice %arg2[%dma_start3A_32, %dma_start3A_33] : memref<10000x128xi32, #tpu.memory_space<hbm>> -> memref<10000x128xi32, #tpu.memory_space<hbm>>
        tpu.enqueue_indirect_dma source(%dma_start3A_34 : memref<10000x128xi32, #tpu.memory_space<hbm>>) target(%arg7 : memref<200x128xi32, #tpu.memory_space<vmem>>) offsets(%arg5 : memref<200xi32, #tpu.memory_space<vmem>>) semaphore(%arg9 : memref<!tpu.dma_semaphore, #tpu.memory_space<semaphore_mem>>)
      } else {
      }
      %dma_wait3A_27 = arith.constant 0 : i32
      %dma_wait3A_28 = arith.constant 0 : i32
      %dma_wait3A_29 = tpu.memref_slice %arg2[%dma_wait3A_27, %dma_wait3A_28] : memref<10000x128xi32, #tpu.memory_space<hbm>> -> memref<10000x128xi32, #tpu.memory_space<hbm>>
      tpu.wait_indirect_dma semaphore(%arg10 : memref<!tpu.dma_semaphore, #tpu.memory_space<semaphore_mem>>) src(%dma_wait3A_29 : memref<10000x128xi32, #tpu.memory_space<hbm>>) dst(%arg8 : memref<200x128xi32, #tpu.memory_space<vmem>>)
      "tpu.region"() ({
        %run_scoped3A = tpu.sem_alloc : memref<!tpu.dma_semaphore, #tpu.memory_space<semaphore_mem>>
        %dma_start3A_30 = arith.constant 0 : i32
        %dma_start3A_31 = tpu.memref_slice %arg4[%add3A_17, %dma_start3A_30] : memref<64000x128xi32, #tpu.memory_space<hbm>> -> memref<200x128xi32, #tpu.memory_space<hbm>>
        %dma_start3A_32 = arith.constant 0 : i32
        %dma_start3A_33 = tpu.memref_slice %arg4[%add3A_17, %dma_start3A_32] : memref<64000x128xi32, #tpu.memory_space<hbm>> -> memref<200x128xi32, #tpu.memory_space<hbm>>
        tpu.enqueue_dma source(%arg8 : memref<200x128xi32, #tpu.memory_space<vmem>>) target(%dma_start3A_33 : memref<200x128xi32, #tpu.memory_space<hbm>>) target_semaphore(%run_scoped3A : memref<!tpu.dma_semaphore, #tpu.memory_space<semaphore_mem>>)
        %dma_wait3A_34 = arith.constant 0 : i32
        %dma_wait3A_35 = tpu.memref_slice %arg4[%add3A_17, %dma_wait3A_34] : memref<64000x128xi32, #tpu.memory_space<hbm>> -> memref<200x128xi32, #tpu.memory_space<hbm>>
        %dma_wait3A_36 = arith.constant 0 : i32
        %dma_wait3A_37 = tpu.memref_slice %arg4[%add3A_17, %dma_wait3A_36] : memref<64000x128xi32, #tpu.memory_space<hbm>> -> memref<200x128xi32, #tpu.memory_space<hbm>>
        tpu.wait_dma2 semaphore(%run_scoped3A : memref<!tpu.dma_semaphore, #tpu.memory_space<semaphore_mem>>) src(%arg8 : memref<200x128xi32, #tpu.memory_space<vmem>>) dst(%dma_wait3A_37 : memref<200x128xi32, #tpu.memory_space<hbm>>)
        tpu.yield
      }) : () -> ()
    }
    %scan3A_9 = arith.constant 5 : i32
    return
  }
}

#map = affine_map<(d0, d1) -> (0, 0)>
#map1 = affine_map<(d0, d1) -> (0)>
module attributes {stable_mosaic.version = 14 : i64} {
  func.func @k(%arg0: i32, %arg1: i32, %arg2: memref<10000x128xi32, #tpu.memory_space<hbm>>, %arg3: memref<64000xi32, #tpu.memory_space<hbm>>, %arg4: memref<64000x128xi32, #tpu.memory_space<hbm>>, %arg5: memref<200xi32, #tpu.memory_space<vmem>>, %arg6: memref<200xi32, #tpu.memory_space<vmem>>, %arg7: memref<200x128xi32, #tpu.memory_space<vmem>>, %arg8: memref<200x128xi32, #tpu.memory_space<vmem>>, %arg9: memref<!tpu.dma_semaphore, #tpu.memory_space<semaphore_mem>>, %arg10: memref<!tpu.dma_semaphore, #tpu.memory_space<semaphore_mem>>) attributes {dimension_semantics = [#tpu.dimension_semantics<core_parallel>, #tpu.dimension_semantics<subcore_parallel>], iteration_bounds = array<i64: 2, 16>, scalar_prefetch = 0 : i64, scratch_operands = 6 : i64, tpu.core_type = #tpu.core_type<sc_vector_subcore>, window_params = [{transform_indices = #map}, {transform_indices = #map1}, {transform_indices = #map}]} {
    %mul3A = arith.constant 2 : i32
    %mul3A_0 = arith.muli %arg1, %mul3A : i32
    %add3A = arith.addi %mul3A_0, %arg0 : i32
    %mul3A_1 = arith.constant 2000 : i32
    %mul3A_2 = arith.muli %add3A, %mul3A_1 : i32
    "tpu.region"() ({
      %run_scoped3A = tpu.sem_alloc : memref<!tpu.dma_semaphore, #tpu.memory_space<semaphore_mem>>
      %dma_start3A_10 = tpu.memref_slice %arg3[%mul3A_2] : memref<64000xi32, #tpu.memory_space<hbm>> -> memref<200xi32, #tpu.memory_space<hbm>>
      %dma_start3A_11 = tpu.memref_slice %arg3[%mul3A_2] : memref<64000xi32, #tpu.memory_space<hbm>> -> memref<200xi32, #tpu.memory_space<hbm>>
      tpu.enqueue_dma source(%dma_start3A_11 : memref<200xi32, #tpu.memory_space<hbm>>) target(%arg5 : memref<200xi32, #tpu.memory_space<vmem>>) target_semaphore(%run_scoped3A : memref<!tpu.dma_semaphore, #tpu.memory_space<semaphore_mem>>)
      %dma_wait3A = tpu.memref_slice %arg3[%mul3A_2] : memref<64000xi32, #tpu.memory_space<hbm>> -> memref<200xi32, #tpu.memory_space<hbm>>
      %dma_wait3A_12 = tpu.memref_slice %arg3[%mul3A_2] : memref<64000xi32, #tpu.memory_space<hbm>> -> memref<200xi32, #tpu.memory_space<hbm>>
      tpu.wait_dma2 semaphore(%run_scoped3A : memref<!tpu.dma_semaphore, #tpu.memory_space<semaphore_mem>>) src(%dma_wait3A_12 : memref<200xi32, #tpu.memory_space<hbm>>) dst(%arg5 : memref<200xi32, #tpu.memory_space<vmem>>)
      tpu.yield
    }) : () -> ()
    %dma_start3A = arith.constant 0 : i32
    %dma_start3A_3 = arith.constant 0 : i32
    %dma_start3A_4 = tpu.memref_slice %arg2[%dma_start3A, %dma_start3A_3] : memref<10000x128xi32, #tpu.memory_space<hbm>> -> memref<10000x128xi32, #tpu.memory_space<hbm>>
    tpu.enqueue_indirect_dma source(%dma_start3A_4 : memref<10000x128xi32, #tpu.memory_space<hbm>>) target(%arg7 : memref<200x128xi32, #tpu.memory_space<vmem>>) offsets(%arg5 : memref<200xi32, #tpu.memory_space<vmem>>) semaphore(%arg9 : memref<!tpu.dma_semaphore, #tpu.memory_space<semaphore_mem>>)
    %scan3A = arith.constant 0 : i32
    %scan3A_5 = arith.constant 0 : i32
    %scan3A_6 = arith.constant 5 : i32
    %scan3A_7 = arith.addi %scan3A_5, %scan3A_6 : i32
    %scan3A_8 = arith.constant 1 : i32
    scf.for %scan3A_10 = %scan3A_5 to %scan3A_7 step %scan3A_8  : i32 {
      %mul3A_11 = arith.constant 2 : i32
      %mul3A_12 = arith.muli %mul3A_11, %scan3A_10 : i32
      %mul3A_13 = arith.constant 200 : i32
      %mul3A_14 = arith.muli %mul3A_12, %mul3A_13 : i32
      %add3A_15 = arith.addi %mul3A_2, %mul3A_14 : i32
      %add3A_16 = arith.constant 200 : i32
      %add3A_17 = arith.addi %add3A_15, %add3A_16 : i32
      "tpu.region"() ({
        %run_scoped3A = tpu.sem_alloc : memref<!tpu.dma_semaphore, #tpu.memory_space<semaphore_mem>>
        %dma_start3A_30 = tpu.memref_slice %arg3[%add3A_17] : memref<64000xi32, #tpu.memory_space<hbm>> -> memref<200xi32, #tpu.memory_space<hbm>>
        %dma_start3A_31 = tpu.memref_slice %arg3[%add3A_17] : memref<64000xi32, #tpu.memory_space<hbm>> -> memref<200xi32, #tpu.memory_space<hbm>>
        tpu.enqueue_dma source(%dma_start3A_31 : memref<200xi32, #tpu.memory_space<hbm>>) target(%arg6 : memref<200xi32, #tpu.memory_space<vmem>>) target_semaphore(%run_scoped3A : memref<!tpu.dma_semaphore, #tpu.memory_space<semaphore_mem>>)
        %dma_wait3A_32 = tpu.memref_slice %arg3[%add3A_17] : memref<64000xi32, #tpu.memory_space<hbm>> -> memref<200xi32, #tpu.memory_space<hbm>>
        %dma_wait3A_33 = tpu.memref_slice %arg3[%add3A_17] : memref<64000xi32, #tpu.memory_space<hbm>> -> memref<200xi32, #tpu.memory_space<hbm>>
        tpu.wait_dma2 semaphore(%run_scoped3A : memref<!tpu.dma_semaphore, #tpu.memory_space<semaphore_mem>>) src(%dma_wait3A_33 : memref<200xi32, #tpu.memory_space<hbm>>) dst(%arg6 : memref<200xi32, #tpu.memory_space<vmem>>)
        tpu.yield
      }) : () -> ()
      %dma_start3A_18 = arith.constant 0 : i32
      %dma_start3A_19 = arith.constant 0 : i32
      %dma_start3A_20 = tpu.memref_slice %arg2[%dma_start3A_18, %dma_start3A_19] : memref<10000x128xi32, #tpu.memory_space<hbm>> -> memref<10000x128xi32, #tpu.memory_space<hbm>>
      tpu.enqueue_indirect_dma source(%dma_start3A_20 : memref<10000x128xi32, #tpu.memory_space<hbm>>) target(%arg8 : memref<200x128xi32, #tpu.memory_space<vmem>>) offsets(%arg6 : memref<200xi32, #tpu.memory_space<vmem>>) semaphore(%arg10 : memref<!tpu.dma_semaphore, #tpu.memory_space<semaphore_mem>>)
      %dma_wait3A = arith.constant 0 : i32
      %dma_wait3A_21 = arith.constant 0 : i32
      %dma_wait3A_22 = tpu.memref_slice %arg2[%dma_wait3A, %dma_wait3A_21] : memref<10000x128xi32, #tpu.memory_space<hbm>> -> memref<10000x128xi32, #tpu.memory_space<hbm>>
      tpu.wait_indirect_dma semaphore(%arg9 : memref<!tpu.dma_semaphore, #tpu.memory_space<semaphore_mem>>) src(%dma_wait3A_22 : memref<10000x128xi32, #tpu.memory_space<hbm>>) dst(%arg7 : memref<200x128xi32, #tpu.memory_space<vmem>>)
      "tpu.region"() ({
        %run_scoped3A = tpu.sem_alloc : memref<!tpu.dma_semaphore, #tpu.memory_space<semaphore_mem>>
        %dma_start3A_30 = arith.constant 0 : i32
        %dma_start3A_31 = tpu.memref_slice %arg4[%add3A_15, %dma_start3A_30] : memref<64000x128xi32, #tpu.memory_space<hbm>> -> memref<200x128xi32, #tpu.memory_space<hbm>>
        %dma_start3A_32 = arith.constant 0 : i32
        %dma_start3A_33 = tpu.memref_slice %arg4[%add3A_15, %dma_start3A_32] : memref<64000x128xi32, #tpu.memory_space<hbm>> -> memref<200x128xi32, #tpu.memory_space<hbm>>
        tpu.enqueue_dma source(%arg7 : memref<200x128xi32, #tpu.memory_space<vmem>>) target(%dma_start3A_33 : memref<200x128xi32, #tpu.memory_space<hbm>>) target_semaphore(%run_scoped3A : memref<!tpu.dma_semaphore, #tpu.memory_space<semaphore_mem>>)
        %dma_wait3A_34 = arith.constant 0 : i32
        %dma_wait3A_35 = tpu.memref_slice %arg4[%add3A_15, %dma_wait3A_34] : memref<64000x128xi32, #tpu.memory_space<hbm>> -> memref<200x128xi32, #tpu.memory_space<hbm>>
        %dma_wait3A_36 = arith.constant 0 : i32
        %dma_wait3A_37 = tpu.memref_slice %arg4[%add3A_15, %dma_wait3A_36] : memref<64000x128xi32, #tpu.memory_space<hbm>> -> memref<200x128xi32, #tpu.memory_space<hbm>>
        tpu.wait_dma2 semaphore(%run_scoped3A : memref<!tpu.dma_semaphore, #tpu.memory_space<semaphore_mem>>) src(%arg7 : memref<200x128xi32, #tpu.memory_space<vmem>>) dst(%dma_wait3A_37 : memref<200x128xi32, #tpu.memory_space<hbm>>)
        tpu.yield
      }) : () -> ()
      %add3A_23 = arith.constant 1 : i32
      %add3A_24 = arith.addi %scan3A_10, %add3A_23 : i32
      %lt3A = arith.constant 5 : i32
      %lt3A_25 = arith.cmpi slt, %add3A_24, %lt3A : i32
      %convert_element_type3A = arith.extui %lt3A_25 : i1 to i32
      %cond3A = arith.constant 0 : i32
      %cond3A_26 = arith.cmpi ne, %convert_element_type3A, %cond3A : i32
      scf.if %cond3A_26 {
        %add3A_30 = arith.constant 200 : i32
        %add3A_31 = arith.addi %add3A_17, %add3A_30 : i32
        "tpu.region"() ({
          %run_scoped3A = tpu.sem_alloc : memref<!tpu.dma_semaphore, #tpu.memory_space<semaphore_mem>>
          %dma_start3A_35 = tpu.memref_slice %arg3[%add3A_31] : memref<64000xi32, #tpu.memory_space<hbm>> -> memref<200xi32, #tpu.memory_space<hbm>>
          %dma_start3A_36 = tpu.memref_slice %arg3[%add3A_31] : memref<64000xi32, #tpu.memory_space<hbm>> -> memref<200xi32, #tpu.memory_space<hbm>>
          tpu.enqueue_dma source(%dma_start3A_36 : memref<200xi32, #tpu.memory_space<hbm>>) target(%arg5 : memref<200xi32, #tpu.memory_space<vmem>>) target_semaphore(%run_scoped3A : memref<!tpu.dma_semaphore, #tpu.memory_space<semaphore_mem>>)
          %dma_wait3A_37 = tpu.memref_slice %arg3[%add3A_31] : memref<64000xi32, #tpu.memory_space<hbm>> -> memref<200xi32, #tpu.memory_space<hbm>>
          %dma_wait3A_38 = tpu.memref_slice %arg3[%add3A_31] : memref<64000xi32, #tpu.memory_space<hbm>> -> memref<200xi32, #tpu.memory_space<hbm>>
          tpu.wait_dma2 semaphore(%run_scoped3A : memref<!tpu.dma_semaphore, #tpu.memory_space<semaphore_mem>>) src(%dma_wait3A_38 : memref<200xi32, #tpu.memory_space<hbm>>) dst(%arg5 : memref<200xi32, #tpu.memory_space<vmem>>)
          tpu.yield
        }) : () -> ()
        %dma_start3A_32 = arith.constant 0 : i32
        %dma_start3A_33 = arith.constant 0 : i32
        %dma_start3A_34 = tpu.memref_slice %arg2[%dma_start3A_32, %dma_start3A_33] : memref<10000x128xi32, #tpu.memory_space<hbm>> -> memref<10000x128xi32, #tpu.memory_space<hbm>>
        tpu.enqueue_indirect_dma source(%dma_start3A_34 : memref<10000x128xi32, #tpu.memory_space<hbm>>) target(%arg7 : memref<200x128xi32, #tpu.memory_space<vmem>>) offsets(%arg5 : memref<200xi32, #tpu.memory_space<vmem>>) semaphore(%arg9 : memref<!tpu.dma_semaphore, #tpu.memory_space<semaphore_mem>>)
      } else {
      }
      %dma_wait3A_27 = arith.constant 0 : i32
      %dma_wait3A_28 = arith.constant 0 : i32
      %dma_wait3A_29 = tpu.memref_slice %arg2[%dma_wait3A_27, %dma_wait3A_28] : memref<10000x128xi32, #tpu.memory_space<hbm>> -> memref<10000x128xi32, #tpu.memory_space<hbm>>
      tpu.wait_indirect_dma semaphore(%arg10 : memref<!tpu.dma_semaphore, #tpu.memory_space<semaphore_mem>>) src(%dma_wait3A_29 : memref<10000x128xi32, #tpu.memory_space<hbm>>) dst(%arg8 : memref<200x128xi32, #tpu.memory_space<vmem>>)
      "tpu.region"() ({
        %run_scoped3A = tpu.sem_alloc : memref<!tpu.dma_semaphore, #tpu.memory_space<semaphore_mem>>
        %dma_start3A_30 = arith.constant 0 : i32
        %dma_start3A_31 = tpu.memref_slice %arg4[%add3A_17, %dma_start3A_30] : memref<64000x128xi32, #tpu.memory_space<hbm>> -> memref<200x128xi32, #tpu.memory_space<hbm>>
        %dma_start3A_32 = arith.constant 0 : i32
        %dma_start3A_33 = tpu.memref_slice %arg4[%add3A_17, %dma_start3A_32] : memref<64000x128xi32, #tpu.memory_space<hbm>> -> memref<200x128xi32, #tpu.memory_space<hbm>>
        tpu.enqueue_dma source(%arg8 : memref<200x128xi32, #tpu.memory_space<vmem>>) target(%dma_start3A_33 : memref<200x128xi32, #tpu.memory_space<hbm>>) target_semaphore(%run_scoped3A : memref<!tpu.dma_semaphore, #tpu.memory_space<semaphore_mem>>)
        %dma_wait3A_34 = arith.constant 0 : i32
        %dma_wait3A_35 = tpu.memref_slice %arg4[%add3A_17, %dma_wait3A_34] : memref<64000x128xi32, #tpu.memory_space<hbm>> -> memref<200x128xi32, #tpu.memory_space<hbm>>
        %dma_wait3A_36 = arith.constant 0 : i32
        %dma_wait3A_37 = tpu.memref_slice %arg4[%add3A_17, %dma_wait3A_36] : memref<64000x128xi32, #tpu.memory_space<hbm>> -> memref<200x128xi32, #tpu.memory_space<hbm>>
        tpu.wait_dma2 semaphore(%run_scoped3A : memref<!tpu.dma_semaphore, #tpu.memory_space<semaphore_mem>>) src(%arg8 : memref<200x128xi32, #tpu.memory_space<vmem>>) dst(%dma_wait3A_37 : memref<200x128xi32, #tpu.memory_space<hbm>>)
        tpu.yield
      }) : () -> ()
    }
    %scan3A_9 = arith.constant 5 : i32
    return
  }
}

module attributes {stable_mosaic.version = 14 : i64} {
  func.func @_proj_body(%arg0: i32, %arg1: memref<2000x128xf32, #tpu.memory_space<vmem>>, %arg2: memref<128x256xf32, #tpu.memory_space<vmem>>, %arg3: memref<2000x128xi32, #tpu.memory_space<vmem>>) attributes {dimension_semantics = [#tpu.dimension_semantics<arbitrary>], iteration_bounds = array<i64: 5>, scalar_prefetch = 0 : i64, scratch_operands = 0 : i64, tpu.core_type = #tpu.core_type<tc>, window_params = [{transform_indices = @transform_0, window_bounds = array<i64: 2000, 128>}, {pipeline_mode = #tpu.pipeline_mode<synchronous>, transform_indices = @transform_1, window_bounds = array<i64: 128, 256>}, {transform_indices = @transform_2, window_bounds = array<i64: 2000, 128>}]} {
    %get3A = arith.constant 0 : index
    %get3A_0 = arith.constant 0 : index
    %get3A_1 = vector.load %arg1[%get3A, %get3A_0] : memref<2000x128xf32, #tpu.memory_space<vmem>>, vector<2000x128xf32>
    %get3A_2 = arith.constant 0 : index
    %get3A_3 = arith.constant 0 : index
    %get3A_4 = vector.load %arg2[%get3A_2, %get3A_3] : memref<128x256xf32, #tpu.memory_space<vmem>>, vector<128x256xf32>
    %dot_general3A = arith.constant dense<0.000000e+00> : vector<2000x256xf32>
    %dot_general3A_5 = tpu.matmul %get3A_1, %get3A_4, %dot_general3A {dimension_numbers = #tpu.dot_dimension_numbers<[1], [0], [0], [1], [0, 0, 1, 1], [], []>, transpose_lhs_hint = false} : vector<2000x128xf32>, vector<128x256xf32>, vector<2000x256xf32> -> vector<2000x256xf32>
    %slice3A = vector.extract_strided_slice %dot_general3A_5 {offsets = [0, 0], sizes = [2000, 128], strides = [1, 1]} : vector<2000x256xf32> to vector<2000x128xf32>
    %convert_element_type3A = arith.truncf %slice3A : vector<2000x128xf32> to vector<2000x128xbf16>
    %slice3A_6 = vector.extract_strided_slice %dot_general3A_5 {offsets = [0, 128], sizes = [2000, 128], strides = [1, 1]} : vector<2000x256xf32> to vector<2000x128xf32>
    %convert_element_type3A_7 = arith.truncf %slice3A_6 : vector<2000x128xf32> to vector<2000x128xbf16>
    %bitcast_convert_type3A = tpu.bitcast %convert_element_type3A : vector<2000x128xbf16> -> vector<2000x128xi16>
    %convert_element_type3A_8 = arith.extui %bitcast_convert_type3A : vector<2000x128xi16> to vector<2000x128xi32>
    %bitcast_convert_type3A_9 = tpu.bitcast %convert_element_type3A_7 : vector<2000x128xbf16> -> vector<2000x128xi16>
    %convert_element_type3A_10 = arith.extui %bitcast_convert_type3A_9 : vector<2000x128xi16> to vector<2000x128xi32>
    %shift_left3A = arith.constant 16 : i32
    %shift_left3A_11 = vector.broadcast %shift_left3A : i32 to vector<2000x128xi32>
    %shift_left3A_12 = arith.shli %convert_element_type3A_10, %shift_left3A_11 : vector<2000x128xi32>
    %or3A = arith.ori %shift_left3A_12, %convert_element_type3A_8 : vector<2000x128xi32>
    %bitcast_convert_type3A_13 = tpu.bitcast %or3A : vector<2000x128xi32> -> vector<2000x128xi32>
    %swap3A = arith.constant 0 : index
    %swap3A_14 = arith.constant 0 : index
    %swap3A_15 = vector.load %arg3[%swap3A, %swap3A_14] : memref<2000x128xi32, #tpu.memory_space<vmem>>, vector<2000x128xi32>
    tpu.vector_store %arg3[%swap3A, %swap3A_14], %bitcast_convert_type3A_13 {strides = array<i32>} : memref<2000x128xi32, #tpu.memory_space<vmem>>, vector<2000x128xi32>,
    return
  }
  func.func @transform_0(%arg0: i32) -> (i32, i32) {
    %c0_i32 = arith.constant 0 : i32
    %c0_i32_0 = arith.constant 0 : i32
    return %arg0, %c0_i32 : i32, i32
  }
  func.func @transform_1(%arg0: i32) -> (i32, i32) {
    %c0_i32 = arith.constant 0 : i32
    %c0_i32_0 = arith.constant 0 : i32
    %c0_i32_1 = arith.constant 0 : i32
    return %c0_i32, %c0_i32_0 : i32, i32
  }
  func.func @transform_2(%arg0: i32) -> (i32, i32) {
    %c0_i32 = arith.constant 0 : i32
    %c0_i32_0 = arith.constant 0 : i32
    return %arg0, %c0_i32 : i32, i32
  }
}

module attributes {stable_mosaic.version = 14 : i64} {
  func.func @_attn_body(%arg0: i32, %arg1: memref<200x128xf32, #tpu.memory_space<vmem>>, %arg2: memref<6400x128xf32, #tpu.memory_space<vmem>>, %arg3: memref<6400x128xi32, #tpu.memory_space<vmem>>, %arg4: memref<128x128xbf16, #tpu.memory_space<vmem>>, %arg5: memref<128x128xbf16, #tpu.memory_space<vmem>>, %arg6: memref<128x128xbf16, #tpu.memory_space<vmem>>, %arg7: memref<1x128xf32, #tpu.memory_space<vmem>>, %arg8: memref<128x128xbf16, #tpu.memory_space<vmem>>, %arg9: memref<128x128xbf16, #tpu.memory_space<vmem>>, %arg10: memref<128x128xbf16, #tpu.memory_space<vmem>>, %arg11: memref<128x128xbf16, #tpu.memory_space<vmem>>, %arg12: memref<6400x128xbf16, #tpu.memory_space<vmem>>, %arg13: memref<6400x128xf32, #tpu.memory_space<vmem>>, %arg14: memref<6400x128xf32, #tpu.memory_space<vmem>>, %arg15: memref<6400x128xbf16, #tpu.memory_space<vmem>>, %arg16: memref<200x128xf32, #tpu.memory_space<vmem>>) attributes {dimension_semantics = [#tpu.dimension_semantics<arbitrary>], iteration_bounds = array<i64: 10>, scalar_prefetch = 0 : i64, scratch_operands = 0 : i64, tpu.core_type = #tpu.core_type<tc>, window_params = [{transform_indices = @transform_0, window_bounds = array<i64: 200, 128>}, {transform_indices = @transform_1, window_bounds = array<i64: 6400, 128>}, {transform_indices = @transform_2, window_bounds = array<i64: 6400, 128>}, {pipeline_mode = #tpu.pipeline_mode<synchronous>, transform_indices = @transform_3, window_bounds = array<i64: 128, 128>}, {pipeline_mode = #tpu.pipeline_mode<synchronous>, transform_indices = @transform_4, window_bounds = array<i64: 128, 128>}, {pipeline_mode = #tpu.pipeline_mode<synchronous>, transform_indices = @transform_5, window_bounds = array<i64: 128, 128>}, {pipeline_mode = #tpu.pipeline_mode<synchronous>, transform_indices = @transform_6, window_bounds = array<i64: 1, 128>}, {pipeline_mode = #tpu.pipeline_mode<synchronous>, transform_indices = @transform_7, window_bounds = array<i64: 128, 128>}, {pipeline_mode = #tpu.pipeline_mode<synchronous>, transform_indices = @transform_8, window_bounds = array<i64: 128, 128>}, {pipeline_mode = #tpu.pipeline_mode<synchronous>, transform_indices = @transform_9, window_bounds = array<i64: 128, 128>}, {pipeline_mode = #tpu.pipeline_mode<synchronous>, transform_indices = @transform_10, window_bounds = array<i64: 128, 128>}, {pipeline_mode = #tpu.pipeline_mode<synchronous>, transform_indices = @transform_11, window_bounds = array<i64: 6400, 128>}, {pipeline_mode = #tpu.pipeline_mode<synchronous>, transform_indices = @transform_12, window_bounds = array<i64: 6400, 128>}, {pipeline_mode = #tpu.pipeline_mode<synchronous>, transform_indices = @transform_13, window_bounds = array<i64: 6400, 128>}, {pipeline_mode = #tpu.pipeline_mode<synchronous>, transform_indices = @transform_14, window_bounds = array<i64: 6400, 128>}, {transform_indices = @transform_15, window_bounds = array<i64: 200, 128>}]} {
    %get3A = arith.constant 0 : index
    %get3A_0 = arith.constant 0 : index
    %get3A_1 = vector.load %arg1[%get3A, %get3A_0] : memref<200x128xf32, #tpu.memory_space<vmem>>, vector<200x128xf32>
    %convert_element_type3A = arith.truncf %get3A_1 : vector<200x128xf32> to vector<200x128xbf16>
    %get3A_2 = arith.constant 0 : index
    %get3A_3 = arith.constant 0 : index
    %get3A_4 = vector.load %arg4[%get3A_2, %get3A_3] : memref<128x128xbf16, #tpu.memory_space<vmem>>, vector<128x128xbf16>
    %dot_general3A = arith.constant dense<0.000000e+00> : vector<200x128xf32>
    %dot_general3A_5 = tpu.matmul %convert_element_type3A, %get3A_4, %dot_general3A {dimension_numbers = #tpu.dot_dimension_numbers<[1], [0], [0], [1], [0, 0, 1, 1], [], []>, transpose_lhs_hint = false} : vector<200x128xbf16>, vector<128x128xbf16>, vector<200x128xf32> -> vector<200x128xf32>
    %convert_element_type3A_6 = arith.truncf %dot_general3A_5 : vector<200x128xf32> to vector<200x128xbf16>
    %broadcast_in_dim3A = vector.shape_cast %convert_element_type3A_6 : vector<200x128xbf16> to vector<200x1x128xbf16>
    %broadcast_in_dim3A_7 = vector.shape_cast %broadcast_in_dim3A : vector<200x1x128xbf16> to vector<200x1x128xbf16>
    %broadcast_in_dim3A_8 = vector.broadcast %broadcast_in_dim3A_7 : vector<200x1x128xbf16> to vector<200x32x128xbf16>
    %reshape3A = vector.shape_cast %broadcast_in_dim3A_8 : vector<200x32x128xbf16> to vector<6400x128xbf16>
    %get3A_9 = arith.constant 0 : index
    %get3A_10 = arith.constant 0 : index
    %get3A_11 = vector.load %arg12[%get3A_9, %get3A_10] : memref<6400x128xbf16, #tpu.memory_space<vmem>>, vector<6400x128xbf16>
    %mul3A = arith.mulf %reshape3A, %get3A_11 : vector<6400x128xbf16>
    %get3A_12 = arith.constant 0 : index
    %get3A_13 = arith.constant 0 : index
    %get3A_14 = vector.load %arg8[%get3A_12, %get3A_13] : memref<128x128xbf16, #tpu.memory_space<vmem>>, vector<128x128xbf16>
    %dot_general3A_15 = arith.constant dense<0.000000e+00> : vector<6400x128xf32>
    %dot_general3A_16 = tpu.matmul %mul3A, %get3A_14, %dot_general3A_15 {dimension_numbers = #tpu.dot_dimension_numbers<[1], [0], [0], [1], [0, 0, 1, 1], [], []>, transpose_lhs_hint = false} : vector<6400x128xbf16>, vector<128x128xbf16>, vector<6400x128xf32> -> vector<6400x128xf32>
    %get3A_17 = arith.constant 0 : index
    %get3A_18 = arith.constant 0 : index
    %get3A_19 = vector.load %arg2[%get3A_17, %get3A_18] : memref<6400x128xf32, #tpu.memory_space<vmem>>, vector<6400x128xf32>
    %convert_element_type3A_20 = arith.truncf %get3A_19 : vector<6400x128xf32> to vector<6400x128xbf16>
    %get3A_21 = arith.constant 0 : index
    %get3A_22 = arith.constant 0 : index
    %get3A_23 = vector.load %arg5[%get3A_21, %get3A_22] : memref<128x128xbf16, #tpu.memory_space<vmem>>, vector<128x128xbf16>
    %dot_general3A_24 = arith.constant dense<0.000000e+00> : vector<6400x128xf32>
    %dot_general3A_25 = tpu.matmul %convert_element_type3A_20, %get3A_23, %dot_general3A_24 {dimension_numbers = #tpu.dot_dimension_numbers<[1], [0], [0], [1], [0, 0, 1, 1], [], []>, transpose_lhs_hint = false} : vector<6400x128xbf16>, vector<128x128xbf16>, vector<6400x128xf32> -> vector<6400x128xf32>
    %get3A_26 = arith.constant 0 : index
    %get3A_27 = arith.constant 0 : index
    %get3A_28 = vector.load %arg6[%get3A_26, %get3A_27] : memref<128x128xbf16, #tpu.memory_space<vmem>>, vector<128x128xbf16>
    %dot_general3A_29 = arith.constant dense<0.000000e+00> : vector<6400x128xf32>
    %dot_general3A_30 = tpu.matmul %convert_element_type3A_20, %get3A_28, %dot_general3A_29 {dimension_numbers = #tpu.dot_dimension_numbers<[1], [0], [0], [1], [0, 0, 1, 1], [], []>, transpose_lhs_hint = false} : vector<6400x128xbf16>, vector<128x128xbf16>, vector<6400x128xf32> -> vector<6400x128xf32>
    %get3A_31 = arith.constant 0 : index
    %get3A_32 = arith.constant 0 : index
    %get3A_33 = vector.load %arg3[%get3A_31, %get3A_32] : memref<6400x128xi32, #tpu.memory_space<vmem>>, vector<6400x128xi32>
    %bitcast_convert_type3A = tpu.bitcast %get3A_33 : vector<6400x128xi32> -> vector<6400x128xi32>
    %and3A = arith.constant 65535 : i32
    %and3A_34 = vector.broadcast %and3A : i32 to vector<6400x128xi32>
    %and3A_35 = arith.andi %bitcast_convert_type3A, %and3A_34 : vector<6400x128xi32>
    %convert_element_type3A_36 = arith.trunci %and3A_35 : vector<6400x128xi32> to vector<6400x128xi16>
    %bitcast_convert_type3A_37 = tpu.bitcast %convert_element_type3A_36 : vector<6400x128xi16> -> vector<6400x128xbf16>
    %shift_right_logical3A = arith.constant 16 : i32
    %shift_right_logical3A_38 = vector.broadcast %shift_right_logical3A : i32 to vector<6400x128xi32>
    %shift_right_logical3A_39 = arith.shrui %bitcast_convert_type3A, %shift_right_logical3A_38 : vector<6400x128xi32>
    %convert_element_type3A_40 = arith.trunci %shift_right_logical3A_39 : vector<6400x128xi32> to vector<6400x128xi16>
    %bitcast_convert_type3A_41 = tpu.bitcast %convert_element_type3A_40 : vector<6400x128xi16> -> vector<6400x128xbf16>
    %mul3A_42 = arith.mulf %dot_general3A_25, %dot_general3A_16 : vector<6400x128xf32>
    %convert_element_type3A_43 = arith.truncf %mul3A_42 : vector<6400x128xf32> to vector<6400x128xbf16>
    %mul3A_44 = arith.mulf %convert_element_type3A_43, %bitcast_convert_type3A_37 : vector<6400x128xbf16>
    %get3A_45 = arith.constant 0 : index
    %get3A_46 = arith.constant 0 : index
    %get3A_47 = vector.load %arg9[%get3A_45, %get3A_46] : memref<128x128xbf16, #tpu.memory_space<vmem>>, vector<128x128xbf16>
    %dot_general3A_48 = arith.constant dense<0.000000e+00> : vector<6400x128xf32>
    %dot_general3A_49 = tpu.matmul %mul3A_44, %get3A_47, %dot_general3A_48 {dimension_numbers = #tpu.dot_dimension_numbers<[1], [0], [0], [1], [0, 0, 1, 1], [], []>, transpose_lhs_hint = false} : vector<6400x128xbf16>, vector<128x128xbf16>, vector<6400x128xf32> -> vector<6400x128xf32>
    %get3A_50 = arith.constant 0 : index
    %get3A_51 = arith.constant 0 : index
    %get3A_52 = vector.load %arg13[%get3A_50, %get3A_51] : memref<6400x128xf32, #tpu.memory_space<vmem>>, vector<6400x128xf32>
    %mul3A_53 = arith.mulf %dot_general3A_49, %get3A_52 : vector<6400x128xf32>
    %get3A_54 = arith.constant 0 : index
    %get3A_55 = arith.constant 0 : index
    %get3A_56 = vector.load %arg14[%get3A_54, %get3A_55] : memref<6400x128xf32, #tpu.memory_space<vmem>>, vector<6400x128xf32>
    %mul3A_57 = arith.mulf %dot_general3A_30, %get3A_56 : vector<6400x128xf32>
    %add3A = arith.addf %mul3A_53, %mul3A_57 : vector<6400x128xf32>
    %reshape3A_58 = vector.shape_cast %add3A : vector<6400x128xf32> to vector<200x32x128xf32>
    %reduce_sum3A = arith.constant dense<0.000000e+00> : vector<200x128xf32>
    %reduce_sum3A_59 = vector.multi_reduction <add>, %reshape3A_58, %reduce_sum3A [1] : vector<200x32x128xf32> to vector<200x128xf32>
    %get3A_60 = arith.constant 0 : index
    %get3A_61 = arith.constant 0 : index
    %get3A_62 = vector.load %arg7[%get3A_60, %get3A_61] : memref<1x128xf32, #tpu.memory_space<vmem>>, vector<1x128xf32>
    %add3A_63 = vector.broadcast %get3A_62 : vector<1x128xf32> to vector<200x128xf32>
    %add3A_64 = arith.addf %reduce_sum3A_59, %add3A_63 : vector<200x128xf32>
    %jit3A = arith.constant -8.000000e+00 : f32
    %jit3A_65 = arith.constant 8.000000e+00 : f32
    %max3A = vector.broadcast %jit3A : f32 to vector<200x128xf32>
    %max3A_66 = arith.maximumf %max3A, %add3A_64 : vector<200x128xf32>
    %min3A = vector.broadcast %jit3A_65 : f32 to vector<200x128xf32>
    %min3A_67 = arith.minimumf %min3A, %max3A_66 : vector<200x128xf32>
    %exp3A = math.exp %min3A_67 : vector<200x128xf32>
    %convert_element_type3A_68 = arith.truncf %exp3A : vector<200x128xf32> to vector<200x128xbf16>
    %get3A_69 = arith.constant 0 : index
    %get3A_70 = arith.constant 0 : index
    %get3A_71 = vector.load %arg10[%get3A_69, %get3A_70] : memref<128x128xbf16, #tpu.memory_space<vmem>>, vector<128x128xbf16>
    %dot_general3A_72 = arith.constant dense<0.000000e+00> : vector<200x128xf32>
    %dot_general3A_73 = tpu.matmul %convert_element_type3A_68, %get3A_71, %dot_general3A_72 {dimension_numbers = #tpu.dot_dimension_numbers<[1], [0], [0], [1], [0, 0, 1, 1], [], []>, transpose_lhs_hint = false} : vector<200x128xbf16>, vector<128x128xbf16>, vector<200x128xf32> -> vector<200x128xf32>
    %div3A = arith.divf %exp3A, %dot_general3A_73 : vector<200x128xf32>
    %convert_element_type3A_74 = arith.truncf %div3A : vector<200x128xf32> to vector<200x128xbf16>
    %broadcast_in_dim3A_75 = vector.shape_cast %convert_element_type3A_74 : vector<200x128xbf16> to vector<200x1x128xbf16>
    %broadcast_in_dim3A_76 = vector.shape_cast %broadcast_in_dim3A_75 : vector<200x1x128xbf16> to vector<200x1x128xbf16>
    %broadcast_in_dim3A_77 = vector.broadcast %broadcast_in_dim3A_76 : vector<200x1x128xbf16> to vector<200x32x128xbf16>
    %reshape3A_78 = vector.shape_cast %broadcast_in_dim3A_77 : vector<200x32x128xbf16> to vector<6400x128xbf16>
    %get3A_79 = arith.constant 0 : index
    %get3A_80 = arith.constant 0 : index
    %get3A_81 = vector.load %arg15[%get3A_79, %get3A_80] : memref<6400x128xbf16, #tpu.memory_space<vmem>>, vector<6400x128xbf16>
    %mul3A_82 = arith.mulf %reshape3A_78, %get3A_81 : vector<6400x128xbf16>
    %get3A_83 = arith.constant 0 : index
    %get3A_84 = arith.constant 0 : index
    %get3A_85 = vector.load %arg11[%get3A_83, %get3A_84] : memref<128x128xbf16, #tpu.memory_space<vmem>>, vector<128x128xbf16>
    %dot_general3A_86 = arith.constant dense<0.000000e+00> : vector<6400x128xf32>
    %dot_general3A_87 = tpu.matmul %mul3A_82, %get3A_85, %dot_general3A_86 {dimension_numbers = #tpu.dot_dimension_numbers<[1], [0], [0], [1], [0, 0, 1, 1], [], []>, transpose_lhs_hint = false} : vector<6400x128xbf16>, vector<128x128xbf16>, vector<6400x128xf32> -> vector<6400x128xf32>
    %convert_element_type3A_88 = arith.extf %bitcast_convert_type3A_41 : vector<6400x128xbf16> to vector<6400x128xf32>
    %mul3A_89 = arith.mulf %dot_general3A_87, %convert_element_type3A_88 : vector<6400x128xf32>
    %reshape3A_90 = vector.shape_cast %mul3A_89 : vector<6400x128xf32> to vector<200x32x128xf32>
    %reduce_sum3A_91 = arith.constant dense<0.000000e+00> : vector<200x128xf32>
    %reduce_sum3A_92 = vector.multi_reduction <add>, %reshape3A_90, %reduce_sum3A_91 [1] : vector<200x32x128xf32> to vector<200x128xf32>
    %swap3A = arith.constant 0 : index
    %swap3A_93 = arith.constant 0 : index
    %swap3A_94 = vector.load %arg16[%swap3A, %swap3A_93] : memref<200x128xf32, #tpu.memory_space<vmem>>, vector<200x128xf32>
    tpu.vector_store %arg16[%swap3A, %swap3A_93], %reduce_sum3A_92 {strides = array<i32>} : memref<200x128xf32, #tpu.memory_space<vmem>>, vector<200x128xf32>,
    return
  }
  func.func @transform_0(%arg0: i32) -> (i32, i32) {
    %add3A = arith.constant 30 : i32
    %add3A_0 = arith.addi %add3A, %arg0 : i32
    %c0_i32 = arith.constant 0 : i32
    %c0_i32_1 = arith.constant 0 : i32
    return %add3A_0, %c0_i32 : i32, i32
  }
  func.func @transform_1(%arg0: i32) -> (i32, i32) {
    %add3A = arith.constant 30 : i32
    %add3A_0 = arith.addi %add3A, %arg0 : i32
    %c0_i32 = arith.constant 0 : i32
    %c0_i32_1 = arith.constant 0 : i32
    return %add3A_0, %c0_i32 : i32, i32
  }
  func.func @transform_2(%arg0: i32) -> (i32, i32) {
    %c0_i32 = arith.constant 0 : i32
    %c0_i32_0 = arith.constant 0 : i32
    return %arg0, %c0_i32 : i32, i32
  }
  func.func @transform_3(%arg0: i32) -> (i32, i32) {
    %c0_i32 = arith.constant 0 : i32
    %c0_i32_0 = arith.constant 0 : i32
    %c0_i32_1 = arith.constant 0 : i32
    return %c0_i32, %c0_i32_0 : i32, i32
  }
  func.func @transform_4(%arg0: i32) -> (i32, i32) {
    %c0_i32 = arith.constant 0 : i32
    %c0_i32_0 = arith.constant 0 : i32
    %c0_i32_1 = arith.constant 0 : i32
    return %c0_i32, %c0_i32_0 : i32, i32
  }
  func.func @transform_5(%arg0: i32) -> (i32, i32) {
    %c0_i32 = arith.constant 0 : i32
    %c0_i32_0 = arith.constant 0 : i32
    %c0_i32_1 = arith.constant 0 : i32
    return %c0_i32, %c0_i32_0 : i32, i32
  }
  func.func @transform_6(%arg0: i32) -> (i32, i32) {
    %c0_i32 = arith.constant 0 : i32
    %c0_i32_0 = arith.constant 0 : i32
    %c0_i32_1 = arith.constant 0 : i32
    return %c0_i32, %c0_i32_0 : i32, i32
  }
  func.func @transform_7(%arg0: i32) -> (i32, i32) {
    %c0_i32 = arith.constant 0 : i32
    %c0_i32_0 = arith.constant 0 : i32
    %c0_i32_1 = arith.constant 0 : i32
    return %c0_i32, %c0_i32_0 : i32, i32
  }
  func.func @transform_8(%arg0: i32) -> (i32, i32) {
    %c0_i32 = arith.constant 0 : i32
    %c0_i32_0 = arith.constant 0 : i32
    %c0_i32_1 = arith.constant 0 : i32
    return %c0_i32, %c0_i32_0 : i32, i32
  }
  func.func @transform_9(%arg0: i32) -> (i32, i32) {
    %c0_i32 = arith.constant 0 : i32
    %c0_i32_0 = arith.constant 0 : i32
    %c0_i32_1 = arith.constant 0 : i32
    return %c0_i32, %c0_i32_0 : i32, i32
  }
  func.func @transform_10(%arg0: i32) -> (i32, i32) {
    %c0_i32 = arith.constant 0 : i32
    %c0_i32_0 = arith.constant 0 : i32
    %c0_i32_1 = arith.constant 0 : i32
    return %c0_i32, %c0_i32_0 : i32, i32
  }
  func.func @transform_11(%arg0: i32) -> (i32, i32) {
    %c0_i32 = arith.constant 0 : i32
    %c0_i32_0 = arith.constant 0 : i32
    %c0_i32_1 = arith.constant 0 : i32
    return %c0_i32, %c0_i32_0 : i32, i32
  }
  func.func @transform_12(%arg0: i32) -> (i32, i32) {
    %c0_i32 = arith.constant 0 : i32
    %c0_i32_0 = arith.constant 0 : i32
    %c0_i32_1 = arith.constant 0 : i32
    return %c0_i32, %c0_i32_0 : i32, i32
  }
  func.func @transform_13(%arg0: i32) -> (i32, i32) {
    %c0_i32 = arith.constant 0 : i32
    %c0_i32_0 = arith.constant 0 : i32
    %c0_i32_1 = arith.constant 0 : i32
    return %c0_i32, %c0_i32_0 : i32, i32
  }
  func.func @transform_14(%arg0: i32) -> (i32, i32) {
    %c0_i32 = arith.constant 0 : i32
    %c0_i32_0 = arith.constant 0 : i32
    %c0_i32_1 = arith.constant 0 : i32
    return %c0_i32, %c0_i32_0 : i32, i32
  }
  func.func @transform_15(%arg0: i32) -> (i32, i32) {
    %c0_i32 = arith.constant 0 : i32
    %c0_i32_0 = arith.constant 0 : i32
    return %arg0, %c0_i32 : i32, i32
  }
}

module attributes {stable_mosaic.version = 14 : i64} {
  func.func @_attn_body(%arg0: i32, %arg1: memref<200x128xf32, #tpu.memory_space<vmem>>, %arg2: memref<6400x128xf32, #tpu.memory_space<vmem>>, %arg3: memref<6400x128xi32, #tpu.memory_space<vmem>>, %arg4: memref<128x128xbf16, #tpu.memory_space<vmem>>, %arg5: memref<128x128xbf16, #tpu.memory_space<vmem>>, %arg6: memref<128x128xbf16, #tpu.memory_space<vmem>>, %arg7: memref<1x128xf32, #tpu.memory_space<vmem>>, %arg8: memref<128x128xbf16, #tpu.memory_space<vmem>>, %arg9: memref<128x128xbf16, #tpu.memory_space<vmem>>, %arg10: memref<128x128xbf16, #tpu.memory_space<vmem>>, %arg11: memref<128x128xbf16, #tpu.memory_space<vmem>>, %arg12: memref<6400x128xbf16, #tpu.memory_space<vmem>>, %arg13: memref<6400x128xf32, #tpu.memory_space<vmem>>, %arg14: memref<6400x128xf32, #tpu.memory_space<vmem>>, %arg15: memref<6400x128xbf16, #tpu.memory_space<vmem>>, %arg16: memref<200x128xf32, #tpu.memory_space<vmem>>) attributes {dimension_semantics = [#tpu.dimension_semantics<arbitrary>], iteration_bounds = array<i64: 10>, scalar_prefetch = 0 : i64, scratch_operands = 0 : i64, tpu.core_type = #tpu.core_type<tc>, window_params = [{transform_indices = @transform_0, window_bounds = array<i64: 200, 128>}, {transform_indices = @transform_1, window_bounds = array<i64: 6400, 128>}, {transform_indices = @transform_2, window_bounds = array<i64: 6400, 128>}, {pipeline_mode = #tpu.pipeline_mode<synchronous>, transform_indices = @transform_3, window_bounds = array<i64: 128, 128>}, {pipeline_mode = #tpu.pipeline_mode<synchronous>, transform_indices = @transform_4, window_bounds = array<i64: 128, 128>}, {pipeline_mode = #tpu.pipeline_mode<synchronous>, transform_indices = @transform_5, window_bounds = array<i64: 128, 128>}, {pipeline_mode = #tpu.pipeline_mode<synchronous>, transform_indices = @transform_6, window_bounds = array<i64: 1, 128>}, {pipeline_mode = #tpu.pipeline_mode<synchronous>, transform_indices = @transform_7, window_bounds = array<i64: 128, 128>}, {pipeline_mode = #tpu.pipeline_mode<synchronous>, transform_indices = @transform_8, window_bounds = array<i64: 128, 128>}, {pipeline_mode = #tpu.pipeline_mode<synchronous>, transform_indices = @transform_9, window_bounds = array<i64: 128, 128>}, {pipeline_mode = #tpu.pipeline_mode<synchronous>, transform_indices = @transform_10, window_bounds = array<i64: 128, 128>}, {pipeline_mode = #tpu.pipeline_mode<synchronous>, transform_indices = @transform_11, window_bounds = array<i64: 6400, 128>}, {pipeline_mode = #tpu.pipeline_mode<synchronous>, transform_indices = @transform_12, window_bounds = array<i64: 6400, 128>}, {pipeline_mode = #tpu.pipeline_mode<synchronous>, transform_indices = @transform_13, window_bounds = array<i64: 6400, 128>}, {pipeline_mode = #tpu.pipeline_mode<synchronous>, transform_indices = @transform_14, window_bounds = array<i64: 6400, 128>}, {transform_indices = @transform_15, window_bounds = array<i64: 200, 128>}]} {
    %get3A = arith.constant 0 : index
    %get3A_0 = arith.constant 0 : index
    %get3A_1 = vector.load %arg1[%get3A, %get3A_0] : memref<200x128xf32, #tpu.memory_space<vmem>>, vector<200x128xf32>
    %convert_element_type3A = arith.truncf %get3A_1 : vector<200x128xf32> to vector<200x128xbf16>
    %get3A_2 = arith.constant 0 : index
    %get3A_3 = arith.constant 0 : index
    %get3A_4 = vector.load %arg4[%get3A_2, %get3A_3] : memref<128x128xbf16, #tpu.memory_space<vmem>>, vector<128x128xbf16>
    %dot_general3A = arith.constant dense<0.000000e+00> : vector<200x128xf32>
    %dot_general3A_5 = tpu.matmul %convert_element_type3A, %get3A_4, %dot_general3A {dimension_numbers = #tpu.dot_dimension_numbers<[1], [0], [0], [1], [0, 0, 1, 1], [], []>, transpose_lhs_hint = false} : vector<200x128xbf16>, vector<128x128xbf16>, vector<200x128xf32> -> vector<200x128xf32>
    %convert_element_type3A_6 = arith.truncf %dot_general3A_5 : vector<200x128xf32> to vector<200x128xbf16>
    %broadcast_in_dim3A = vector.shape_cast %convert_element_type3A_6 : vector<200x128xbf16> to vector<200x1x128xbf16>
    %broadcast_in_dim3A_7 = vector.shape_cast %broadcast_in_dim3A : vector<200x1x128xbf16> to vector<200x1x128xbf16>
    %broadcast_in_dim3A_8 = vector.broadcast %broadcast_in_dim3A_7 : vector<200x1x128xbf16> to vector<200x32x128xbf16>
    %reshape3A = vector.shape_cast %broadcast_in_dim3A_8 : vector<200x32x128xbf16> to vector<6400x128xbf16>
    %get3A_9 = arith.constant 0 : index
    %get3A_10 = arith.constant 0 : index
    %get3A_11 = vector.load %arg12[%get3A_9, %get3A_10] : memref<6400x128xbf16, #tpu.memory_space<vmem>>, vector<6400x128xbf16>
    %mul3A = arith.mulf %reshape3A, %get3A_11 : vector<6400x128xbf16>
    %get3A_12 = arith.constant 0 : index
    %get3A_13 = arith.constant 0 : index
    %get3A_14 = vector.load %arg8[%get3A_12, %get3A_13] : memref<128x128xbf16, #tpu.memory_space<vmem>>, vector<128x128xbf16>
    %dot_general3A_15 = arith.constant dense<0.000000e+00> : vector<6400x128xf32>
    %dot_general3A_16 = tpu.matmul %mul3A, %get3A_14, %dot_general3A_15 {dimension_numbers = #tpu.dot_dimension_numbers<[1], [0], [0], [1], [0, 0, 1, 1], [], []>, transpose_lhs_hint = false} : vector<6400x128xbf16>, vector<128x128xbf16>, vector<6400x128xf32> -> vector<6400x128xf32>
    %get3A_17 = arith.constant 0 : index
    %get3A_18 = arith.constant 0 : index
    %get3A_19 = vector.load %arg2[%get3A_17, %get3A_18] : memref<6400x128xf32, #tpu.memory_space<vmem>>, vector<6400x128xf32>
    %convert_element_type3A_20 = arith.truncf %get3A_19 : vector<6400x128xf32> to vector<6400x128xbf16>
    %get3A_21 = arith.constant 0 : index
    %get3A_22 = arith.constant 0 : index
    %get3A_23 = vector.load %arg5[%get3A_21, %get3A_22] : memref<128x128xbf16, #tpu.memory_space<vmem>>, vector<128x128xbf16>
    %dot_general3A_24 = arith.constant dense<0.000000e+00> : vector<6400x128xf32>
    %dot_general3A_25 = tpu.matmul %convert_element_type3A_20, %get3A_23, %dot_general3A_24 {dimension_numbers = #tpu.dot_dimension_numbers<[1], [0], [0], [1], [0, 0, 1, 1], [], []>, transpose_lhs_hint = false} : vector<6400x128xbf16>, vector<128x128xbf16>, vector<6400x128xf32> -> vector<6400x128xf32>
    %get3A_26 = arith.constant 0 : index
    %get3A_27 = arith.constant 0 : index
    %get3A_28 = vector.load %arg6[%get3A_26, %get3A_27] : memref<128x128xbf16, #tpu.memory_space<vmem>>, vector<128x128xbf16>
    %dot_general3A_29 = arith.constant dense<0.000000e+00> : vector<6400x128xf32>
    %dot_general3A_30 = tpu.matmul %convert_element_type3A_20, %get3A_28, %dot_general3A_29 {dimension_numbers = #tpu.dot_dimension_numbers<[1], [0], [0], [1], [0, 0, 1, 1], [], []>, transpose_lhs_hint = false} : vector<6400x128xbf16>, vector<128x128xbf16>, vector<6400x128xf32> -> vector<6400x128xf32>
    %get3A_31 = arith.constant 0 : index
    %get3A_32 = arith.constant 0 : index
    %get3A_33 = vector.load %arg3[%get3A_31, %get3A_32] : memref<6400x128xi32, #tpu.memory_space<vmem>>, vector<6400x128xi32>
    %bitcast_convert_type3A = tpu.bitcast %get3A_33 : vector<6400x128xi32> -> vector<6400x128xi32>
    %and3A = arith.constant 65535 : i32
    %and3A_34 = vector.broadcast %and3A : i32 to vector<6400x128xi32>
    %and3A_35 = arith.andi %bitcast_convert_type3A, %and3A_34 : vector<6400x128xi32>
    %convert_element_type3A_36 = arith.trunci %and3A_35 : vector<6400x128xi32> to vector<6400x128xi16>
    %bitcast_convert_type3A_37 = tpu.bitcast %convert_element_type3A_36 : vector<6400x128xi16> -> vector<6400x128xbf16>
    %shift_right_logical3A = arith.constant 16 : i32
    %shift_right_logical3A_38 = vector.broadcast %shift_right_logical3A : i32 to vector<6400x128xi32>
    %shift_right_logical3A_39 = arith.shrui %bitcast_convert_type3A, %shift_right_logical3A_38 : vector<6400x128xi32>
    %convert_element_type3A_40 = arith.trunci %shift_right_logical3A_39 : vector<6400x128xi32> to vector<6400x128xi16>
    %bitcast_convert_type3A_41 = tpu.bitcast %convert_element_type3A_40 : vector<6400x128xi16> -> vector<6400x128xbf16>
    %mul3A_42 = arith.mulf %dot_general3A_25, %dot_general3A_16 : vector<6400x128xf32>
    %convert_element_type3A_43 = arith.truncf %mul3A_42 : vector<6400x128xf32> to vector<6400x128xbf16>
    %mul3A_44 = arith.mulf %convert_element_type3A_43, %bitcast_convert_type3A_37 : vector<6400x128xbf16>
    %get3A_45 = arith.constant 0 : index
    %get3A_46 = arith.constant 0 : index
    %get3A_47 = vector.load %arg9[%get3A_45, %get3A_46] : memref<128x128xbf16, #tpu.memory_space<vmem>>, vector<128x128xbf16>
    %dot_general3A_48 = arith.constant dense<0.000000e+00> : vector<6400x128xf32>
    %dot_general3A_49 = tpu.matmul %mul3A_44, %get3A_47, %dot_general3A_48 {dimension_numbers = #tpu.dot_dimension_numbers<[1], [0], [0], [1], [0, 0, 1, 1], [], []>, transpose_lhs_hint = false} : vector<6400x128xbf16>, vector<128x128xbf16>, vector<6400x128xf32> -> vector<6400x128xf32>
    %get3A_50 = arith.constant 0 : index
    %get3A_51 = arith.constant 0 : index
    %get3A_52 = vector.load %arg13[%get3A_50, %get3A_51] : memref<6400x128xf32, #tpu.memory_space<vmem>>, vector<6400x128xf32>
    %mul3A_53 = arith.mulf %dot_general3A_49, %get3A_52 : vector<6400x128xf32>
    %get3A_54 = arith.constant 0 : index
    %get3A_55 = arith.constant 0 : index
    %get3A_56 = vector.load %arg14[%get3A_54, %get3A_55] : memref<6400x128xf32, #tpu.memory_space<vmem>>, vector<6400x128xf32>
    %mul3A_57 = arith.mulf %dot_general3A_30, %get3A_56 : vector<6400x128xf32>
    %add3A = arith.addf %mul3A_53, %mul3A_57 : vector<6400x128xf32>
    %reshape3A_58 = vector.shape_cast %add3A : vector<6400x128xf32> to vector<200x32x128xf32>
    %reduce_sum3A = arith.constant dense<0.000000e+00> : vector<200x128xf32>
    %reduce_sum3A_59 = vector.multi_reduction <add>, %reshape3A_58, %reduce_sum3A [1] : vector<200x32x128xf32> to vector<200x128xf32>
    %get3A_60 = arith.constant 0 : index
    %get3A_61 = arith.constant 0 : index
    %get3A_62 = vector.load %arg7[%get3A_60, %get3A_61] : memref<1x128xf32, #tpu.memory_space<vmem>>, vector<1x128xf32>
    %add3A_63 = vector.broadcast %get3A_62 : vector<1x128xf32> to vector<200x128xf32>
    %add3A_64 = arith.addf %reduce_sum3A_59, %add3A_63 : vector<200x128xf32>
    %jit3A = arith.constant -8.000000e+00 : f32
    %jit3A_65 = arith.constant 8.000000e+00 : f32
    %max3A = vector.broadcast %jit3A : f32 to vector<200x128xf32>
    %max3A_66 = arith.maximumf %max3A, %add3A_64 : vector<200x128xf32>
    %min3A = vector.broadcast %jit3A_65 : f32 to vector<200x128xf32>
    %min3A_67 = arith.minimumf %min3A, %max3A_66 : vector<200x128xf32>
    %exp3A = math.exp %min3A_67 : vector<200x128xf32>
    %convert_element_type3A_68 = arith.truncf %exp3A : vector<200x128xf32> to vector<200x128xbf16>
    %get3A_69 = arith.constant 0 : index
    %get3A_70 = arith.constant 0 : index
    %get3A_71 = vector.load %arg10[%get3A_69, %get3A_70] : memref<128x128xbf16, #tpu.memory_space<vmem>>, vector<128x128xbf16>
    %dot_general3A_72 = arith.constant dense<0.000000e+00> : vector<200x128xf32>
    %dot_general3A_73 = tpu.matmul %convert_element_type3A_68, %get3A_71, %dot_general3A_72 {dimension_numbers = #tpu.dot_dimension_numbers<[1], [0], [0], [1], [0, 0, 1, 1], [], []>, transpose_lhs_hint = false} : vector<200x128xbf16>, vector<128x128xbf16>, vector<200x128xf32> -> vector<200x128xf32>
    %div3A = arith.divf %exp3A, %dot_general3A_73 : vector<200x128xf32>
    %convert_element_type3A_74 = arith.truncf %div3A : vector<200x128xf32> to vector<200x128xbf16>
    %broadcast_in_dim3A_75 = vector.shape_cast %convert_element_type3A_74 : vector<200x128xbf16> to vector<200x1x128xbf16>
    %broadcast_in_dim3A_76 = vector.shape_cast %broadcast_in_dim3A_75 : vector<200x1x128xbf16> to vector<200x1x128xbf16>
    %broadcast_in_dim3A_77 = vector.broadcast %broadcast_in_dim3A_76 : vector<200x1x128xbf16> to vector<200x32x128xbf16>
    %reshape3A_78 = vector.shape_cast %broadcast_in_dim3A_77 : vector<200x32x128xbf16> to vector<6400x128xbf16>
    %get3A_79 = arith.constant 0 : index
    %get3A_80 = arith.constant 0 : index
    %get3A_81 = vector.load %arg15[%get3A_79, %get3A_80] : memref<6400x128xbf16, #tpu.memory_space<vmem>>, vector<6400x128xbf16>
    %mul3A_82 = arith.mulf %reshape3A_78, %get3A_81 : vector<6400x128xbf16>
    %get3A_83 = arith.constant 0 : index
    %get3A_84 = arith.constant 0 : index
    %get3A_85 = vector.load %arg11[%get3A_83, %get3A_84] : memref<128x128xbf16, #tpu.memory_space<vmem>>, vector<128x128xbf16>
    %dot_general3A_86 = arith.constant dense<0.000000e+00> : vector<6400x128xf32>
    %dot_general3A_87 = tpu.matmul %mul3A_82, %get3A_85, %dot_general3A_86 {dimension_numbers = #tpu.dot_dimension_numbers<[1], [0], [0], [1], [0, 0, 1, 1], [], []>, transpose_lhs_hint = false} : vector<6400x128xbf16>, vector<128x128xbf16>, vector<6400x128xf32> -> vector<6400x128xf32>
    %convert_element_type3A_88 = arith.extf %bitcast_convert_type3A_41 : vector<6400x128xbf16> to vector<6400x128xf32>
    %mul3A_89 = arith.mulf %dot_general3A_87, %convert_element_type3A_88 : vector<6400x128xf32>
    %reshape3A_90 = vector.shape_cast %mul3A_89 : vector<6400x128xf32> to vector<200x32x128xf32>
    %reduce_sum3A_91 = arith.constant dense<0.000000e+00> : vector<200x128xf32>
    %reduce_sum3A_92 = vector.multi_reduction <add>, %reshape3A_90, %reduce_sum3A_91 [1] : vector<200x32x128xf32> to vector<200x128xf32>
    %swap3A = arith.constant 0 : index
    %swap3A_93 = arith.constant 0 : index
    %swap3A_94 = vector.load %arg16[%swap3A, %swap3A_93] : memref<200x128xf32, #tpu.memory_space<vmem>>, vector<200x128xf32>
    tpu.vector_store %arg16[%swap3A, %swap3A_93], %reduce_sum3A_92 {strides = array<i32>} : memref<200x128xf32, #tpu.memory_space<vmem>>, vector<200x128xf32>,
    return
  }
  func.func @transform_0(%arg0: i32) -> (i32, i32) {
    %add3A = arith.constant 20 : i32
    %add3A_0 = arith.addi %add3A, %arg0 : i32
    %c0_i32 = arith.constant 0 : i32
    %c0_i32_1 = arith.constant 0 : i32
    return %add3A_0, %c0_i32 : i32, i32
  }
  func.func @transform_1(%arg0: i32) -> (i32, i32) {
    %add3A = arith.constant 20 : i32
    %add3A_0 = arith.addi %add3A, %arg0 : i32
    %c0_i32 = arith.constant 0 : i32
    %c0_i32_1 = arith.constant 0 : i32
    return %add3A_0, %c0_i32 : i32, i32
  }
  func.func @transform_2(%arg0: i32) -> (i32, i32) {
    %c0_i32 = arith.constant 0 : i32
    %c0_i32_0 = arith.constant 0 : i32
    return %arg0, %c0_i32 : i32, i32
  }
  func.func @transform_3(%arg0: i32) -> (i32, i32) {
    %c0_i32 = arith.constant 0 : i32
    %c0_i32_0 = arith.constant 0 : i32
    %c0_i32_1 = arith.constant 0 : i32
    return %c0_i32, %c0_i32_0 : i32, i32
  }
  func.func @transform_4(%arg0: i32) -> (i32, i32) {
    %c0_i32 = arith.constant 0 : i32
    %c0_i32_0 = arith.constant 0 : i32
    %c0_i32_1 = arith.constant 0 : i32
    return %c0_i32, %c0_i32_0 : i32, i32
  }
  func.func @transform_5(%arg0: i32) -> (i32, i32) {
    %c0_i32 = arith.constant 0 : i32
    %c0_i32_0 = arith.constant 0 : i32
    %c0_i32_1 = arith.constant 0 : i32
    return %c0_i32, %c0_i32_0 : i32, i32
  }
  func.func @transform_6(%arg0: i32) -> (i32, i32) {
    %c0_i32 = arith.constant 0 : i32
    %c0_i32_0 = arith.constant 0 : i32
    %c0_i32_1 = arith.constant 0 : i32
    return %c0_i32, %c0_i32_0 : i32, i32
  }
  func.func @transform_7(%arg0: i32) -> (i32, i32) {
    %c0_i32 = arith.constant 0 : i32
    %c0_i32_0 = arith.constant 0 : i32
    %c0_i32_1 = arith.constant 0 : i32
    return %c0_i32, %c0_i32_0 : i32, i32
  }
  func.func @transform_8(%arg0: i32) -> (i32, i32) {
    %c0_i32 = arith.constant 0 : i32
    %c0_i32_0 = arith.constant 0 : i32
    %c0_i32_1 = arith.constant 0 : i32
    return %c0_i32, %c0_i32_0 : i32, i32
  }
  func.func @transform_9(%arg0: i32) -> (i32, i32) {
    %c0_i32 = arith.constant 0 : i32
    %c0_i32_0 = arith.constant 0 : i32
    %c0_i32_1 = arith.constant 0 : i32
    return %c0_i32, %c0_i32_0 : i32, i32
  }
  func.func @transform_10(%arg0: i32) -> (i32, i32) {
    %c0_i32 = arith.constant 0 : i32
    %c0_i32_0 = arith.constant 0 : i32
    %c0_i32_1 = arith.constant 0 : i32
    return %c0_i32, %c0_i32_0 : i32, i32
  }
  func.func @transform_11(%arg0: i32) -> (i32, i32) {
    %c0_i32 = arith.constant 0 : i32
    %c0_i32_0 = arith.constant 0 : i32
    %c0_i32_1 = arith.constant 0 : i32
    return %c0_i32, %c0_i32_0 : i32, i32
  }
  func.func @transform_12(%arg0: i32) -> (i32, i32) {
    %c0_i32 = arith.constant 0 : i32
    %c0_i32_0 = arith.constant 0 : i32
    %c0_i32_1 = arith.constant 0 : i32
    return %c0_i32, %c0_i32_0 : i32, i32
  }
  func.func @transform_13(%arg0: i32) -> (i32, i32) {
    %c0_i32 = arith.constant 0 : i32
    %c0_i32_0 = arith.constant 0 : i32
    %c0_i32_1 = arith.constant 0 : i32
    return %c0_i32, %c0_i32_0 : i32, i32
  }
  func.func @transform_14(%arg0: i32) -> (i32, i32) {
    %c0_i32 = arith.constant 0 : i32
    %c0_i32_0 = arith.constant 0 : i32
    %c0_i32_1 = arith.constant 0 : i32
    return %c0_i32, %c0_i32_0 : i32, i32
  }
  func.func @transform_15(%arg0: i32) -> (i32, i32) {
    %c0_i32 = arith.constant 0 : i32
    %c0_i32_0 = arith.constant 0 : i32
    return %arg0, %c0_i32 : i32, i32
  }
}

module attributes {stable_mosaic.version = 14 : i64} {
  func.func @_attn_body(%arg0: i32, %arg1: memref<200x128xf32, #tpu.memory_space<vmem>>, %arg2: memref<6400x128xf32, #tpu.memory_space<vmem>>, %arg3: memref<6400x128xi32, #tpu.memory_space<vmem>>, %arg4: memref<128x128xbf16, #tpu.memory_space<vmem>>, %arg5: memref<128x128xbf16, #tpu.memory_space<vmem>>, %arg6: memref<128x128xbf16, #tpu.memory_space<vmem>>, %arg7: memref<1x128xf32, #tpu.memory_space<vmem>>, %arg8: memref<128x128xbf16, #tpu.memory_space<vmem>>, %arg9: memref<128x128xbf16, #tpu.memory_space<vmem>>, %arg10: memref<128x128xbf16, #tpu.memory_space<vmem>>, %arg11: memref<128x128xbf16, #tpu.memory_space<vmem>>, %arg12: memref<6400x128xbf16, #tpu.memory_space<vmem>>, %arg13: memref<6400x128xf32, #tpu.memory_space<vmem>>, %arg14: memref<6400x128xf32, #tpu.memory_space<vmem>>, %arg15: memref<6400x128xbf16, #tpu.memory_space<vmem>>, %arg16: memref<200x128xf32, #tpu.memory_space<vmem>>) attributes {dimension_semantics = [#tpu.dimension_semantics<arbitrary>], iteration_bounds = array<i64: 10>, scalar_prefetch = 0 : i64, scratch_operands = 0 : i64, tpu.core_type = #tpu.core_type<tc>, window_params = [{transform_indices = @transform_0, window_bounds = array<i64: 200, 128>}, {transform_indices = @transform_1, window_bounds = array<i64: 6400, 128>}, {transform_indices = @transform_2, window_bounds = array<i64: 6400, 128>}, {pipeline_mode = #tpu.pipeline_mode<synchronous>, transform_indices = @transform_3, window_bounds = array<i64: 128, 128>}, {pipeline_mode = #tpu.pipeline_mode<synchronous>, transform_indices = @transform_4, window_bounds = array<i64: 128, 128>}, {pipeline_mode = #tpu.pipeline_mode<synchronous>, transform_indices = @transform_5, window_bounds = array<i64: 128, 128>}, {pipeline_mode = #tpu.pipeline_mode<synchronous>, transform_indices = @transform_6, window_bounds = array<i64: 1, 128>}, {pipeline_mode = #tpu.pipeline_mode<synchronous>, transform_indices = @transform_7, window_bounds = array<i64: 128, 128>}, {pipeline_mode = #tpu.pipeline_mode<synchronous>, transform_indices = @transform_8, window_bounds = array<i64: 128, 128>}, {pipeline_mode = #tpu.pipeline_mode<synchronous>, transform_indices = @transform_9, window_bounds = array<i64: 128, 128>}, {pipeline_mode = #tpu.pipeline_mode<synchronous>, transform_indices = @transform_10, window_bounds = array<i64: 128, 128>}, {pipeline_mode = #tpu.pipeline_mode<synchronous>, transform_indices = @transform_11, window_bounds = array<i64: 6400, 128>}, {pipeline_mode = #tpu.pipeline_mode<synchronous>, transform_indices = @transform_12, window_bounds = array<i64: 6400, 128>}, {pipeline_mode = #tpu.pipeline_mode<synchronous>, transform_indices = @transform_13, window_bounds = array<i64: 6400, 128>}, {pipeline_mode = #tpu.pipeline_mode<synchronous>, transform_indices = @transform_14, window_bounds = array<i64: 6400, 128>}, {transform_indices = @transform_15, window_bounds = array<i64: 200, 128>}]} {
    %get3A = arith.constant 0 : index
    %get3A_0 = arith.constant 0 : index
    %get3A_1 = vector.load %arg1[%get3A, %get3A_0] : memref<200x128xf32, #tpu.memory_space<vmem>>, vector<200x128xf32>
    %convert_element_type3A = arith.truncf %get3A_1 : vector<200x128xf32> to vector<200x128xbf16>
    %get3A_2 = arith.constant 0 : index
    %get3A_3 = arith.constant 0 : index
    %get3A_4 = vector.load %arg4[%get3A_2, %get3A_3] : memref<128x128xbf16, #tpu.memory_space<vmem>>, vector<128x128xbf16>
    %dot_general3A = arith.constant dense<0.000000e+00> : vector<200x128xf32>
    %dot_general3A_5 = tpu.matmul %convert_element_type3A, %get3A_4, %dot_general3A {dimension_numbers = #tpu.dot_dimension_numbers<[1], [0], [0], [1], [0, 0, 1, 1], [], []>, transpose_lhs_hint = false} : vector<200x128xbf16>, vector<128x128xbf16>, vector<200x128xf32> -> vector<200x128xf32>
    %convert_element_type3A_6 = arith.truncf %dot_general3A_5 : vector<200x128xf32> to vector<200x128xbf16>
    %broadcast_in_dim3A = vector.shape_cast %convert_element_type3A_6 : vector<200x128xbf16> to vector<200x1x128xbf16>
    %broadcast_in_dim3A_7 = vector.shape_cast %broadcast_in_dim3A : vector<200x1x128xbf16> to vector<200x1x128xbf16>
    %broadcast_in_dim3A_8 = vector.broadcast %broadcast_in_dim3A_7 : vector<200x1x128xbf16> to vector<200x32x128xbf16>
    %reshape3A = vector.shape_cast %broadcast_in_dim3A_8 : vector<200x32x128xbf16> to vector<6400x128xbf16>
    %get3A_9 = arith.constant 0 : index
    %get3A_10 = arith.constant 0 : index
    %get3A_11 = vector.load %arg12[%get3A_9, %get3A_10] : memref<6400x128xbf16, #tpu.memory_space<vmem>>, vector<6400x128xbf16>
    %mul3A = arith.mulf %reshape3A, %get3A_11 : vector<6400x128xbf16>
    %get3A_12 = arith.constant 0 : index
    %get3A_13 = arith.constant 0 : index
    %get3A_14 = vector.load %arg8[%get3A_12, %get3A_13] : memref<128x128xbf16, #tpu.memory_space<vmem>>, vector<128x128xbf16>
    %dot_general3A_15 = arith.constant dense<0.000000e+00> : vector<6400x128xf32>
    %dot_general3A_16 = tpu.matmul %mul3A, %get3A_14, %dot_general3A_15 {dimension_numbers = #tpu.dot_dimension_numbers<[1], [0], [0], [1], [0, 0, 1, 1], [], []>, transpose_lhs_hint = false} : vector<6400x128xbf16>, vector<128x128xbf16>, vector<6400x128xf32> -> vector<6400x128xf32>
    %get3A_17 = arith.constant 0 : index
    %get3A_18 = arith.constant 0 : index
    %get3A_19 = vector.load %arg2[%get3A_17, %get3A_18] : memref<6400x128xf32, #tpu.memory_space<vmem>>, vector<6400x128xf32>
    %convert_element_type3A_20 = arith.truncf %get3A_19 : vector<6400x128xf32> to vector<6400x128xbf16>
    %get3A_21 = arith.constant 0 : index
    %get3A_22 = arith.constant 0 : index
    %get3A_23 = vector.load %arg5[%get3A_21, %get3A_22] : memref<128x128xbf16, #tpu.memory_space<vmem>>, vector<128x128xbf16>
    %dot_general3A_24 = arith.constant dense<0.000000e+00> : vector<6400x128xf32>
    %dot_general3A_25 = tpu.matmul %convert_element_type3A_20, %get3A_23, %dot_general3A_24 {dimension_numbers = #tpu.dot_dimension_numbers<[1], [0], [0], [1], [0, 0, 1, 1], [], []>, transpose_lhs_hint = false} : vector<6400x128xbf16>, vector<128x128xbf16>, vector<6400x128xf32> -> vector<6400x128xf32>
    %get3A_26 = arith.constant 0 : index
    %get3A_27 = arith.constant 0 : index
    %get3A_28 = vector.load %arg6[%get3A_26, %get3A_27] : memref<128x128xbf16, #tpu.memory_space<vmem>>, vector<128x128xbf16>
    %dot_general3A_29 = arith.constant dense<0.000000e+00> : vector<6400x128xf32>
    %dot_general3A_30 = tpu.matmul %convert_element_type3A_20, %get3A_28, %dot_general3A_29 {dimension_numbers = #tpu.dot_dimension_numbers<[1], [0], [0], [1], [0, 0, 1, 1], [], []>, transpose_lhs_hint = false} : vector<6400x128xbf16>, vector<128x128xbf16>, vector<6400x128xf32> -> vector<6400x128xf32>
    %get3A_31 = arith.constant 0 : index
    %get3A_32 = arith.constant 0 : index
    %get3A_33 = vector.load %arg3[%get3A_31, %get3A_32] : memref<6400x128xi32, #tpu.memory_space<vmem>>, vector<6400x128xi32>
    %bitcast_convert_type3A = tpu.bitcast %get3A_33 : vector<6400x128xi32> -> vector<6400x128xi32>
    %and3A = arith.constant 65535 : i32
    %and3A_34 = vector.broadcast %and3A : i32 to vector<6400x128xi32>
    %and3A_35 = arith.andi %bitcast_convert_type3A, %and3A_34 : vector<6400x128xi32>
    %convert_element_type3A_36 = arith.trunci %and3A_35 : vector<6400x128xi32> to vector<6400x128xi16>
    %bitcast_convert_type3A_37 = tpu.bitcast %convert_element_type3A_36 : vector<6400x128xi16> -> vector<6400x128xbf16>
    %shift_right_logical3A = arith.constant 16 : i32
    %shift_right_logical3A_38 = vector.broadcast %shift_right_logical3A : i32 to vector<6400x128xi32>
    %shift_right_logical3A_39 = arith.shrui %bitcast_convert_type3A, %shift_right_logical3A_38 : vector<6400x128xi32>
    %convert_element_type3A_40 = arith.trunci %shift_right_logical3A_39 : vector<6400x128xi32> to vector<6400x128xi16>
    %bitcast_convert_type3A_41 = tpu.bitcast %convert_element_type3A_40 : vector<6400x128xi16> -> vector<6400x128xbf16>
    %mul3A_42 = arith.mulf %dot_general3A_25, %dot_general3A_16 : vector<6400x128xf32>
    %convert_element_type3A_43 = arith.truncf %mul3A_42 : vector<6400x128xf32> to vector<6400x128xbf16>
    %mul3A_44 = arith.mulf %convert_element_type3A_43, %bitcast_convert_type3A_37 : vector<6400x128xbf16>
    %get3A_45 = arith.constant 0 : index
    %get3A_46 = arith.constant 0 : index
    %get3A_47 = vector.load %arg9[%get3A_45, %get3A_46] : memref<128x128xbf16, #tpu.memory_space<vmem>>, vector<128x128xbf16>
    %dot_general3A_48 = arith.constant dense<0.000000e+00> : vector<6400x128xf32>
    %dot_general3A_49 = tpu.matmul %mul3A_44, %get3A_47, %dot_general3A_48 {dimension_numbers = #tpu.dot_dimension_numbers<[1], [0], [0], [1], [0, 0, 1, 1], [], []>, transpose_lhs_hint = false} : vector<6400x128xbf16>, vector<128x128xbf16>, vector<6400x128xf32> -> vector<6400x128xf32>
    %get3A_50 = arith.constant 0 : index
    %get3A_51 = arith.constant 0 : index
    %get3A_52 = vector.load %arg13[%get3A_50, %get3A_51] : memref<6400x128xf32, #tpu.memory_space<vmem>>, vector<6400x128xf32>
    %mul3A_53 = arith.mulf %dot_general3A_49, %get3A_52 : vector<6400x128xf32>
    %get3A_54 = arith.constant 0 : index
    %get3A_55 = arith.constant 0 : index
    %get3A_56 = vector.load %arg14[%get3A_54, %get3A_55] : memref<6400x128xf32, #tpu.memory_space<vmem>>, vector<6400x128xf32>
    %mul3A_57 = arith.mulf %dot_general3A_30, %get3A_56 : vector<6400x128xf32>
    %add3A = arith.addf %mul3A_53, %mul3A_57 : vector<6400x128xf32>
    %reshape3A_58 = vector.shape_cast %add3A : vector<6400x128xf32> to vector<200x32x128xf32>
    %reduce_sum3A = arith.constant dense<0.000000e+00> : vector<200x128xf32>
    %reduce_sum3A_59 = vector.multi_reduction <add>, %reshape3A_58, %reduce_sum3A [1] : vector<200x32x128xf32> to vector<200x128xf32>
    %get3A_60 = arith.constant 0 : index
    %get3A_61 = arith.constant 0 : index
    %get3A_62 = vector.load %arg7[%get3A_60, %get3A_61] : memref<1x128xf32, #tpu.memory_space<vmem>>, vector<1x128xf32>
    %add3A_63 = vector.broadcast %get3A_62 : vector<1x128xf32> to vector<200x128xf32>
    %add3A_64 = arith.addf %reduce_sum3A_59, %add3A_63 : vector<200x128xf32>
    %jit3A = arith.constant -8.000000e+00 : f32
    %jit3A_65 = arith.constant 8.000000e+00 : f32
    %max3A = vector.broadcast %jit3A : f32 to vector<200x128xf32>
    %max3A_66 = arith.maximumf %max3A, %add3A_64 : vector<200x128xf32>
    %min3A = vector.broadcast %jit3A_65 : f32 to vector<200x128xf32>
    %min3A_67 = arith.minimumf %min3A, %max3A_66 : vector<200x128xf32>
    %exp3A = math.exp %min3A_67 : vector<200x128xf32>
    %convert_element_type3A_68 = arith.truncf %exp3A : vector<200x128xf32> to vector<200x128xbf16>
    %get3A_69 = arith.constant 0 : index
    %get3A_70 = arith.constant 0 : index
    %get3A_71 = vector.load %arg10[%get3A_69, %get3A_70] : memref<128x128xbf16, #tpu.memory_space<vmem>>, vector<128x128xbf16>
    %dot_general3A_72 = arith.constant dense<0.000000e+00> : vector<200x128xf32>
    %dot_general3A_73 = tpu.matmul %convert_element_type3A_68, %get3A_71, %dot_general3A_72 {dimension_numbers = #tpu.dot_dimension_numbers<[1], [0], [0], [1], [0, 0, 1, 1], [], []>, transpose_lhs_hint = false} : vector<200x128xbf16>, vector<128x128xbf16>, vector<200x128xf32> -> vector<200x128xf32>
    %div3A = arith.divf %exp3A, %dot_general3A_73 : vector<200x128xf32>
    %convert_element_type3A_74 = arith.truncf %div3A : vector<200x128xf32> to vector<200x128xbf16>
    %broadcast_in_dim3A_75 = vector.shape_cast %convert_element_type3A_74 : vector<200x128xbf16> to vector<200x1x128xbf16>
    %broadcast_in_dim3A_76 = vector.shape_cast %broadcast_in_dim3A_75 : vector<200x1x128xbf16> to vector<200x1x128xbf16>
    %broadcast_in_dim3A_77 = vector.broadcast %broadcast_in_dim3A_76 : vector<200x1x128xbf16> to vector<200x32x128xbf16>
    %reshape3A_78 = vector.shape_cast %broadcast_in_dim3A_77 : vector<200x32x128xbf16> to vector<6400x128xbf16>
    %get3A_79 = arith.constant 0 : index
    %get3A_80 = arith.constant 0 : index
    %get3A_81 = vector.load %arg15[%get3A_79, %get3A_80] : memref<6400x128xbf16, #tpu.memory_space<vmem>>, vector<6400x128xbf16>
    %mul3A_82 = arith.mulf %reshape3A_78, %get3A_81 : vector<6400x128xbf16>
    %get3A_83 = arith.constant 0 : index
    %get3A_84 = arith.constant 0 : index
    %get3A_85 = vector.load %arg11[%get3A_83, %get3A_84] : memref<128x128xbf16, #tpu.memory_space<vmem>>, vector<128x128xbf16>
    %dot_general3A_86 = arith.constant dense<0.000000e+00> : vector<6400x128xf32>
    %dot_general3A_87 = tpu.matmul %mul3A_82, %get3A_85, %dot_general3A_86 {dimension_numbers = #tpu.dot_dimension_numbers<[1], [0], [0], [1], [0, 0, 1, 1], [], []>, transpose_lhs_hint = false} : vector<6400x128xbf16>, vector<128x128xbf16>, vector<6400x128xf32> -> vector<6400x128xf32>
    %convert_element_type3A_88 = arith.extf %bitcast_convert_type3A_41 : vector<6400x128xbf16> to vector<6400x128xf32>
    %mul3A_89 = arith.mulf %dot_general3A_87, %convert_element_type3A_88 : vector<6400x128xf32>
    %reshape3A_90 = vector.shape_cast %mul3A_89 : vector<6400x128xf32> to vector<200x32x128xf32>
    %reduce_sum3A_91 = arith.constant dense<0.000000e+00> : vector<200x128xf32>
    %reduce_sum3A_92 = vector.multi_reduction <add>, %reshape3A_90, %reduce_sum3A_91 [1] : vector<200x32x128xf32> to vector<200x128xf32>
    %swap3A = arith.constant 0 : index
    %swap3A_93 = arith.constant 0 : index
    %swap3A_94 = vector.load %arg16[%swap3A, %swap3A_93] : memref<200x128xf32, #tpu.memory_space<vmem>>, vector<200x128xf32>
    tpu.vector_store %arg16[%swap3A, %swap3A_93], %reduce_sum3A_92 {strides = array<i32>} : memref<200x128xf32, #tpu.memory_space<vmem>>, vector<200x128xf32>,
    return
  }
  func.func @transform_0(%arg0: i32) -> (i32, i32) {
    %add3A = arith.constant 10 : i32
    %add3A_0 = arith.addi %add3A, %arg0 : i32
    %c0_i32 = arith.constant 0 : i32
    %c0_i32_1 = arith.constant 0 : i32
    return %add3A_0, %c0_i32 : i32, i32
  }
  func.func @transform_1(%arg0: i32) -> (i32, i32) {
    %add3A = arith.constant 10 : i32
    %add3A_0 = arith.addi %add3A, %arg0 : i32
    %c0_i32 = arith.constant 0 : i32
    %c0_i32_1 = arith.constant 0 : i32
    return %add3A_0, %c0_i32 : i32, i32
  }
  func.func @transform_2(%arg0: i32) -> (i32, i32) {
    %c0_i32 = arith.constant 0 : i32
    %c0_i32_0 = arith.constant 0 : i32
    return %arg0, %c0_i32 : i32, i32
  }
  func.func @transform_3(%arg0: i32) -> (i32, i32) {
    %c0_i32 = arith.constant 0 : i32
    %c0_i32_0 = arith.constant 0 : i32
    %c0_i32_1 = arith.constant 0 : i32
    return %c0_i32, %c0_i32_0 : i32, i32
  }
  func.func @transform_4(%arg0: i32) -> (i32, i32) {
    %c0_i32 = arith.constant 0 : i32
    %c0_i32_0 = arith.constant 0 : i32
    %c0_i32_1 = arith.constant 0 : i32
    return %c0_i32, %c0_i32_0 : i32, i32
  }
  func.func @transform_5(%arg0: i32) -> (i32, i32) {
    %c0_i32 = arith.constant 0 : i32
    %c0_i32_0 = arith.constant 0 : i32
    %c0_i32_1 = arith.constant 0 : i32
    return %c0_i32, %c0_i32_0 : i32, i32
  }
  func.func @transform_6(%arg0: i32) -> (i32, i32) {
    %c0_i32 = arith.constant 0 : i32
    %c0_i32_0 = arith.constant 0 : i32
    %c0_i32_1 = arith.constant 0 : i32
    return %c0_i32, %c0_i32_0 : i32, i32
  }
  func.func @transform_7(%arg0: i32) -> (i32, i32) {
    %c0_i32 = arith.constant 0 : i32
    %c0_i32_0 = arith.constant 0 : i32
    %c0_i32_1 = arith.constant 0 : i32
    return %c0_i32, %c0_i32_0 : i32, i32
  }
  func.func @transform_8(%arg0: i32) -> (i32, i32) {
    %c0_i32 = arith.constant 0 : i32
    %c0_i32_0 = arith.constant 0 : i32
    %c0_i32_1 = arith.constant 0 : i32
    return %c0_i32, %c0_i32_0 : i32, i32
  }
  func.func @transform_9(%arg0: i32) -> (i32, i32) {
    %c0_i32 = arith.constant 0 : i32
    %c0_i32_0 = arith.constant 0 : i32
    %c0_i32_1 = arith.constant 0 : i32
    return %c0_i32, %c0_i32_0 : i32, i32
  }
  func.func @transform_10(%arg0: i32) -> (i32, i32) {
    %c0_i32 = arith.constant 0 : i32
    %c0_i32_0 = arith.constant 0 : i32
    %c0_i32_1 = arith.constant 0 : i32
    return %c0_i32, %c0_i32_0 : i32, i32
  }
  func.func @transform_11(%arg0: i32) -> (i32, i32) {
    %c0_i32 = arith.constant 0 : i32
    %c0_i32_0 = arith.constant 0 : i32
    %c0_i32_1 = arith.constant 0 : i32
    return %c0_i32, %c0_i32_0 : i32, i32
  }
  func.func @transform_12(%arg0: i32) -> (i32, i32) {
    %c0_i32 = arith.constant 0 : i32
    %c0_i32_0 = arith.constant 0 : i32
    %c0_i32_1 = arith.constant 0 : i32
    return %c0_i32, %c0_i32_0 : i32, i32
  }
  func.func @transform_13(%arg0: i32) -> (i32, i32) {
    %c0_i32 = arith.constant 0 : i32
    %c0_i32_0 = arith.constant 0 : i32
    %c0_i32_1 = arith.constant 0 : i32
    return %c0_i32, %c0_i32_0 : i32, i32
  }
  func.func @transform_14(%arg0: i32) -> (i32, i32) {
    %c0_i32 = arith.constant 0 : i32
    %c0_i32_0 = arith.constant 0 : i32
    %c0_i32_1 = arith.constant 0 : i32
    return %c0_i32, %c0_i32_0 : i32, i32
  }
  func.func @transform_15(%arg0: i32) -> (i32, i32) {
    %c0_i32 = arith.constant 0 : i32
    %c0_i32_0 = arith.constant 0 : i32
    return %arg0, %c0_i32 : i32, i32
  }
}

module attributes {stable_mosaic.version = 14 : i64} {
  func.func @_attn_body(%arg0: i32, %arg1: memref<200x128xf32, #tpu.memory_space<vmem>>, %arg2: memref<6400x128xf32, #tpu.memory_space<vmem>>, %arg3: memref<6400x128xi32, #tpu.memory_space<vmem>>, %arg4: memref<128x128xbf16, #tpu.memory_space<vmem>>, %arg5: memref<128x128xbf16, #tpu.memory_space<vmem>>, %arg6: memref<128x128xbf16, #tpu.memory_space<vmem>>, %arg7: memref<1x128xf32, #tpu.memory_space<vmem>>, %arg8: memref<128x128xbf16, #tpu.memory_space<vmem>>, %arg9: memref<128x128xbf16, #tpu.memory_space<vmem>>, %arg10: memref<128x128xbf16, #tpu.memory_space<vmem>>, %arg11: memref<128x128xbf16, #tpu.memory_space<vmem>>, %arg12: memref<6400x128xbf16, #tpu.memory_space<vmem>>, %arg13: memref<6400x128xf32, #tpu.memory_space<vmem>>, %arg14: memref<6400x128xf32, #tpu.memory_space<vmem>>, %arg15: memref<6400x128xbf16, #tpu.memory_space<vmem>>, %arg16: memref<200x128xf32, #tpu.memory_space<vmem>>) attributes {dimension_semantics = [#tpu.dimension_semantics<arbitrary>], iteration_bounds = array<i64: 10>, scalar_prefetch = 0 : i64, scratch_operands = 0 : i64, tpu.core_type = #tpu.core_type<tc>, window_params = [{transform_indices = @transform_0, window_bounds = array<i64: 200, 128>}, {transform_indices = @transform_1, window_bounds = array<i64: 6400, 128>}, {transform_indices = @transform_2, window_bounds = array<i64: 6400, 128>}, {pipeline_mode = #tpu.pipeline_mode<synchronous>, transform_indices = @transform_3, window_bounds = array<i64: 128, 128>}, {pipeline_mode = #tpu.pipeline_mode<synchronous>, transform_indices = @transform_4, window_bounds = array<i64: 128, 128>}, {pipeline_mode = #tpu.pipeline_mode<synchronous>, transform_indices = @transform_5, window_bounds = array<i64: 128, 128>}, {pipeline_mode = #tpu.pipeline_mode<synchronous>, transform_indices = @transform_6, window_bounds = array<i64: 1, 128>}, {pipeline_mode = #tpu.pipeline_mode<synchronous>, transform_indices = @transform_7, window_bounds = array<i64: 128, 128>}, {pipeline_mode = #tpu.pipeline_mode<synchronous>, transform_indices = @transform_8, window_bounds = array<i64: 128, 128>}, {pipeline_mode = #tpu.pipeline_mode<synchronous>, transform_indices = @transform_9, window_bounds = array<i64: 128, 128>}, {pipeline_mode = #tpu.pipeline_mode<synchronous>, transform_indices = @transform_10, window_bounds = array<i64: 128, 128>}, {pipeline_mode = #tpu.pipeline_mode<synchronous>, transform_indices = @transform_11, window_bounds = array<i64: 6400, 128>}, {pipeline_mode = #tpu.pipeline_mode<synchronous>, transform_indices = @transform_12, window_bounds = array<i64: 6400, 128>}, {pipeline_mode = #tpu.pipeline_mode<synchronous>, transform_indices = @transform_13, window_bounds = array<i64: 6400, 128>}, {pipeline_mode = #tpu.pipeline_mode<synchronous>, transform_indices = @transform_14, window_bounds = array<i64: 6400, 128>}, {transform_indices = @transform_15, window_bounds = array<i64: 200, 128>}]} {
    %get3A = arith.constant 0 : index
    %get3A_0 = arith.constant 0 : index
    %get3A_1 = vector.load %arg1[%get3A, %get3A_0] : memref<200x128xf32, #tpu.memory_space<vmem>>, vector<200x128xf32>
    %convert_element_type3A = arith.truncf %get3A_1 : vector<200x128xf32> to vector<200x128xbf16>
    %get3A_2 = arith.constant 0 : index
    %get3A_3 = arith.constant 0 : index
    %get3A_4 = vector.load %arg4[%get3A_2, %get3A_3] : memref<128x128xbf16, #tpu.memory_space<vmem>>, vector<128x128xbf16>
    %dot_general3A = arith.constant dense<0.000000e+00> : vector<200x128xf32>
    %dot_general3A_5 = tpu.matmul %convert_element_type3A, %get3A_4, %dot_general3A {dimension_numbers = #tpu.dot_dimension_numbers<[1], [0], [0], [1], [0, 0, 1, 1], [], []>, transpose_lhs_hint = false} : vector<200x128xbf16>, vector<128x128xbf16>, vector<200x128xf32> -> vector<200x128xf32>
    %convert_element_type3A_6 = arith.truncf %dot_general3A_5 : vector<200x128xf32> to vector<200x128xbf16>
    %broadcast_in_dim3A = vector.shape_cast %convert_element_type3A_6 : vector<200x128xbf16> to vector<200x1x128xbf16>
    %broadcast_in_dim3A_7 = vector.shape_cast %broadcast_in_dim3A : vector<200x1x128xbf16> to vector<200x1x128xbf16>
    %broadcast_in_dim3A_8 = vector.broadcast %broadcast_in_dim3A_7 : vector<200x1x128xbf16> to vector<200x32x128xbf16>
    %reshape3A = vector.shape_cast %broadcast_in_dim3A_8 : vector<200x32x128xbf16> to vector<6400x128xbf16>
    %get3A_9 = arith.constant 0 : index
    %get3A_10 = arith.constant 0 : index
    %get3A_11 = vector.load %arg12[%get3A_9, %get3A_10] : memref<6400x128xbf16, #tpu.memory_space<vmem>>, vector<6400x128xbf16>
    %mul3A = arith.mulf %reshape3A, %get3A_11 : vector<6400x128xbf16>
    %get3A_12 = arith.constant 0 : index
    %get3A_13 = arith.constant 0 : index
    %get3A_14 = vector.load %arg8[%get3A_12, %get3A_13] : memref<128x128xbf16, #tpu.memory_space<vmem>>, vector<128x128xbf16>
    %dot_general3A_15 = arith.constant dense<0.000000e+00> : vector<6400x128xf32>
    %dot_general3A_16 = tpu.matmul %mul3A, %get3A_14, %dot_general3A_15 {dimension_numbers = #tpu.dot_dimension_numbers<[1], [0], [0], [1], [0, 0, 1, 1], [], []>, transpose_lhs_hint = false} : vector<6400x128xbf16>, vector<128x128xbf16>, vector<6400x128xf32> -> vector<6400x128xf32>
    %get3A_17 = arith.constant 0 : index
    %get3A_18 = arith.constant 0 : index
    %get3A_19 = vector.load %arg2[%get3A_17, %get3A_18] : memref<6400x128xf32, #tpu.memory_space<vmem>>, vector<6400x128xf32>
    %convert_element_type3A_20 = arith.truncf %get3A_19 : vector<6400x128xf32> to vector<6400x128xbf16>
    %get3A_21 = arith.constant 0 : index
    %get3A_22 = arith.constant 0 : index
    %get3A_23 = vector.load %arg5[%get3A_21, %get3A_22] : memref<128x128xbf16, #tpu.memory_space<vmem>>, vector<128x128xbf16>
    %dot_general3A_24 = arith.constant dense<0.000000e+00> : vector<6400x128xf32>
    %dot_general3A_25 = tpu.matmul %convert_element_type3A_20, %get3A_23, %dot_general3A_24 {dimension_numbers = #tpu.dot_dimension_numbers<[1], [0], [0], [1], [0, 0, 1, 1], [], []>, transpose_lhs_hint = false} : vector<6400x128xbf16>, vector<128x128xbf16>, vector<6400x128xf32> -> vector<6400x128xf32>
    %get3A_26 = arith.constant 0 : index
    %get3A_27 = arith.constant 0 : index
    %get3A_28 = vector.load %arg6[%get3A_26, %get3A_27] : memref<128x128xbf16, #tpu.memory_space<vmem>>, vector<128x128xbf16>
    %dot_general3A_29 = arith.constant dense<0.000000e+00> : vector<6400x128xf32>
    %dot_general3A_30 = tpu.matmul %convert_element_type3A_20, %get3A_28, %dot_general3A_29 {dimension_numbers = #tpu.dot_dimension_numbers<[1], [0], [0], [1], [0, 0, 1, 1], [], []>, transpose_lhs_hint = false} : vector<6400x128xbf16>, vector<128x128xbf16>, vector<6400x128xf32> -> vector<6400x128xf32>
    %get3A_31 = arith.constant 0 : index
    %get3A_32 = arith.constant 0 : index
    %get3A_33 = vector.load %arg3[%get3A_31, %get3A_32] : memref<6400x128xi32, #tpu.memory_space<vmem>>, vector<6400x128xi32>
    %bitcast_convert_type3A = tpu.bitcast %get3A_33 : vector<6400x128xi32> -> vector<6400x128xi32>
    %and3A = arith.constant 65535 : i32
    %and3A_34 = vector.broadcast %and3A : i32 to vector<6400x128xi32>
    %and3A_35 = arith.andi %bitcast_convert_type3A, %and3A_34 : vector<6400x128xi32>
    %convert_element_type3A_36 = arith.trunci %and3A_35 : vector<6400x128xi32> to vector<6400x128xi16>
    %bitcast_convert_type3A_37 = tpu.bitcast %convert_element_type3A_36 : vector<6400x128xi16> -> vector<6400x128xbf16>
    %shift_right_logical3A = arith.constant 16 : i32
    %shift_right_logical3A_38 = vector.broadcast %shift_right_logical3A : i32 to vector<6400x128xi32>
    %shift_right_logical3A_39 = arith.shrui %bitcast_convert_type3A, %shift_right_logical3A_38 : vector<6400x128xi32>
    %convert_element_type3A_40 = arith.trunci %shift_right_logical3A_39 : vector<6400x128xi32> to vector<6400x128xi16>
    %bitcast_convert_type3A_41 = tpu.bitcast %convert_element_type3A_40 : vector<6400x128xi16> -> vector<6400x128xbf16>
    %mul3A_42 = arith.mulf %dot_general3A_25, %dot_general3A_16 : vector<6400x128xf32>
    %convert_element_type3A_43 = arith.truncf %mul3A_42 : vector<6400x128xf32> to vector<6400x128xbf16>
    %mul3A_44 = arith.mulf %convert_element_type3A_43, %bitcast_convert_type3A_37 : vector<6400x128xbf16>
    %get3A_45 = arith.constant 0 : index
    %get3A_46 = arith.constant 0 : index
    %get3A_47 = vector.load %arg9[%get3A_45, %get3A_46] : memref<128x128xbf16, #tpu.memory_space<vmem>>, vector<128x128xbf16>
    %dot_general3A_48 = arith.constant dense<0.000000e+00> : vector<6400x128xf32>
    %dot_general3A_49 = tpu.matmul %mul3A_44, %get3A_47, %dot_general3A_48 {dimension_numbers = #tpu.dot_dimension_numbers<[1], [0], [0], [1], [0, 0, 1, 1], [], []>, transpose_lhs_hint = false} : vector<6400x128xbf16>, vector<128x128xbf16>, vector<6400x128xf32> -> vector<6400x128xf32>
    %get3A_50 = arith.constant 0 : index
    %get3A_51 = arith.constant 0 : index
    %get3A_52 = vector.load %arg13[%get3A_50, %get3A_51] : memref<6400x128xf32, #tpu.memory_space<vmem>>, vector<6400x128xf32>
    %mul3A_53 = arith.mulf %dot_general3A_49, %get3A_52 : vector<6400x128xf32>
    %get3A_54 = arith.constant 0 : index
    %get3A_55 = arith.constant 0 : index
    %get3A_56 = vector.load %arg14[%get3A_54, %get3A_55] : memref<6400x128xf32, #tpu.memory_space<vmem>>, vector<6400x128xf32>
    %mul3A_57 = arith.mulf %dot_general3A_30, %get3A_56 : vector<6400x128xf32>
    %add3A = arith.addf %mul3A_53, %mul3A_57 : vector<6400x128xf32>
    %reshape3A_58 = vector.shape_cast %add3A : vector<6400x128xf32> to vector<200x32x128xf32>
    %reduce_sum3A = arith.constant dense<0.000000e+00> : vector<200x128xf32>
    %reduce_sum3A_59 = vector.multi_reduction <add>, %reshape3A_58, %reduce_sum3A [1] : vector<200x32x128xf32> to vector<200x128xf32>
    %get3A_60 = arith.constant 0 : index
    %get3A_61 = arith.constant 0 : index
    %get3A_62 = vector.load %arg7[%get3A_60, %get3A_61] : memref<1x128xf32, #tpu.memory_space<vmem>>, vector<1x128xf32>
    %add3A_63 = vector.broadcast %get3A_62 : vector<1x128xf32> to vector<200x128xf32>
    %add3A_64 = arith.addf %reduce_sum3A_59, %add3A_63 : vector<200x128xf32>
    %jit3A = arith.constant -8.000000e+00 : f32
    %jit3A_65 = arith.constant 8.000000e+00 : f32
    %max3A = vector.broadcast %jit3A : f32 to vector<200x128xf32>
    %max3A_66 = arith.maximumf %max3A, %add3A_64 : vector<200x128xf32>
    %min3A = vector.broadcast %jit3A_65 : f32 to vector<200x128xf32>
    %min3A_67 = arith.minimumf %min3A, %max3A_66 : vector<200x128xf32>
    %exp3A = math.exp %min3A_67 : vector<200x128xf32>
    %convert_element_type3A_68 = arith.truncf %exp3A : vector<200x128xf32> to vector<200x128xbf16>
    %get3A_69 = arith.constant 0 : index
    %get3A_70 = arith.constant 0 : index
    %get3A_71 = vector.load %arg10[%get3A_69, %get3A_70] : memref<128x128xbf16, #tpu.memory_space<vmem>>, vector<128x128xbf16>
    %dot_general3A_72 = arith.constant dense<0.000000e+00> : vector<200x128xf32>
    %dot_general3A_73 = tpu.matmul %convert_element_type3A_68, %get3A_71, %dot_general3A_72 {dimension_numbers = #tpu.dot_dimension_numbers<[1], [0], [0], [1], [0, 0, 1, 1], [], []>, transpose_lhs_hint = false} : vector<200x128xbf16>, vector<128x128xbf16>, vector<200x128xf32> -> vector<200x128xf32>
    %div3A = arith.divf %exp3A, %dot_general3A_73 : vector<200x128xf32>
    %convert_element_type3A_74 = arith.truncf %div3A : vector<200x128xf32> to vector<200x128xbf16>
    %broadcast_in_dim3A_75 = vector.shape_cast %convert_element_type3A_74 : vector<200x128xbf16> to vector<200x1x128xbf16>
    %broadcast_in_dim3A_76 = vector.shape_cast %broadcast_in_dim3A_75 : vector<200x1x128xbf16> to vector<200x1x128xbf16>
    %broadcast_in_dim3A_77 = vector.broadcast %broadcast_in_dim3A_76 : vector<200x1x128xbf16> to vector<200x32x128xbf16>
    %reshape3A_78 = vector.shape_cast %broadcast_in_dim3A_77 : vector<200x32x128xbf16> to vector<6400x128xbf16>
    %get3A_79 = arith.constant 0 : index
    %get3A_80 = arith.constant 0 : index
    %get3A_81 = vector.load %arg15[%get3A_79, %get3A_80] : memref<6400x128xbf16, #tpu.memory_space<vmem>>, vector<6400x128xbf16>
    %mul3A_82 = arith.mulf %reshape3A_78, %get3A_81 : vector<6400x128xbf16>
    %get3A_83 = arith.constant 0 : index
    %get3A_84 = arith.constant 0 : index
    %get3A_85 = vector.load %arg11[%get3A_83, %get3A_84] : memref<128x128xbf16, #tpu.memory_space<vmem>>, vector<128x128xbf16>
    %dot_general3A_86 = arith.constant dense<0.000000e+00> : vector<6400x128xf32>
    %dot_general3A_87 = tpu.matmul %mul3A_82, %get3A_85, %dot_general3A_86 {dimension_numbers = #tpu.dot_dimension_numbers<[1], [0], [0], [1], [0, 0, 1, 1], [], []>, transpose_lhs_hint = false} : vector<6400x128xbf16>, vector<128x128xbf16>, vector<6400x128xf32> -> vector<6400x128xf32>
    %convert_element_type3A_88 = arith.extf %bitcast_convert_type3A_41 : vector<6400x128xbf16> to vector<6400x128xf32>
    %mul3A_89 = arith.mulf %dot_general3A_87, %convert_element_type3A_88 : vector<6400x128xf32>
    %reshape3A_90 = vector.shape_cast %mul3A_89 : vector<6400x128xf32> to vector<200x32x128xf32>
    %reduce_sum3A_91 = arith.constant dense<0.000000e+00> : vector<200x128xf32>
    %reduce_sum3A_92 = vector.multi_reduction <add>, %reshape3A_90, %reduce_sum3A_91 [1] : vector<200x32x128xf32> to vector<200x128xf32>
    %swap3A = arith.constant 0 : index
    %swap3A_93 = arith.constant 0 : index
    %swap3A_94 = vector.load %arg16[%swap3A, %swap3A_93] : memref<200x128xf32, #tpu.memory_space<vmem>>, vector<200x128xf32>
    tpu.vector_store %arg16[%swap3A, %swap3A_93], %reduce_sum3A_92 {strides = array<i32>} : memref<200x128xf32, #tpu.memory_space<vmem>>, vector<200x128xf32>,
    return
  }
  func.func @transform_0(%arg0: i32) -> (i32, i32) {
    %add3A = arith.constant 0 : i32
    %add3A_0 = arith.addi %add3A, %arg0 : i32
    %c0_i32 = arith.constant 0 : i32
    %c0_i32_1 = arith.constant 0 : i32
    return %add3A_0, %c0_i32 : i32, i32
  }
  func.func @transform_1(%arg0: i32) -> (i32, i32) {
    %add3A = arith.constant 0 : i32
    %add3A_0 = arith.addi %add3A, %arg0 : i32
    %c0_i32 = arith.constant 0 : i32
    %c0_i32_1 = arith.constant 0 : i32
    return %add3A_0, %c0_i32 : i32, i32
  }
  func.func @transform_2(%arg0: i32) -> (i32, i32) {
    %c0_i32 = arith.constant 0 : i32
    %c0_i32_0 = arith.constant 0 : i32
    return %arg0, %c0_i32 : i32, i32
  }
  func.func @transform_3(%arg0: i32) -> (i32, i32) {
    %c0_i32 = arith.constant 0 : i32
    %c0_i32_0 = arith.constant 0 : i32
    %c0_i32_1 = arith.constant 0 : i32
    return %c0_i32, %c0_i32_0 : i32, i32
  }
  func.func @transform_4(%arg0: i32) -> (i32, i32) {
    %c0_i32 = arith.constant 0 : i32
    %c0_i32_0 = arith.constant 0 : i32
    %c0_i32_1 = arith.constant 0 : i32
    return %c0_i32, %c0_i32_0 : i32, i32
  }
  func.func @transform_5(%arg0: i32) -> (i32, i32) {
    %c0_i32 = arith.constant 0 : i32
    %c0_i32_0 = arith.constant 0 : i32
    %c0_i32_1 = arith.constant 0 : i32
    return %c0_i32, %c0_i32_0 : i32, i32
  }
  func.func @transform_6(%arg0: i32) -> (i32, i32) {
    %c0_i32 = arith.constant 0 : i32
    %c0_i32_0 = arith.constant 0 : i32
    %c0_i32_1 = arith.constant 0 : i32
    return %c0_i32, %c0_i32_0 : i32, i32
  }
  func.func @transform_7(%arg0: i32) -> (i32, i32) {
    %c0_i32 = arith.constant 0 : i32
    %c0_i32_0 = arith.constant 0 : i32
    %c0_i32_1 = arith.constant 0 : i32
    return %c0_i32, %c0_i32_0 : i32, i32
  }
  func.func @transform_8(%arg0: i32) -> (i32, i32) {
    %c0_i32 = arith.constant 0 : i32
    %c0_i32_0 = arith.constant 0 : i32
    %c0_i32_1 = arith.constant 0 : i32
    return %c0_i32, %c0_i32_0 : i32, i32
  }
  func.func @transform_9(%arg0: i32) -> (i32, i32) {
    %c0_i32 = arith.constant 0 : i32
    %c0_i32_0 = arith.constant 0 : i32
    %c0_i32_1 = arith.constant 0 : i32
    return %c0_i32, %c0_i32_0 : i32, i32
  }
  func.func @transform_10(%arg0: i32) -> (i32, i32) {
    %c0_i32 = arith.constant 0 : i32
    %c0_i32_0 = arith.constant 0 : i32
    %c0_i32_1 = arith.constant 0 : i32
    return %c0_i32, %c0_i32_0 : i32, i32
  }
  func.func @transform_11(%arg0: i32) -> (i32, i32) {
    %c0_i32 = arith.constant 0 : i32
    %c0_i32_0 = arith.constant 0 : i32
    %c0_i32_1 = arith.constant 0 : i32
    return %c0_i32, %c0_i32_0 : i32, i32
  }
  func.func @transform_12(%arg0: i32) -> (i32, i32) {
    %c0_i32 = arith.constant 0 : i32
    %c0_i32_0 = arith.constant 0 : i32
    %c0_i32_1 = arith.constant 0 : i32
    return %c0_i32, %c0_i32_0 : i32, i32
  }
  func.func @transform_13(%arg0: i32) -> (i32, i32) {
    %c0_i32 = arith.constant 0 : i32
    %c0_i32_0 = arith.constant 0 : i32
    %c0_i32_1 = arith.constant 0 : i32
    return %c0_i32, %c0_i32_0 : i32, i32
  }
  func.func @transform_14(%arg0: i32) -> (i32, i32) {
    %c0_i32 = arith.constant 0 : i32
    %c0_i32_0 = arith.constant 0 : i32
    %c0_i32_1 = arith.constant 0 : i32
    return %c0_i32, %c0_i32_0 : i32, i32
  }
  func.func @transform_15(%arg0: i32) -> (i32, i32) {
    %c0_i32 = arith.constant 0 : i32
    %c0_i32_0 = arith.constant 0 : i32
    return %arg0, %c0_i32 : i32, i32
  }
}

module attributes {stable_mosaic.version = 14 : i64} {
  func.func @_attn_body(%arg0: i32, %arg1: memref<200x128xf32, #tpu.memory_space<vmem>>, %arg2: memref<6400x128xf32, #tpu.memory_space<vmem>>, %arg3: memref<6400x128xi32, #tpu.memory_space<vmem>>, %arg4: memref<128x128xbf16, #tpu.memory_space<vmem>>, %arg5: memref<128x128xbf16, #tpu.memory_space<vmem>>, %arg6: memref<128x128xbf16, #tpu.memory_space<vmem>>, %arg7: memref<1x128xf32, #tpu.memory_space<vmem>>, %arg8: memref<128x128xbf16, #tpu.memory_space<vmem>>, %arg9: memref<128x128xbf16, #tpu.memory_space<vmem>>, %arg10: memref<128x128xbf16, #tpu.memory_space<vmem>>, %arg11: memref<128x128xbf16, #tpu.memory_space<vmem>>, %arg12: memref<6400x128xbf16, #tpu.memory_space<vmem>>, %arg13: memref<6400x128xf32, #tpu.memory_space<vmem>>, %arg14: memref<6400x128xf32, #tpu.memory_space<vmem>>, %arg15: memref<6400x128xbf16, #tpu.memory_space<vmem>>, %arg16: memref<200x128xf32, #tpu.memory_space<vmem>>) attributes {dimension_semantics = [#tpu.dimension_semantics<arbitrary>], iteration_bounds = array<i64: 10>, scalar_prefetch = 0 : i64, scratch_operands = 0 : i64, tpu.core_type = #tpu.core_type<tc>, window_params = [{transform_indices = @transform_0, window_bounds = array<i64: 200, 128>}, {transform_indices = @transform_1, window_bounds = array<i64: 6400, 128>}, {transform_indices = @transform_2, window_bounds = array<i64: 6400, 128>}, {pipeline_mode = #tpu.pipeline_mode<synchronous>, transform_indices = @transform_3, window_bounds = array<i64: 128, 128>}, {pipeline_mode = #tpu.pipeline_mode<synchronous>, transform_indices = @transform_4, window_bounds = array<i64: 128, 128>}, {pipeline_mode = #tpu.pipeline_mode<synchronous>, transform_indices = @transform_5, window_bounds = array<i64: 128, 128>}, {pipeline_mode = #tpu.pipeline_mode<synchronous>, transform_indices = @transform_6, window_bounds = array<i64: 1, 128>}, {pipeline_mode = #tpu.pipeline_mode<synchronous>, transform_indices = @transform_7, window_bounds = array<i64: 128, 128>}, {pipeline_mode = #tpu.pipeline_mode<synchronous>, transform_indices = @transform_8, window_bounds = array<i64: 128, 128>}, {pipeline_mode = #tpu.pipeline_mode<synchronous>, transform_indices = @transform_9, window_bounds = array<i64: 128, 128>}, {pipeline_mode = #tpu.pipeline_mode<synchronous>, transform_indices = @transform_10, window_bounds = array<i64: 128, 128>}, {pipeline_mode = #tpu.pipeline_mode<synchronous>, transform_indices = @transform_11, window_bounds = array<i64: 6400, 128>}, {pipeline_mode = #tpu.pipeline_mode<synchronous>, transform_indices = @transform_12, window_bounds = array<i64: 6400, 128>}, {pipeline_mode = #tpu.pipeline_mode<synchronous>, transform_indices = @transform_13, window_bounds = array<i64: 6400, 128>}, {pipeline_mode = #tpu.pipeline_mode<synchronous>, transform_indices = @transform_14, window_bounds = array<i64: 6400, 128>}, {transform_indices = @transform_15, window_bounds = array<i64: 200, 128>}]} {
    %get3A = arith.constant 0 : index
    %get3A_0 = arith.constant 0 : index
    %get3A_1 = vector.load %arg1[%get3A, %get3A_0] : memref<200x128xf32, #tpu.memory_space<vmem>>, vector<200x128xf32>
    %convert_element_type3A = arith.truncf %get3A_1 : vector<200x128xf32> to vector<200x128xbf16>
    %get3A_2 = arith.constant 0 : index
    %get3A_3 = arith.constant 0 : index
    %get3A_4 = vector.load %arg4[%get3A_2, %get3A_3] : memref<128x128xbf16, #tpu.memory_space<vmem>>, vector<128x128xbf16>
    %dot_general3A = arith.constant dense<0.000000e+00> : vector<200x128xf32>
    %dot_general3A_5 = tpu.matmul %convert_element_type3A, %get3A_4, %dot_general3A {dimension_numbers = #tpu.dot_dimension_numbers<[1], [0], [0], [1], [0, 0, 1, 1], [], []>, transpose_lhs_hint = false} : vector<200x128xbf16>, vector<128x128xbf16>, vector<200x128xf32> -> vector<200x128xf32>
    %convert_element_type3A_6 = arith.truncf %dot_general3A_5 : vector<200x128xf32> to vector<200x128xbf16>
    %broadcast_in_dim3A = vector.shape_cast %convert_element_type3A_6 : vector<200x128xbf16> to vector<200x1x128xbf16>
    %broadcast_in_dim3A_7 = vector.shape_cast %broadcast_in_dim3A : vector<200x1x128xbf16> to vector<200x1x128xbf16>
    %broadcast_in_dim3A_8 = vector.broadcast %broadcast_in_dim3A_7 : vector<200x1x128xbf16> to vector<200x32x128xbf16>
    %reshape3A = vector.shape_cast %broadcast_in_dim3A_8 : vector<200x32x128xbf16> to vector<6400x128xbf16>
    %get3A_9 = arith.constant 0 : index
    %get3A_10 = arith.constant 0 : index
    %get3A_11 = vector.load %arg12[%get3A_9, %get3A_10] : memref<6400x128xbf16, #tpu.memory_space<vmem>>, vector<6400x128xbf16>
    %mul3A = arith.mulf %reshape3A, %get3A_11 : vector<6400x128xbf16>
    %get3A_12 = arith.constant 0 : index
    %get3A_13 = arith.constant 0 : index
    %get3A_14 = vector.load %arg8[%get3A_12, %get3A_13] : memref<128x128xbf16, #tpu.memory_space<vmem>>, vector<128x128xbf16>
    %dot_general3A_15 = arith.constant dense<0.000000e+00> : vector<6400x128xf32>
    %dot_general3A_16 = tpu.matmul %mul3A, %get3A_14, %dot_general3A_15 {dimension_numbers = #tpu.dot_dimension_numbers<[1], [0], [0], [1], [0, 0, 1, 1], [], []>, transpose_lhs_hint = false} : vector<6400x128xbf16>, vector<128x128xbf16>, vector<6400x128xf32> -> vector<6400x128xf32>
    %get3A_17 = arith.constant 0 : index
    %get3A_18 = arith.constant 0 : index
    %get3A_19 = vector.load %arg2[%get3A_17, %get3A_18] : memref<6400x128xf32, #tpu.memory_space<vmem>>, vector<6400x128xf32>
    %convert_element_type3A_20 = arith.truncf %get3A_19 : vector<6400x128xf32> to vector<6400x128xbf16>
    %get3A_21 = arith.constant 0 : index
    %get3A_22 = arith.constant 0 : index
    %get3A_23 = vector.load %arg5[%get3A_21, %get3A_22] : memref<128x128xbf16, #tpu.memory_space<vmem>>, vector<128x128xbf16>
    %dot_general3A_24 = arith.constant dense<0.000000e+00> : vector<6400x128xf32>
    %dot_general3A_25 = tpu.matmul %convert_element_type3A_20, %get3A_23, %dot_general3A_24 {dimension_numbers = #tpu.dot_dimension_numbers<[1], [0], [0], [1], [0, 0, 1, 1], [], []>, transpose_lhs_hint = false} : vector<6400x128xbf16>, vector<128x128xbf16>, vector<6400x128xf32> -> vector<6400x128xf32>
    %get3A_26 = arith.constant 0 : index
    %get3A_27 = arith.constant 0 : index
    %get3A_28 = vector.load %arg6[%get3A_26, %get3A_27] : memref<128x128xbf16, #tpu.memory_space<vmem>>, vector<128x128xbf16>
    %dot_general3A_29 = arith.constant dense<0.000000e+00> : vector<6400x128xf32>
    %dot_general3A_30 = tpu.matmul %convert_element_type3A_20, %get3A_28, %dot_general3A_29 {dimension_numbers = #tpu.dot_dimension_numbers<[1], [0], [0], [1], [0, 0, 1, 1], [], []>, transpose_lhs_hint = false} : vector<6400x128xbf16>, vector<128x128xbf16>, vector<6400x128xf32> -> vector<6400x128xf32>
    %get3A_31 = arith.constant 0 : index
    %get3A_32 = arith.constant 0 : index
    %get3A_33 = vector.load %arg3[%get3A_31, %get3A_32] : memref<6400x128xi32, #tpu.memory_space<vmem>>, vector<6400x128xi32>
    %bitcast_convert_type3A = tpu.bitcast %get3A_33 : vector<6400x128xi32> -> vector<6400x128xi32>
    %and3A = arith.constant 65535 : i32
    %and3A_34 = vector.broadcast %and3A : i32 to vector<6400x128xi32>
    %and3A_35 = arith.andi %bitcast_convert_type3A, %and3A_34 : vector<6400x128xi32>
    %convert_element_type3A_36 = arith.trunci %and3A_35 : vector<6400x128xi32> to vector<6400x128xi16>
    %bitcast_convert_type3A_37 = tpu.bitcast %convert_element_type3A_36 : vector<6400x128xi16> -> vector<6400x128xbf16>
    %shift_right_logical3A = arith.constant 16 : i32
    %shift_right_logical3A_38 = vector.broadcast %shift_right_logical3A : i32 to vector<6400x128xi32>
    %shift_right_logical3A_39 = arith.shrui %bitcast_convert_type3A, %shift_right_logical3A_38 : vector<6400x128xi32>
    %convert_element_type3A_40 = arith.trunci %shift_right_logical3A_39 : vector<6400x128xi32> to vector<6400x128xi16>
    %bitcast_convert_type3A_41 = tpu.bitcast %convert_element_type3A_40 : vector<6400x128xi16> -> vector<6400x128xbf16>
    %mul3A_42 = arith.mulf %dot_general3A_25, %dot_general3A_16 : vector<6400x128xf32>
    %convert_element_type3A_43 = arith.truncf %mul3A_42 : vector<6400x128xf32> to vector<6400x128xbf16>
    %mul3A_44 = arith.mulf %convert_element_type3A_43, %bitcast_convert_type3A_37 : vector<6400x128xbf16>
    %get3A_45 = arith.constant 0 : index
    %get3A_46 = arith.constant 0 : index
    %get3A_47 = vector.load %arg9[%get3A_45, %get3A_46] : memref<128x128xbf16, #tpu.memory_space<vmem>>, vector<128x128xbf16>
    %dot_general3A_48 = arith.constant dense<0.000000e+00> : vector<6400x128xf32>
    %dot_general3A_49 = tpu.matmul %mul3A_44, %get3A_47, %dot_general3A_48 {dimension_numbers = #tpu.dot_dimension_numbers<[1], [0], [0], [1], [0, 0, 1, 1], [], []>, transpose_lhs_hint = false} : vector<6400x128xbf16>, vector<128x128xbf16>, vector<6400x128xf32> -> vector<6400x128xf32>
    %get3A_50 = arith.constant 0 : index
    %get3A_51 = arith.constant 0 : index
    %get3A_52 = vector.load %arg13[%get3A_50, %get3A_51] : memref<6400x128xf32, #tpu.memory_space<vmem>>, vector<6400x128xf32>
    %mul3A_53 = arith.mulf %dot_general3A_49, %get3A_52 : vector<6400x128xf32>
    %get3A_54 = arith.constant 0 : index
    %get3A_55 = arith.constant 0 : index
    %get3A_56 = vector.load %arg14[%get3A_54, %get3A_55] : memref<6400x128xf32, #tpu.memory_space<vmem>>, vector<6400x128xf32>
    %mul3A_57 = arith.mulf %dot_general3A_30, %get3A_56 : vector<6400x128xf32>
    %add3A = arith.addf %mul3A_53, %mul3A_57 : vector<6400x128xf32>
    %reshape3A_58 = vector.shape_cast %add3A : vector<6400x128xf32> to vector<200x32x128xf32>
    %reduce_sum3A = arith.constant dense<0.000000e+00> : vector<200x128xf32>
    %reduce_sum3A_59 = vector.multi_reduction <add>, %reshape3A_58, %reduce_sum3A [1] : vector<200x32x128xf32> to vector<200x128xf32>
    %get3A_60 = arith.constant 0 : index
    %get3A_61 = arith.constant 0 : index
    %get3A_62 = vector.load %arg7[%get3A_60, %get3A_61] : memref<1x128xf32, #tpu.memory_space<vmem>>, vector<1x128xf32>
    %add3A_63 = vector.broadcast %get3A_62 : vector<1x128xf32> to vector<200x128xf32>
    %add3A_64 = arith.addf %reduce_sum3A_59, %add3A_63 : vector<200x128xf32>
    %jit3A = arith.constant -8.000000e+00 : f32
    %jit3A_65 = arith.constant 8.000000e+00 : f32
    %max3A = vector.broadcast %jit3A : f32 to vector<200x128xf32>
    %max3A_66 = arith.maximumf %max3A, %add3A_64 : vector<200x128xf32>
    %min3A = vector.broadcast %jit3A_65 : f32 to vector<200x128xf32>
    %min3A_67 = arith.minimumf %min3A, %max3A_66 : vector<200x128xf32>
    %exp3A = math.exp %min3A_67 : vector<200x128xf32>
    %convert_element_type3A_68 = arith.truncf %exp3A : vector<200x128xf32> to vector<200x128xbf16>
    %get3A_69 = arith.constant 0 : index
    %get3A_70 = arith.constant 0 : index
    %get3A_71 = vector.load %arg10[%get3A_69, %get3A_70] : memref<128x128xbf16, #tpu.memory_space<vmem>>, vector<128x128xbf16>
    %dot_general3A_72 = arith.constant dense<0.000000e+00> : vector<200x128xf32>
    %dot_general3A_73 = tpu.matmul %convert_element_type3A_68, %get3A_71, %dot_general3A_72 {dimension_numbers = #tpu.dot_dimension_numbers<[1], [0], [0], [1], [0, 0, 1, 1], [], []>, transpose_lhs_hint = false} : vector<200x128xbf16>, vector<128x128xbf16>, vector<200x128xf32> -> vector<200x128xf32>
    %div3A = arith.divf %exp3A, %dot_general3A_73 : vector<200x128xf32>
    %convert_element_type3A_74 = arith.truncf %div3A : vector<200x128xf32> to vector<200x128xbf16>
    %broadcast_in_dim3A_75 = vector.shape_cast %convert_element_type3A_74 : vector<200x128xbf16> to vector<200x1x128xbf16>
    %broadcast_in_dim3A_76 = vector.shape_cast %broadcast_in_dim3A_75 : vector<200x1x128xbf16> to vector<200x1x128xbf16>
    %broadcast_in_dim3A_77 = vector.broadcast %broadcast_in_dim3A_76 : vector<200x1x128xbf16> to vector<200x32x128xbf16>
    %reshape3A_78 = vector.shape_cast %broadcast_in_dim3A_77 : vector<200x32x128xbf16> to vector<6400x128xbf16>
    %get3A_79 = arith.constant 0 : index
    %get3A_80 = arith.constant 0 : index
    %get3A_81 = vector.load %arg15[%get3A_79, %get3A_80] : memref<6400x128xbf16, #tpu.memory_space<vmem>>, vector<6400x128xbf16>
    %mul3A_82 = arith.mulf %reshape3A_78, %get3A_81 : vector<6400x128xbf16>
    %get3A_83 = arith.constant 0 : index
    %get3A_84 = arith.constant 0 : index
    %get3A_85 = vector.load %arg11[%get3A_83, %get3A_84] : memref<128x128xbf16, #tpu.memory_space<vmem>>, vector<128x128xbf16>
    %dot_general3A_86 = arith.constant dense<0.000000e+00> : vector<6400x128xf32>
    %dot_general3A_87 = tpu.matmul %mul3A_82, %get3A_85, %dot_general3A_86 {dimension_numbers = #tpu.dot_dimension_numbers<[1], [0], [0], [1], [0, 0, 1, 1], [], []>, transpose_lhs_hint = false} : vector<6400x128xbf16>, vector<128x128xbf16>, vector<6400x128xf32> -> vector<6400x128xf32>
    %convert_element_type3A_88 = arith.extf %bitcast_convert_type3A_41 : vector<6400x128xbf16> to vector<6400x128xf32>
    %mul3A_89 = arith.mulf %dot_general3A_87, %convert_element_type3A_88 : vector<6400x128xf32>
    %reshape3A_90 = vector.shape_cast %mul3A_89 : vector<6400x128xf32> to vector<200x32x128xf32>
    %reduce_sum3A_91 = arith.constant dense<0.000000e+00> : vector<200x128xf32>
    %reduce_sum3A_92 = vector.multi_reduction <add>, %reshape3A_90, %reduce_sum3A_91 [1] : vector<200x32x128xf32> to vector<200x128xf32>
    %swap3A = arith.constant 0 : index
    %swap3A_93 = arith.constant 0 : index
    %swap3A_94 = vector.load %arg16[%swap3A, %swap3A_93] : memref<200x128xf32, #tpu.memory_space<vmem>>, vector<200x128xf32>
    tpu.vector_store %arg16[%swap3A, %swap3A_93], %reduce_sum3A_92 {strides = array<i32>} : memref<200x128xf32, #tpu.memory_space<vmem>>, vector<200x128xf32>,
    return
  }
  func.func @transform_0(%arg0: i32) -> (i32, i32) {
    %add3A = arith.constant 40 : i32
    %add3A_0 = arith.addi %add3A, %arg0 : i32
    %c0_i32 = arith.constant 0 : i32
    %c0_i32_1 = arith.constant 0 : i32
    return %add3A_0, %c0_i32 : i32, i32
  }
  func.func @transform_1(%arg0: i32) -> (i32, i32) {
    %add3A = arith.constant 40 : i32
    %add3A_0 = arith.addi %add3A, %arg0 : i32
    %c0_i32 = arith.constant 0 : i32
    %c0_i32_1 = arith.constant 0 : i32
    return %add3A_0, %c0_i32 : i32, i32
  }
  func.func @transform_2(%arg0: i32) -> (i32, i32) {
    %c0_i32 = arith.constant 0 : i32
    %c0_i32_0 = arith.constant 0 : i32
    return %arg0, %c0_i32 : i32, i32
  }
  func.func @transform_3(%arg0: i32) -> (i32, i32) {
    %c0_i32 = arith.constant 0 : i32
    %c0_i32_0 = arith.constant 0 : i32
    %c0_i32_1 = arith.constant 0 : i32
    return %c0_i32, %c0_i32_0 : i32, i32
  }
  func.func @transform_4(%arg0: i32) -> (i32, i32) {
    %c0_i32 = arith.constant 0 : i32
    %c0_i32_0 = arith.constant 0 : i32
    %c0_i32_1 = arith.constant 0 : i32
    return %c0_i32, %c0_i32_0 : i32, i32
  }
  func.func @transform_5(%arg0: i32) -> (i32, i32) {
    %c0_i32 = arith.constant 0 : i32
    %c0_i32_0 = arith.constant 0 : i32
    %c0_i32_1 = arith.constant 0 : i32
    return %c0_i32, %c0_i32_0 : i32, i32
  }
  func.func @transform_6(%arg0: i32) -> (i32, i32) {
    %c0_i32 = arith.constant 0 : i32
    %c0_i32_0 = arith.constant 0 : i32
    %c0_i32_1 = arith.constant 0 : i32
    return %c0_i32, %c0_i32_0 : i32, i32
  }
  func.func @transform_7(%arg0: i32) -> (i32, i32) {
    %c0_i32 = arith.constant 0 : i32
    %c0_i32_0 = arith.constant 0 : i32
    %c0_i32_1 = arith.constant 0 : i32
    return %c0_i32, %c0_i32_0 : i32, i32
  }
  func.func @transform_8(%arg0: i32) -> (i32, i32) {
    %c0_i32 = arith.constant 0 : i32
    %c0_i32_0 = arith.constant 0 : i32
    %c0_i32_1 = arith.constant 0 : i32
    return %c0_i32, %c0_i32_0 : i32, i32
  }
  func.func @transform_9(%arg0: i32) -> (i32, i32) {
    %c0_i32 = arith.constant 0 : i32
    %c0_i32_0 = arith.constant 0 : i32
    %c0_i32_1 = arith.constant 0 : i32
    return %c0_i32, %c0_i32_0 : i32, i32
  }
  func.func @transform_10(%arg0: i32) -> (i32, i32) {
    %c0_i32 = arith.constant 0 : i32
    %c0_i32_0 = arith.constant 0 : i32
    %c0_i32_1 = arith.constant 0 : i32
    return %c0_i32, %c0_i32_0 : i32, i32
  }
  func.func @transform_11(%arg0: i32) -> (i32, i32) {
    %c0_i32 = arith.constant 0 : i32
    %c0_i32_0 = arith.constant 0 : i32
    %c0_i32_1 = arith.constant 0 : i32
    return %c0_i32, %c0_i32_0 : i32, i32
  }
  func.func @transform_12(%arg0: i32) -> (i32, i32) {
    %c0_i32 = arith.constant 0 : i32
    %c0_i32_0 = arith.constant 0 : i32
    %c0_i32_1 = arith.constant 0 : i32
    return %c0_i32, %c0_i32_0 : i32, i32
  }
  func.func @transform_13(%arg0: i32) -> (i32, i32) {
    %c0_i32 = arith.constant 0 : i32
    %c0_i32_0 = arith.constant 0 : i32
    %c0_i32_1 = arith.constant 0 : i32
    return %c0_i32, %c0_i32_0 : i32, i32
  }
  func.func @transform_14(%arg0: i32) -> (i32, i32) {
    %c0_i32 = arith.constant 0 : i32
    %c0_i32_0 = arith.constant 0 : i32
    %c0_i32_1 = arith.constant 0 : i32
    return %c0_i32, %c0_i32_0 : i32, i32
  }
  func.func @transform_15(%arg0: i32) -> (i32, i32) {
    %c0_i32 = arith.constant 0 : i32
    %c0_i32_0 = arith.constant 0 : i32
    return %arg0, %c0_i32 : i32, i32
  }
}

</mosaic_0001>

<sc_bundles>
// kernel: kernel.13.cloned.1.call-start
scs
__scs_entry_jumppad:
0x0: {  	(pc) =	sbr.rel $0x88, $3  }
0x1: {  	(tag) =	ssettag $0x0;
	lr =	simm.s32 $0x1  }
0x2: {  	[smem:$0x3F98] =	sst lr;
	_ =	strace $0xD0000000  }
0x3: {  	_ = 	snop  }
0x4: {  	_ = 	snop  }
0x5: {  	_ = 	snop  }
0x6: {  	_ = 	snop  }
0x7: {  	_ = 	snop  }
__scs_overlays_trampoline_lowered:
0x8: {  	[smem:$0x3FA7] =	sst s0  }
0x9: {  	[smem:$0x3FA8] =	sst s1  }
0xa: {  	[smem:$0x3FA9] =	sst s2  }
0xb: {  	[smem:$0x3FAA] =	sst s3  }
0xc: {  	[smem:$0x3FAB] =	sst s4  }
0xd: {  	[smem:$0x3FAC] =	sst s5  }
0xe: {  	[smem:$0x3FAD] =	sst s6  }
0xf: {  	[smem:$0x3FAE] =	sst s7  }
0x10: {  	[smem:$0x3FAF] =	sst s8  }
0x11: {  	[smem:$0x3FB0] =	sst s9;
	s0 =	simm.s32 @!p0 $0x0  }
0x12: {  	s1 =	sld [smem:$0x3F96];
	s0 =	simm.s32 @p0 $0x1  }
0x13: {  	[smem:$0x3FB1] =	sst s0;
	s0 =	simm.s32 @!p1 $0x0  }
0x14: {  	s2 =	sld [smem:$0x3F95];
	s0 =	simm.s32 @p1 $0x1  }
0x15: {  	[smem:$0x3FB2] =	sst s0;
	s0 =	simm.s32 @!p2 $0x0  }
0x16: {  	s3 =	sld [smem:$0x3FDB];
	s0 =	simm.s32 @p2 $0x1  }
0x17: {  	s4 =	simm.s32 $0x1BF5;
	[smem:$0x3FB4] =	sst s0  }
0x18: {  	s0 =	sld [smem:$0x3F97];
	_ =	swait.ge [sflag:s4], $0x0  }
0x19: {  	s7 =	sld [smem:$0x3F98]  }
0x1a: {  	s8 =	sadd.s32 $0xFFFFE003, lr  }
0x1b: {  	s9 =	sadd.s32 $0xFFFFFEF7, lr;
	s5 =	simm.s32 $0xFFFFFFFF;
	p2 =	slt.u32 s8, $0xFFFFF086  }
0x1c: {  	p1 =	slt.u32 s9, $0xF7A;
	s5 =	simm.s32 @!p2 $0x0  }
0x1d: {  	s5 =	simm.s32 @p1 $0x1;
	p0 =	seq.s32 s7, s2  }
0x1e: {  	s7 =	smul.u32 @!p0 $0xF7A, s2;
	p2 =	seq.s32 @!p0 s5, $0x0  }
0x1f: {  	s9 =	smul.u32 $0xF7A, s1;
	s8 =	simm.s32 @!p0 $0x1BF5;
	p2 =	por !p2, p0  }
0x20: {  	[sflag:s8] =	ssyncset.s32 @!p0 $0xFFFFF086;
	s6 =	sadd.s32 @!p0 s3, s7;
	s7 =	simm.s32 @!p0 $0x108  }
0x21: {  	s3 =	sadd.s32 s3, s9;
	s6 =	sadd.s32 @!p0 $0x88, s6;
	s7 =	simm.s32 @p2 $0x1082  }
0x22: {  	[simem:s7], [sflag:s8] =	dma.local @!p0 [hbm:s6], $0xF7A  }
0x23: {  	s9 =	sor.u32 $0xD0000000, s2;
	s6 =	simm.s32 $0x108;
	_ =	swait.ge @!p0 [sflag:s8], $0x0  }
0x24: {  	s3 =	sadd.s32 $0x88, s3;
	s6 =	simm.s32 @!p1 $0x1082;
	[sflag:s4] =	ssyncset.s32 $0xFFFFF086  }
0x25: {  	[simem:s6], [sflag:s4] =	dma.local [hbm:s3], $0xF7A  }
0x26: {  	[smem:$0x3F98] =	sst s1;
	(tag) =	ssettag s2;
	_ =	strace s9  }
0x27: {  	s1 =	sld [smem:$0x3FA8]  }
0x28: {  	s2 =	sld [smem:$0x3FA9]  }
0x29: {  	s4 =	sld [smem:$0x3FAB]  }
0x2a: {  	p0 =	seq.s32 s5, $0x0;
	s5 =	sld [smem:$0x3FAC]  }
0x2b: {  	s6 =	sld [smem:$0x3FAD]  }
0x2c: {  	s7 =	sld [smem:$0x3FAE]  }
0x2d: {  	s3 =	simm.s32 $0x108;
	s8 =	sld [smem:$0x3FAF]  }
0x2e: {  	s3 =	simm.s32 @!p0 $0x1082;
	s9 =	sld [smem:$0x3FB0]  }
0x2f: {  	lr =	sadd.s32 s0, s3;
	s0 =	sld [smem:$0x3FA7]  }
0x30: {  	s3 =	sld [smem:$0x3FAA]  }
0x31: {  	[smem:$0x3FB3] =	sst s10  }
0x32: {  	s10 =	sld [smem:$0x3FB1];
	_ =	sdelay $0x3  }
0x33: {  	p0 =	seq.s32 s10, $0x1;
	s10 =	sld [smem:$0x3FB3];
	_ =	sdelay $0x3  }
0x34: {  	[smem:$0x3FB3] =	sst s10  }
0x35: {  	s10 =	sld [smem:$0x3FB2];
	_ =	sdelay $0x3  }
0x36: {  	p1 =	seq.s32 s10, $0x1;
	s10 =	sld [smem:$0x3FB3];
	_ =	sdelay $0x3  }
0x37: {  	[smem:$0x3FB3] =	sst s10  }
0x38: {  	s10 =	sld [smem:$0x3FB4]  }
0x39: {  	_ = 	snop;
	(pc) =	sbr.ind lr, $3  }
0x3a: {  	_ = 	snop  }
0x3b: {  	_ = 	snop  }
0x3c: {  	p2 =	seq.s32 s10, $0x1;
	s10 =	sld [smem:$0x3FB3]  }
0x3d: {  	_ =	shalt  }
0x3e: {  	_ =	shalt  }
0x3f: {  	_ =	shalt  }
0x40: {  	_ =	shalt  }
0x41: {  	_ =	shalt  }
0x42: {  	_ =	shalt  }
0x43: {  	_ =	shalt  }
0x44: {  	_ =	shalt  }
0x45: {  	_ =	shalt  }
0x46: {  	_ =	shalt  }
0x47: {  	_ =	shalt  }
0x48: {  	_ =	shalt  }
0x49: {  	_ =	shalt  }
0x4a: {  	_ =	shalt  }
0x4b: {  	_ =	shalt  }
0x4c: {  	_ =	shalt  }
0x4d: {  	_ =	shalt  }
0x4e: {  	_ =	shalt  }
0x4f: {  	_ =	shalt  }
0x50: {  	_ =	shalt  }
0x51: {  	_ =	shalt  }
0x52: {  	_ =	shalt  }
0x53: {  	_ =	shalt  }
0x54: {  	_ =	shalt  }
0x55: {  	_ =	shalt  }
0x56: {  	_ =	shalt  }
0x57: {  	_ =	shalt  }
0x58: {  	_ =	shalt  }
0x59: {  	_ =	shalt  }
0x5a: {  	_ =	shalt  }
0x5b: {  	_ =	shalt  }
0x5c: {  	_ =	shalt  }
0x5d: {  	_ =	shalt  }
0x5e: {  	_ =	shalt  }
0x5f: {  	_ =	shalt  }
0x60: {  	_ =	shalt  }
0x61: {  	_ =	shalt  }
0x62: {  	_ =	shalt  }
0x63: {  	_ =	shalt  }
0x64: {  	_ =	shalt  }
0x65: {  	_ =	shalt  }
0x66: {  	_ =	shalt  }
0x67: {  	_ =	shalt  }
0x68: {  	_ =	shalt  }
0x69: {  	_ =	shalt  }
0x6a: {  	_ =	shalt  }
0x6b: {  	_ =	shalt  }
0x6c: {  	_ =	shalt  }
0x6d: {  	_ =	shalt  }
0x6e: {  	_ =	shalt  }
0x6f: {  	_ =	shalt  }
0x70: {  	_ =	shalt  }
0x71: {  	_ =	shalt  }
0x72: {  	_ =	shalt  }
0x73: {  	_ =	shalt  }
0x74: {  	_ =	shalt  }
0x75: {  	_ =	shalt  }
0x76: {  	_ =	shalt  }
0x77: {  	_ =	shalt  }
0x78: {  	_ =	shalt  }
0x79: {  	_ =	shalt  }
0x7a: {  	_ =	shalt  }
0x7b: {  	_ =	shalt  }
0x7c: {  	_ =	shalt  }
0x7d: {  	_ =	shalt  }
0x7e: {  	_ =	shalt  }
0x7f: {  	_ =	shalt  }
0x80: {  	_ =	shalt  }
0x81: {  	_ =	shalt  }
0x82: {  	_ =	shalt  }
0x83: {  	_ =	shalt  }
0x84: {  	_ =	shalt  }
0x85: {  	_ =	shalt  }
0x86: {  	_ =	shalt  }
0x87: {  	_ =	shalt  }
.Lfunc_end0:
.L_simem_size_0:
called_computation_lowered:
.L_overlay_start_0:
0x88: {  	s2 =	sld [smem:$0x3FD9]  }
0x89: {  	s3 =	sld [smem:$0x3FFE];
	_ =	sdelay $0x1  }
0x8a: {  	s1 =	srdreg.scid  }
0x8b: {  	s0 =	sand.u32 $0x1, s1  }
0x8c: {  	s17 =	sshll.u32 s0, $0xA;
	s2 =	sadd.s32 s3, s2  }
0x8d: {  	s2 =	sadd.s32 s2, s17  }
0x8e: {  	[smem:$0x3FBF] =	sst s2  }
0x8f: {  	_ = 	snop  }
0x90: {  	(tm) =	ssettm $0x1  }
0x91: {  	s18 =	sld [smem:$0x3FFB];
	_ =	sdelay $0x3  }
0x92: {  	_ =	strace s18  }
0x93: {  	s2 =	sld [smem:$0x3FFC];
	_ =	sdelay $0x3  }
0x94: {  	_ =	strace s2  }
0x95: {  	s2 =	sld [smem:$0x3FFD];
	_ =	sdelay $0x3  }
0x96: {  	_ =	strace s2  }
0x97: {  	_ =	strace $0x8FFFFFFF  }
0x98: {  	s19 =	sld [smem:$0x3FDB];
	_ =	sdelay $0x1  }
0x99: {  	s20 =	simm.s32 $_scs_section_size  }
0x9a: {  	s4 =	simm.s32 $_size__tile_overlayer_lowered;
	s5 =	simm.s32 $_tile_overlayer_lowered  }
0x9b: {  	s6 =	simm.s32 $0x1BFF;
	s21 =	sshll.u32 s5, $0x1;
	s3 =	sadd.s32 s20, s19  }
0x9c: {  	s22 =	simm.s32 $0x0;
	s4 =	sshll.u32 s4, $0x1;
	s5 =	sadd.s32 s21, s3  }
0x9d: {  	[timem:s22], [sflag:s6] =	dma.local [hbm:s5], s4  }
0x9e: {  	_ =	swait.ge [sflag:s6], s4  }
0x9f: {  	s4 =	ssub.s32 $0x0, s4;
	[sflag:s6] =	ssyncset.done $0x0  }
0xa0: {  	[sflag:s6] =	ssyncadd.s32 s4;
	_ =	sdelay $0x1  }
0xa1: {  	s23 =	simm.s32 $0x1B8B  }
0xa2: {  	_ =	swait.ge [sflag:s23], $0x1  }
0xa3: {  	[sflag:s23] =	ssyncset.done $0x0  }
0xa4: {  	[sflag:s23] =	ssyncadd.s32 $0xFFFFFFFF  }
0xa5: {  	s4 =	sld [smem:$0x0]  }
0xa6: {  	s5 =	sand.u32 $0xFFFFFFFE, s1  }
0xa7: {  	p0 =	sne.s32 s1, s5  }
0xa8: {  	s5 =	sshll.u32 @p0 s5, $0xE  }
0xa9: {  	s5 =	sadd.s32 @p0 $0x11B8D, s5;
	s6 =	sshll.u32 @p0 s4, $0x11  }
0xaa: {  	s5 =	sor.u32 @p0 s6, s5  }
0xab: {  	[sflag:s5] =	ssyncadd.remote.s32 @p0 $0x1;
	_ =	sdelay $0x1  }
0xac: {  	s5 =	simm.s32 @p0 $0x1B8D  }
0xad: {  	_ =	swait.eq @p0 [sflag:s5], $0x1  }
0xae: {  	[sflag:s5] =	ssyncadd.s32 @p0 $0xFFFFFFFF  }
0xaf: {  	s6 =	sshll.u32 @!p0 s1, $0xE  }
0xb0: {  	s6 =	sor.u32 @!p0 $0x4000, s6;
	s5 =	simm.s32 @!p0 $0x1B8D  }
0xb1: {  	s4 =	sshll.u32 @!p0 s4, $0x11;
	s6 =	sadd.s32 @!p0 $0x11B8D, s6;
	_ =	swait.eq @!p0 [sflag:s5], $0x1  }
0xb2: {  	s4 =	sor.u32 @!p0 s4, s6;
	[sflag:s5] =	ssyncadd.s32 @!p0 $0xFFFFFFFF  }
0xb3: {  	s25 =	simm.s32 $0x1B8E;
	s24 =	sld [smem:$0x3FFE];
	[sflag:s4] =	ssyncadd.remote.s32 @!p0 $0x1  }
0xb4: {  	s26 =	simm.s32 $execute0_lowered;
	[smem:$0x3FD2] =	sst s25  }
0xb5: {  	s5 =	sshll.u32 s26, $0x1;
	_ =	strace $0x8000004F;
	[dreg:$0x1] =	wrdreg $0xFFFFFFFF  }
0xb6: {  	s28 =	simm.s32 $_size_execute0_lowered;
	s3 =	sadd.s32 s3, s5;
	[dreg:$0x0] =	wrdreg $0x0  }
0xb7: {  	s5 =	sshll.u32 s28, $0x1;
	[dreg:$0x2] =	wrdreg s3  }
0xb8: {  	[dreg:$0x3] =	wrdreg s5  }
0xb9: {  	[dreg:$0x4] =	wrdreg $0xC0  }
0xba: {  	_ =	task [dreg:s22], $0x5FFFF  }
0xbb: {  	[dreg:$0x1] =	wrdreg $0xFFFFFFFF  }
0xbc: {  	[dreg:$0x0] =	wrdreg $0x60  }
0xbd: {  	[dreg:$0x2] =	wrdreg s24  }
0xbe: {  	[dreg:$0x3] =	wrdreg $0x9  }
0xbf: {  	_ =	task.clear_ibuf [dreg:s22], $0x4FFFF;
	_ =	strace $0x9000004F  }
0xc0: {  	s29 =	simm.s32 $0x9;
	_ =	strace $0x80000051  }
0xc1: {  	_ =	swait.ge [sflag:s29], $0x1  }
0xc2: {  	[sflag:s29] =	ssyncadd.s32 $0xFFFFFFFF  }
0xc3: {  	_ =	strace $0x90000051  }
0xc4: {  	_ =	sfence  }
0xc5: {  	s30 =	sld [smem:$0x0];
	_ =	sdelay $0x2  }
0xc6: {  	s31 =	sshll.u32 s1, $0xD;
	s1 =	sshrl.u32 s1, $0x2  }
0xc7: {  	s4 =	sand.u32 $0x4000, s31;
	s1 =	sadd.s32 s1, s30  }
0xc8: {  	s0 =	sor.u32 s4, s0;
	s1 =	sshll.u32 s1, $0x11  }
0xc9: {  	s0 =	sor.u32 s1, s0  }
0xca: {  	s0 =	sadd.s32 $0x8F2B, s0  }
0xcb: {  	[sflag:s0] =	ssyncadd.remote.s32 $0x1  }
0xcc: {  	_ =	sfence.sel $0xFFFF  }
0xcd: {  	[dreg:$0x0] =	wrdreg $0xFFFFFFFF;
	(pc) =	sbr.abs _section_cstart, $3  }
0xce: {  	[dreg:$0x1] =	wrdreg $0xFFFFFFFF  }
0xcf: {  	_ =	task.clear_ibuf [dreg:s22], $0x2FFFF;
	_ =	strace $0x9FFFFFFF  }
0xd0: {  	(tm) =	ssettm $0x7FFFFFFF  }
0xd1: {  	_ =	shalt  }
tec
execute0_lowered:
.L_overlay_start_1:
0x0: {  	(tag) =	ssettag $0x1  }
0x1: {  	s5 =	rddreg [dreg:$0x0]  }
0x2: {  	s0 =	rddreg [dreg:$0x1]  }
0x3: {  	s3 =	srdreg.scid;
	s1 =	stileid.u32;
	s2 =	simm.s32 $0x0  }
0x4: {  	s16 =	simm.s32 $0x100;
	s17 =	simm.s32 $0x6600;
	s18 =	simm.s32 $0x1  }
0x5: {  	s19 =	simm.s32 $0x2;
	s20 =	simm.s32 $0x0;
	s9 =	sand.u32 $0x1, s3  }
0x6: {  	s25 =	sshll.u32 s1, $0x1;
	[smem:$0x7FF] =	sst s2;
	s13 =	smul.u32 $0xFA0, s1  }
0x7: {  	s3 =	sadd.s32 $0x9A00, s5;
	s4 =	sadd.s32 $0x31EC00, s5;
	s14 =	smul.u32 $0xFA00, s1  }
0x8: {  	s6 =	sor.u32 s9, s25;
	s8 =	ssub.s32 $0x2, s9;
	s30 =	smul.u32 $0x7D0, s9  }
0x9: {  	s10 =	sadd.s32 $0x320C00, s5;
	s7 =	smul.u32 $0x7D0, s6;
	s26 =	sshrl.u32 s8, $0x1  }
0xa: {  	_ =	strace $0x80000050;
	s28 =	smul.u32 $0x7D00, s6;
	s8 =	ssub.s32 s8, s26  }
0xb: {  	s15 =	smul.u32 $0x7D00, s9;
	s11 =	sshrl.u32 s7, $0x3;
	s6 =	smax.u32 s8, $0x1  }
0xc: {  	s12 =	sadd.s32 $0x708, s7;
	s29 =	sadd.s32 s10, s28;
	s5 =	sadd.s32 s4, s11  }
0xd: {  	s7 =	sshrl.u32 s12, $0x3;
	s8 =	sadd.s32 $0x6400, s29;
	s12 =	sshll.u32 s12, $0x4  }
0xe: {  	s11 =	sadd.s32 s30, s13;
	s13 =	simm.s32 $0x3;
	s7 =	sadd.s32 s4, s7  }
0xf: {  	s9 =	sadd.s32 s10, s12;
	s10 =	sadd.s32 s14, s10;
	s31 =	sadd.s32 $0xC8, s11  }
0x10: {  	s11 =	sadd.s32 $0x190, s11;
	s14 =	simm.s32 $0xC8;
	s12 =	sshrl.u32 s31, $0x3  }
0x11: {  	s10 =	sadd.s32 s15, s10;
	s15 =	simm.s32 $0x200;
	s12 =	sadd.s32 s12, s4  }
.LBB2_1:
0x12: {  	[tilespmem:s2], [sflag:$0x3] =	stream.linear.gather [hbm4b:s5+s2], $0xC8, $0x38;
	[tilespmem:$0xCA00] =	vst v63  }
0x13: {  	_ =	swait.ge [sflag:s13], $0xC8  }
0x14: {  	[sflag:s13] =	ssyncset.done $0x0  }
0x15: {  	[sflag:s13] =	ssyncadd.s32 $0xFFFFFF38  }
0x16: {  	[tilespmem:s15], [sflag:$0x1] =	stream.indirect.gather [hbm4b:s3+s14], $0x80, s2, s14, $0xb8;
	[tilespmem:$0xCA00] =	vst v63  }
0x17: {  	s21 =	sadd.s32 $0x0, s12  }
0x18: {  	[tilespmem:s16], [sflag:$0x3] =	stream.linear.gather [hbm4b:s21+s2], $0xC8, $0x38;
	[tilespmem:$0xCA00] =	vst v63  }
0x19: {  	_ =	swait.ge [sflag:s13], $0xC8  }
0x1a: {  	[sflag:s13] =	ssyncset.done $0x0  }
0x1b: {  	[sflag:s13] =	ssyncadd.s32 $0xFFFFFF38  }
0x1c: {  	[tilespmem:s17], [sflag:$0x2] =	stream.indirect.gather [hbm4b:s3+s14], $0x80, s16, s14, $0xb8;
	[tilespmem:$0xCA00] =	vst v63  }
0x1d: {  	_ =	swait.ge [sflag:s18], $0x6400  }
0x1e: {  	[sflag:s18] =	ssyncset.done $0x0  }
0x1f: {  	[sflag:s18] =	ssyncadd.s32 $0xFFFF9C00  }
0x20: {  	[hbm4b:s10+s2] =	stream.linear.scatter [tilespmem:s15], [sflag:$0x3], $0x6400, $0x38;
	[tilespmem:$0xCA00] =	vst v63  }
0x21: {  	_ =	swait.ge [sflag:s13], $0x6400  }
0x22: {  	s30 =	sshrl.u32 s11, $0x3;
	[sflag:s13] =	ssyncset.done $0x0  }
0x23: {  	s21 =	sadd.s32 s4, s30;
	[sflag:s13] =	ssyncadd.s32 $0xFFFF9C00  }
0x24: {  	[tilespmem:s2], [sflag:$0x3] =	stream.linear.gather [hbm4b:s21+s2], $0xC8, $0x38;
	[tilespmem:$0xCA00] =	vst v63  }
0x25: {  	_ =	swait.ge [sflag:s13], $0xC8  }
0x26: {  	[sflag:s13] =	ssyncset.done $0x0  }
0x27: {  	[sflag:s13] =	ssyncadd.s32 $0xFFFFFF38  }
0x28: {  	[tilespmem:s15], [sflag:$0x1] =	stream.indirect.gather [hbm4b:s3+s14], $0x80, s2, s14, $0xb8;
	[tilespmem:$0xCA00] =	vst v63  }
0x29: {  	_ =	swait.ge [sflag:s19], $0x6400  }
0x2a: {  	[sflag:s19] =	ssyncset.done $0x0  }
0x2b: {  	s31 =	sadd.s32 $0xC80, s10;
	[sflag:s19] =	ssyncadd.s32 $0xFFFF9C00  }
0x2c: {  	[hbm4b:s31+s2] =	stream.linear.scatter [tilespmem:s17], [sflag:$0x3], $0x6400, $0x38;
	[tilespmem:$0xCA00] =	vst v63  }
0x2d: {  	s23 =	simm.s32 $0x32;
	s24 =	simm.s32 $0x64;
	_ =	swait.ge [sflag:s13], $0x6400  }
0x2e: {  	s22 =	sadd.s32 $0x190, s11;
	s21 =	sadd.s32 $0x1900, s10;
	[sflag:s13] =	ssyncset.done $0x0  }
.LBB2_2:
0x2f: {  	s25 =	sadd.s32 s23, s12  }
0x30: {  	[sflag:s13] =	ssyncadd.s32 $0xFFFF9C00;
	s23 =	smov.u32 s24;
	s26 =	sadd.s32 $0x32, s24  }
0x31: {  	[tilespmem:s16], [sflag:$0x3] =	stream.linear.gather [hbm4b:s25+s2], $0xC8, $0x38;
	[tilespmem:$0xCA00] =	vst v63  }
0x32: {  	p0 =	sne.s32 s24, $0x96;
	_ =	swait.ge [sflag:s13], $0xC8  }
0x33: {  	[sflag:s13] =	ssyncset.done $0x0  }
0x34: {  	[sflag:s13] =	ssyncadd.s32 $0xFFFFFF38  }
0x35: {  	[tilespmem:s17], [sflag:$0x2] =	stream.indirect.gather [hbm4b:s3+s14], $0x80, s16, s14, $0xb8;
	[tilespmem:$0xCA00] =	vst v63  }
0x36: {  	_ =	swait.ge [sflag:s18], $0x6400  }
0x37: {  	[sflag:s18] =	ssyncset.done $0x0  }
0x38: {  	[sflag:s18] =	ssyncadd.s32 $0xFFFF9C00  }
0x39: {  	[hbm4b:s21+s2] =	stream.linear.scatter [tilespmem:s15], [sflag:$0x3], $0x6400, $0x38;
	[tilespmem:$0xCA00] =	vst v63  }
0x3a: {  	_ =	swait.ge [sflag:s13], $0x6400  }
0x3b: {  	s24 =	sshrl.u32 s22, $0x3;
	[sflag:s13] =	ssyncset.done $0x0  }
0x3c: {  	s24 =	sadd.s32 s4, s24;
	[sflag:s13] =	ssyncadd.s32 $0xFFFF9C00  }
0x3d: {  	[tilespmem:s2], [sflag:$0x3] =	stream.linear.gather [hbm4b:s24+s2], $0xC8, $0x38;
	[tilespmem:$0xCA00] =	vst v63  }
0x3e: {  	_ =	swait.ge [sflag:s13], $0xC8  }
0x3f: {  	[sflag:s13] =	ssyncset.done $0x0  }
0x40: {  	[sflag:s13] =	ssyncadd.s32 $0xFFFFFF38  }
0x41: {  	[tilespmem:s15], [sflag:$0x1] =	stream.indirect.gather [hbm4b:s3+s14], $0x80, s2, s14, $0xb8;
	[tilespmem:$0xCA00] =	vst v63  }
0x42: {  	_ =	swait.ge [sflag:s19], $0x6400  }
.Ltmp0:
0x43: {  	[sflag:s19] =	ssyncset.done $0x0;
	(pc) =	sbr.rel @p0 .LBB2_2-.Ltmp0, $4  }
0x44: {  	s24 =	sadd.s32 $0xC80, s21;
	[sflag:s19] =	ssyncadd.s32 $0xFFFF9C00  }
0x45: {  	[hbm4b:s24+s2] =	stream.linear.scatter [tilespmem:s17], [sflag:$0x3], $0x6400, $0x38;
	[tilespmem:$0xCA00] =	vst v63  }
0x46: {  	s22 =	sadd.s32 $0x190, s22;
	_ =	swait.ge [sflag:s13], $0x6400  }
0x47: {  	s21 =	sadd.s32 $0x1900, s21;
	s24 =	smov.u32 s26;
	[sflag:s13] =	ssyncset.done $0x0  }
0x48: {  	s23 =	sadd.s32 s23, s12;
	[sflag:s13] =	ssyncadd.s32 $0xFFFF9C00  }
0x49: {  	[tilespmem:s16], [sflag:$0x3] =	stream.linear.gather [hbm4b:s23+s2], $0xC8, $0x38;
	[tilespmem:$0xCA00] =	vst v63  }
0x4a: {  	_ =	swait.ge [sflag:s13], $0xC8  }
0x4b: {  	[sflag:s13] =	ssyncset.done $0x0  }
0x4c: {  	[sflag:s13] =	ssyncadd.s32 $0xFFFFFF38  }
0x4d: {  	[tilespmem:s17], [sflag:$0x2] =	stream.indirect.gather [hbm4b:s3+s14], $0x80, s16, s14, $0xb8;
	[tilespmem:$0xCA00] =	vst v63  }
0x4e: {  	_ =	swait.ge [sflag:s18], $0x6400  }
0x4f: {  	[sflag:s18] =	ssyncset.done $0x0  }
0x50: {  	[sflag:s18] =	ssyncadd.s32 $0xFFFF9C00  }
0x51: {  	[hbm4b:s21+s2] =	stream.linear.scatter [tilespmem:s15], [sflag:$0x3], $0x6400, $0x38;
	[tilespmem:$0xCA00] =	vst v63  }
0x52: {  	_ =	swait.ge [sflag:s13], $0x6400  }
0x53: {  	s22 =	sshrl.u32 s22, $0x3;
	[sflag:s13] =	ssyncset.done $0x0  }
0x54: {  	s22 =	sadd.s32 s4, s22;
	[sflag:s13] =	ssyncadd.s32 $0xFFFF9C00  }
0x55: {  	[tilespmem:s2], [sflag:$0x3] =	stream.linear.gather [hbm4b:s22+s2], $0xC8, $0x38;
	[tilespmem:$0xCA00] =	vst v63  }
0x56: {  	_ =	swait.ge [sflag:s13], $0xC8  }
0x57: {  	[sflag:s13] =	ssyncset.done $0x0  }
0x58: {  	[sflag:s13] =	ssyncadd.s32 $0xFFFFFF38  }
0x59: {  	[tilespmem:s15], [sflag:$0x1] =	stream.indirect.gather [hbm4b:s3+s14], $0x80, s2, s14, $0xb8;
	[tilespmem:$0xCA00] =	vst v63  }
0x5a: {  	_ =	swait.ge [sflag:s19], $0x6400  }
0x5b: {  	[sflag:s19] =	ssyncset.done $0x0  }
0x5c: {  	s31 =	sadd.s32 $0xC80, s21;
	[sflag:s19] =	ssyncadd.s32 $0xFFFF9C00  }
0x5d: {  	[hbm4b:s31+s2] =	stream.linear.scatter [tilespmem:s17], [sflag:$0x3], $0x6400, $0x38;
	[tilespmem:$0xCA00] =	vst v63  }
0x5e: {  	_ =	swait.ge [sflag:s13], $0x6400  }
0x5f: {  	[sflag:s13] =	ssyncset.done $0x0  }
0x60: {  	[sflag:s13] =	ssyncadd.s32 $0xFFFF9C00  }
0x61: {  	[tilespmem:s16], [sflag:$0x3] =	stream.linear.gather [hbm4b:s7+s2], $0xC8, $0x38;
	[tilespmem:$0xCA00] =	vst v63  }
0x62: {  	_ =	swait.ge [sflag:s13], $0xC8  }
0x63: {  	[sflag:s13] =	ssyncset.done $0x0  }
0x64: {  	[sflag:s13] =	ssyncadd.s32 $0xFFFFFF38  }
0x65: {  	[tilespmem:s17], [sflag:$0x2] =	stream.indirect.gather [hbm4b:s3+s14], $0x80, s16, s14, $0xb8;
	[tilespmem:$0xCA00] =	vst v63  }
0x66: {  	_ =	swait.ge [sflag:s18], $0x6400  }
0x67: {  	[sflag:s18] =	ssyncset.done $0x0  }
0x68: {  	[sflag:s18] =	ssyncadd.s32 $0xFFFF9C00  }
0x69: {  	[hbm4b:s8+s2] =	stream.linear.scatter [tilespmem:s15], [sflag:$0x3], $0x6400, $0x38;
	[tilespmem:$0xCA00] =	vst v63  }
0x6a: {  	_ =	swait.ge [sflag:s13], $0x6400  }
0x6b: {  	[sflag:s13] =	ssyncset.done $0x0  }
0x6c: {  	[sflag:s13] =	ssyncadd.s32 $0xFFFF9C00  }
0x6d: {  	s20 =	sadd.s32 $0x1, s20;
	_ =	swait.ge [sflag:s19], $0x6400  }
0x6e: {  	p0 =	sne.s32 s20, s6;
	[sflag:s19] =	ssyncset.done $0x0  }
.Ltmp1:
0x6f: {  	[sflag:s19] =	ssyncadd.s32 $0xFFFF9C00;
	(pc) =	sbr.rel @p0 .LBB2_1-.Ltmp1, $4  }
0x70: {  	[hbm4b:s9+s2] =	stream.linear.scatter [tilespmem:s17], [sflag:$0x3], $0x6400, $0x38;
	[tilespmem:$0xCA00] =	vst v63  }
0x71: {  	_ =	swait.ge [sflag:s13], $0x6400  }
0x72: {  	[sflag:s13] =	ssyncset.done $0x0  }
0x73: {  	[sflag:s13] =	ssyncadd.s32 $0xFFFF9C00  }
0x74: {  	_ =	sfence.sel $0x180000  }
0x75: {  	[bflag:$0x0] =	sbarrier.arrive $0xFFFF  }
0x76: {  	p0 =	sne.s32 s1, $0x0;
	_ =	strace $0x90000050  }
0x77: {  	s0 =	sadd.s32 @!p0 $0x100000, s0;
	[bflag:$0x2] =	sbarrier.arrive $0xFFFF  }
0x78: {  	[sflag:s0] =	ssyncadd.tile.s32 @!p0 $0x1;
	_ =	shalt  }
.Lfunc_end2:
_tile_overlayer_lowered:
.L_overlay_start_2:
0x79: {  	(tag) =	ssettag $0x2  }
0x7a: {  	s0 =	rddreg [dreg:$0x0];
	s2 =	stileid.u32  }
0x7b: {  	s1 =	rddreg [dreg:$0x1];
	p0 =	sne.s32 s2, $0x0  }
0x7c: {  	s3 =	rddreg [dreg:$0x2];
	[bflag:$0x3] =	sbarrier.arrive $0xFFFF;
	s2 =	simm.s32 @!p0 $0x1C03  }
0x7d: {  	[timem:s3], [sflag:s2] =	dma.local @!p0 [hbm:s0], s1  }
0x7e: {  	s0 =	simm.s32 @!p0 $0x3  }
0x7f: {  	_ =	swait.ge @!p0 [sflag:s0], s1  }
0x80: {  	s1 =	ssub.s32 @!p0 $0x0, s1;
	[sflag:s0] =	ssyncset.done @!p0 $0x0  }
0x81: {  	[sflag:s0] =	ssyncadd.s32 @!p0 s1  }
0x82: {  	[bflag:$0x3] =	sbarrier.arrive $0xFFFF  }
0x83: {  	_ =	shalt  }

// kernel: kernel.16.cloned.1.call-start
scs
__scs_entry_jumppad:
0x0: {  	(pc) =	sbr.rel $0x88, $3  }
0x1: {  	(tag) =	ssettag $0x0;
	lr =	simm.s32 $0x1  }
0x2: {  	[smem:$0x3F98] =	sst lr;
	_ =	strace $0xD0000000  }
0x3: {  	_ = 	snop  }
0x4: {  	_ = 	snop  }
0x5: {  	_ = 	snop  }
0x6: {  	_ = 	snop  }
0x7: {  	_ = 	snop  }
__scs_overlays_trampoline_lowered:
0x8: {  	[smem:$0x3FA7] =	sst s0  }
0x9: {  	[smem:$0x3FA8] =	sst s1  }
0xa: {  	[smem:$0x3FA9] =	sst s2  }
0xb: {  	[smem:$0x3FAA] =	sst s3  }
0xc: {  	[smem:$0x3FAB] =	sst s4  }
0xd: {  	[smem:$0x3FAC] =	sst s5  }
0xe: {  	[smem:$0x3FAD] =	sst s6  }
0xf: {  	[smem:$0x3FAE] =	sst s7  }
0x10: {  	[smem:$0x3FAF] =	sst s8  }
0x11: {  	[smem:$0x3FB0] =	sst s9;
	s0 =	simm.s32 @!p0 $0x0  }
0x12: {  	s1 =	sld [smem:$0x3F96];
	s0 =	simm.s32 @p0 $0x1  }
0x13: {  	[smem:$0x3FB1] =	sst s0;
	s0 =	simm.s32 @!p1 $0x0  }
0x14: {  	s2 =	sld [smem:$0x3F95];
	s0 =	simm.s32 @p1 $0x1  }
0x15: {  	[smem:$0x3FB2] =	sst s0;
	s0 =	simm.s32 @!p2 $0x0  }
0x16: {  	s3 =	sld [smem:$0x3FDB];
	s0 =	simm.s32 @p2 $0x1  }
0x17: {  	s4 =	simm.s32 $0x1BF5;
	[smem:$0x3FB4] =	sst s0  }
0x18: {  	s0 =	sld [smem:$0x3F97];
	_ =	swait.ge [sflag:s4], $0x0  }
0x19: {  	s7 =	sld [smem:$0x3F98]  }
0x1a: {  	s8 =	sadd.s32 $0xFFFFE003, lr  }
0x1b: {  	s9 =	sadd.s32 $0xFFFFFEF7, lr;
	s5 =	simm.s32 $0xFFFFFFFF;
	p2 =	slt.u32 s8, $0xFFFFF086  }
0x1c: {  	p1 =	slt.u32 s9, $0xF7A;
	s5 =	simm.s32 @!p2 $0x0  }
0x1d: {  	s5 =	simm.s32 @p1 $0x1;
	p0 =	seq.s32 s7, s2  }
0x1e: {  	s7 =	smul.u32 @!p0 $0xF7A, s2;
	p2 =	seq.s32 @!p0 s5, $0x0  }
0x1f: {  	s9 =	smul.u32 $0xF7A, s1;
	s8 =	simm.s32 @!p0 $0x1BF5;
	p2 =	por !p2, p0  }
0x20: {  	[sflag:s8] =	ssyncset.s32 @!p0 $0xFFFFF086;
	s6 =	sadd.s32 @!p0 s3, s7;
	s7 =	simm.s32 @!p0 $0x108  }
0x21: {  	s3 =	sadd.s32 s3, s9;
	s6 =	sadd.s32 @!p0 $0x88, s6;
	s7 =	simm.s32 @p2 $0x1082  }
0x22: {  	[simem:s7], [sflag:s8] =	dma.local @!p0 [hbm:s6], $0xF7A  }
0x23: {  	s9 =	sor.u32 $0xD0000000, s2;
	s6 =	simm.s32 $0x108;
	_ =	swait.ge @!p0 [sflag:s8], $0x0  }
0x24: {  	s3 =	sadd.s32 $0x88, s3;
	s6 =	simm.s32 @!p1 $0x1082;
	[sflag:s4] =	ssyncset.s32 $0xFFFFF086  }
0x25: {  	[simem:s6], [sflag:s4] =	dma.local [hbm:s3], $0xF7A  }
0x26: {  	[smem:$0x3F98] =	sst s1;
	(tag) =	ssettag s2;
	_ =	strace s9  }
0x27: {  	s1 =	sld [smem:$0x3FA8]  }
0x28: {  	s2 =	sld [smem:$0x3FA9]  }
0x29: {  	s4 =	sld [smem:$0x3FAB]  }
0x2a: {  	p0 =	seq.s32 s5, $0x0;
	s5 =	sld [smem:$0x3FAC]  }
0x2b: {  	s6 =	sld [smem:$0x3FAD]  }
0x2c: {  	s7 =	sld [smem:$0x3FAE]  }
0x2d: {  	s3 =	simm.s32 $0x108;
	s8 =	sld [smem:$0x3FAF]  }
0x2e: {  	s3 =	simm.s32 @!p0 $0x1082;
	s9 =	sld [smem:$0x3FB0]  }
0x2f: {  	lr =	sadd.s32 s0, s3;
	s0 =	sld [smem:$0x3FA7]  }
0x30: {  	s3 =	sld [smem:$0x3FAA]  }
0x31: {  	[smem:$0x3FB3] =	sst s10  }
0x32: {  	s10 =	sld [smem:$0x3FB1];
	_ =	sdelay $0x3  }
0x33: {  	p0 =	seq.s32 s10, $0x1;
	s10 =	sld [smem:$0x3FB3];
	_ =	sdelay $0x3  }
0x34: {  	[smem:$0x3FB3] =	sst s10  }
0x35: {  	s10 =	sld [smem:$0x3FB2];
	_ =	sdelay $0x3  }
0x36: {  	p1 =	seq.s32 s10, $0x1;
	s10 =	sld [smem:$0x3FB3];
	_ =	sdelay $0x3  }
0x37: {  	[smem:$0x3FB3] =	sst s10  }
0x38: {  	s10 =	sld [smem:$0x3FB4]  }
0x39: {  	_ = 	snop;
	(pc) =	sbr.ind lr, $3  }
0x3a: {  	_ = 	snop  }
0x3b: {  	_ = 	snop  }
0x3c: {  	p2 =	seq.s32 s10, $0x1;
	s10 =	sld [smem:$0x3FB3]  }
0x3d: {  	_ =	shalt  }
0x3e: {  	_ =	shalt  }
0x3f: {  	_ =	shalt  }
0x40: {  	_ =	shalt  }
0x41: {  	_ =	shalt  }
0x42: {  	_ =	shalt  }
0x43: {  	_ =	shalt  }
0x44: {  	_ =	shalt  }
0x45: {  	_ =	shalt  }
0x46: {  	_ =	shalt  }
0x47: {  	_ =	shalt  }
0x48: {  	_ =	shalt  }
0x49: {  	_ =	shalt  }
0x4a: {  	_ =	shalt  }
0x4b: {  	_ =	shalt  }
0x4c: {  	_ =	shalt  }
0x4d: {  	_ =	shalt  }
0x4e: {  	_ =	shalt  }
0x4f: {  	_ =	shalt  }
0x50: {  	_ =	shalt  }
0x51: {  	_ =	shalt  }
0x52: {  	_ =	shalt  }
0x53: {  	_ =	shalt  }
0x54: {  	_ =	shalt  }
0x55: {  	_ =	shalt  }
0x56: {  	_ =	shalt  }
0x57: {  	_ =	shalt  }
0x58: {  	_ =	shalt  }
0x59: {  	_ =	shalt  }
0x5a: {  	_ =	shalt  }
0x5b: {  	_ =	shalt  }
0x5c: {  	_ =	shalt  }
0x5d: {  	_ =	shalt  }
0x5e: {  	_ =	shalt  }
0x5f: {  	_ =	shalt  }
0x60: {  	_ =	shalt  }
0x61: {  	_ =	shalt  }
0x62: {  	_ =	shalt  }
0x63: {  	_ =	shalt  }
0x64: {  	_ =	shalt  }
0x65: {  	_ =	shalt  }
0x66: {  	_ =	shalt  }
0x67: {  	_ =	shalt  }
0x68: {  	_ =	shalt  }
0x69: {  	_ =	shalt  }
0x6a: {  	_ =	shalt  }
0x6b: {  	_ =	shalt  }
0x6c: {  	_ =	shalt  }
0x6d: {  	_ =	shalt  }
0x6e: {  	_ =	shalt  }
0x6f: {  	_ =	shalt  }
0x70: {  	_ =	shalt  }
0x71: {  	_ =	shalt  }
0x72: {  	_ =	shalt  }
0x73: {  	_ =	shalt  }
0x74: {  	_ =	shalt  }
0x75: {  	_ =	shalt  }
0x76: {  	_ =	shalt  }
0x77: {  	_ =	shalt  }
0x78: {  	_ =	shalt  }
0x79: {  	_ =	shalt  }
0x7a: {  	_ =	shalt  }
0x7b: {  	_ =	shalt  }
0x7c: {  	_ =	shalt  }
0x7d: {  	_ =	shalt  }
0x7e: {  	_ =	shalt  }
0x7f: {  	_ =	shalt  }
0x80: {  	_ =	shalt  }
0x81: {  	_ =	shalt  }
0x82: {  	_ =	shalt  }
0x83: {  	_ =	shalt  }
0x84: {  	_ =	shalt  }
0x85: {  	_ =	shalt  }
0x86: {  	_ =	shalt  }
0x87: {  	_ =	shalt  }
.Lfunc_end0:
.L_simem_size_0:
called_computation.1_lowered:
.L_overlay_start_0:
0x88: {  	s2 =	sld [smem:$0x3FD9]  }
0x89: {  	s3 =	sld [smem:$0x3FFE];
	_ =	sdelay $0x1  }
0x8a: {  	s1 =	srdreg.scid  }
0x8b: {  	s0 =	sand.u32 $0x1, s1  }
0x8c: {  	s17 =	sshll.u32 s0, $0xA;
	s2 =	sadd.s32 s3, s2  }
0x8d: {  	s2 =	sadd.s32 s2, s17  }
0x8e: {  	[smem:$0x3FBF] =	sst s2  }
0x8f: {  	_ = 	snop  }
0x90: {  	(tm) =	ssettm $0x1  }
0x91: {  	s18 =	sld [smem:$0x3FFB];
	_ =	sdelay $0x3  }
0x92: {  	_ =	strace s18  }
0x93: {  	s2 =	sld [smem:$0x3FFC];
	_ =	sdelay $0x3  }
0x94: {  	_ =	strace s2  }
0x95: {  	s2 =	sld [smem:$0x3FFD];
	_ =	sdelay $0x3  }
0x96: {  	_ =	strace s2  }
0x97: {  	_ =	strace $0x8FFFFFFF  }
0x98: {  	s19 =	sld [smem:$0x3FDB];
	_ =	sdelay $0x1  }
0x99: {  	s20 =	simm.s32 $_scs_section_size  }
0x9a: {  	s4 =	simm.s32 $_size__tile_overlayer_lowered;
	s5 =	simm.s32 $_tile_overlayer_lowered  }
0x9b: {  	s6 =	simm.s32 $0x1BFF;
	s21 =	sshll.u32 s5, $0x1;
	s3 =	sadd.s32 s20, s19  }
0x9c: {  	s22 =	simm.s32 $0x0;
	s4 =	sshll.u32 s4, $0x1;
	s5 =	sadd.s32 s21, s3  }
0x9d: {  	[timem:s22], [sflag:s6] =	dma.local [hbm:s5], s4  }
0x9e: {  	_ =	swait.ge [sflag:s6], s4  }
0x9f: {  	s4 =	ssub.s32 $0x0, s4;
	[sflag:s6] =	ssyncset.done $0x0  }
0xa0: {  	[sflag:s6] =	ssyncadd.s32 s4;
	_ =	sdelay $0x1  }
0xa1: {  	s23 =	simm.s32 $0x1B8B  }
0xa2: {  	_ =	swait.ge [sflag:s23], $0x1  }
0xa3: {  	[sflag:s23] =	ssyncset.done $0x0  }
0xa4: {  	[sflag:s23] =	ssyncadd.s32 $0xFFFFFFFF  }
0xa5: {  	s4 =	sld [smem:$0x0]  }
0xa6: {  	s5 =	sand.u32 $0xFFFFFFFE, s1  }
0xa7: {  	p0 =	sne.s32 s1, s5  }
0xa8: {  	s5 =	sshll.u32 @p0 s5, $0xE  }
0xa9: {  	s5 =	sadd.s32 @p0 $0x11B8D, s5;
	s6 =	sshll.u32 @p0 s4, $0x11  }
0xaa: {  	s5 =	sor.u32 @p0 s6, s5  }
0xab: {  	[sflag:s5] =	ssyncadd.remote.s32 @p0 $0x1;
	_ =	sdelay $0x1  }
0xac: {  	s5 =	simm.s32 @p0 $0x1B8D  }
0xad: {  	_ =	swait.eq @p0 [sflag:s5], $0x1  }
0xae: {  	[sflag:s5] =	ssyncadd.s32 @p0 $0xFFFFFFFF  }
0xaf: {  	s6 =	sshll.u32 @!p0 s1, $0xE  }
0xb0: {  	s6 =	sor.u32 @!p0 $0x4000, s6;
	s5 =	simm.s32 @!p0 $0x1B8D  }
0xb1: {  	s4 =	sshll.u32 @!p0 s4, $0x11;
	s6 =	sadd.s32 @!p0 $0x11B8D, s6;
	_ =	swait.eq @!p0 [sflag:s5], $0x1  }
0xb2: {  	s4 =	sor.u32 @!p0 s4, s6;
	[sflag:s5] =	ssyncadd.s32 @!p0 $0xFFFFFFFF  }
0xb3: {  	s25 =	simm.s32 $0x1B8E;
	s24 =	sld [smem:$0x3FFE];
	[sflag:s4] =	ssyncadd.remote.s32 @!p0 $0x1  }
0xb4: {  	s26 =	simm.s32 $execute0_lowered;
	[smem:$0x3FD2] =	sst s25  }
0xb5: {  	s5 =	sshll.u32 s26, $0x1;
	_ =	strace $0x8000004C;
	[dreg:$0x1] =	wrdreg $0xFFFFFFFF  }
0xb6: {  	s28 =	simm.s32 $_size_execute0_lowered;
	s3 =	sadd.s32 s3, s5;
	[dreg:$0x0] =	wrdreg $0x0  }
0xb7: {  	s5 =	sshll.u32 s28, $0x1;
	[dreg:$0x2] =	wrdreg s3  }
0xb8: {  	[dreg:$0x3] =	wrdreg s5  }
0xb9: {  	[dreg:$0x4] =	wrdreg $0xC0  }
0xba: {  	_ =	task [dreg:s22], $0x5FFFF  }
0xbb: {  	[dreg:$0x1] =	wrdreg $0xFFFFFFFF  }
0xbc: {  	[dreg:$0x0] =	wrdreg $0x60  }
0xbd: {  	[dreg:$0x2] =	wrdreg s24  }
0xbe: {  	[dreg:$0x3] =	wrdreg $0xA  }
0xbf: {  	_ =	task.clear_ibuf [dreg:s22], $0x4FFFF;
	_ =	strace $0x9000004C  }
0xc0: {  	s29 =	simm.s32 $0xA;
	_ =	strace $0x8000004E  }
0xc1: {  	_ =	swait.ge [sflag:s29], $0x1  }
0xc2: {  	[sflag:s29] =	ssyncadd.s32 $0xFFFFFFFF  }
0xc3: {  	_ =	strace $0x9000004E  }
0xc4: {  	_ =	sfence  }
0xc5: {  	s30 =	sld [smem:$0x0];
	_ =	sdelay $0x2  }
0xc6: {  	s31 =	sshll.u32 s1, $0xD;
	s1 =	sshrl.u32 s1, $0x2  }
0xc7: {  	s4 =	sand.u32 $0x4000, s31;
	s1 =	sadd.s32 s1, s30  }
0xc8: {  	s0 =	sor.u32 s4, s0;
	s1 =	sshll.u32 s1, $0x11  }
0xc9: {  	s0 =	sor.u32 s1, s0  }
0xca: {  	s0 =	sadd.s32 $0x8F2B, s0  }
0xcb: {  	[sflag:s0] =	ssyncadd.remote.s32 $0x1  }
0xcc: {  	_ =	sfence.sel $0xFFFF  }
0xcd: {  	[dreg:$0x0] =	wrdreg $0xFFFFFFFF;
	(pc) =	sbr.abs _section_cstart, $3  }
0xce: {  	[dreg:$0x1] =	wrdreg $0xFFFFFFFF  }
0xcf: {  	_ =	task.clear_ibuf [dreg:s22], $0x2FFFF;
	_ =	strace $0x9FFFFFFF  }
0xd0: {  	(tm) =	ssettm $0x7FFFFFFF  }
0xd1: {  	_ =	shalt  }
tec
execute0_lowered:
.L_overlay_start_1:
0x0: {  	(tag) =	ssettag $0x1  }
0x1: {  	s5 =	rddreg [dreg:$0x0]  }
0x2: {  	s0 =	rddreg [dreg:$0x1]  }
0x3: {  	s3 =	srdreg.scid;
	s1 =	stileid.u32;
	s2 =	simm.s32 $0x0  }
0x4: {  	s16 =	simm.s32 $0x100;
	s17 =	simm.s32 $0x6600;
	s18 =	simm.s32 $0x1  }
0x5: {  	s19 =	simm.s32 $0x2;
	s20 =	simm.s32 $0x0;
	s9 =	sand.u32 $0x1, s3  }
0x6: {  	s25 =	sshll.u32 s1, $0x1;
	[smem:$0x7FF] =	sst s2;
	s13 =	smul.u32 $0xFA0, s1  }
0x7: {  	s3 =	sadd.s32 $0x9A00, s5;
	s4 =	sadd.s32 $0x5A00, s5;
	s14 =	smul.u32 $0xFA00, s1  }
0x8: {  	s6 =	sor.u32 s9, s25;
	s8 =	ssub.s32 $0x2, s9;
	s30 =	smul.u32 $0x7D0, s9  }
0x9: {  	s10 =	sadd.s32 $0x224C00, s5;
	s7 =	smul.u32 $0x7D0, s6;
	s26 =	sshrl.u32 s8, $0x1  }
0xa: {  	_ =	strace $0x8000004D;
	s28 =	smul.u32 $0x7D00, s6;
	s8 =	ssub.s32 s8, s26  }
0xb: {  	s15 =	smul.u32 $0x7D00, s9;
	s11 =	sshrl.u32 s7, $0x3;
	s6 =	smax.u32 s8, $0x1  }
0xc: {  	s12 =	sadd.s32 $0x708, s7;
	s29 =	sadd.s32 s10, s28;
	s5 =	sadd.s32 s4, s11  }
0xd: {  	s7 =	sshrl.u32 s12, $0x3;
	s8 =	sadd.s32 $0x6400, s29;
	s12 =	sshll.u32 s12, $0x4  }
0xe: {  	s11 =	sadd.s32 s30, s13;
	s13 =	simm.s32 $0x3;
	s7 =	sadd.s32 s4, s7  }
0xf: {  	s9 =	sadd.s32 s10, s12;
	s10 =	sadd.s32 s14, s10;
	s31 =	sadd.s32 $0xC8, s11  }
0x10: {  	s11 =	sadd.s32 $0x190, s11;
	s14 =	simm.s32 $0xC8;
	s12 =	sshrl.u32 s31, $0x3  }
0x11: {  	s10 =	sadd.s32 s15, s10;
	s15 =	simm.s32 $0x200;
	s12 =	sadd.s32 s12, s4  }
.LBB2_1:
0x12: {  	[tilespmem:s2], [sflag:$0x3] =	stream.linear.gather [hbm4b:s5+s2], $0xC8, $0x38;
	[tilespmem:$0xCA00] =	vst v63  }
0x13: {  	_ =	swait.ge [sflag:s13], $0xC8  }
0x14: {  	[sflag:s13] =	ssyncset.done $0x0  }
0x15: {  	[sflag:s13] =	ssyncadd.s32 $0xFFFFFF38  }
0x16: {  	[tilespmem:s15], [sflag:$0x1] =	stream.indirect.gather [hbm4b:s3+s14], $0x80, s2, s14, $0xb8;
	[tilespmem:$0xCA00] =	vst v63  }
0x17: {  	s21 =	sadd.s32 $0x0, s12  }
0x18: {  	[tilespmem:s16], [sflag:$0x3] =	stream.linear.gather [hbm4b:s21+s2], $0xC8, $0x38;
	[tilespmem:$0xCA00] =	vst v63  }
0x19: {  	_ =	swait.ge [sflag:s13], $0xC8  }
0x1a: {  	[sflag:s13] =	ssyncset.done $0x0  }
0x1b: {  	[sflag:s13] =	ssyncadd.s32 $0xFFFFFF38  }
0x1c: {  	[tilespmem:s17], [sflag:$0x2] =	stream.indirect.gather [hbm4b:s3+s14], $0x80, s16, s14, $0xb8;
	[tilespmem:$0xCA00] =	vst v63  }
0x1d: {  	_ =	swait.ge [sflag:s18], $0x6400  }
0x1e: {  	[sflag:s18] =	ssyncset.done $0x0  }
0x1f: {  	[sflag:s18] =	ssyncadd.s32 $0xFFFF9C00  }
0x20: {  	[hbm4b:s10+s2] =	stream.linear.scatter [tilespmem:s15], [sflag:$0x3], $0x6400, $0x38;
	[tilespmem:$0xCA00] =	vst v63  }
0x21: {  	_ =	swait.ge [sflag:s13], $0x6400  }
0x22: {  	s30 =	sshrl.u32 s11, $0x3;
	[sflag:s13] =	ssyncset.done $0x0  }
0x23: {  	s21 =	sadd.s32 s4, s30;
	[sflag:s13] =	ssyncadd.s32 $0xFFFF9C00  }
0x24: {  	[tilespmem:s2], [sflag:$0x3] =	stream.linear.gather [hbm4b:s21+s2], $0xC8, $0x38;
	[tilespmem:$0xCA00] =	vst v63  }
0x25: {  	_ =	swait.ge [sflag:s13], $0xC8  }
0x26: {  	[sflag:s13] =	ssyncset.done $0x0  }
0x27: {  	[sflag:s13] =	ssyncadd.s32 $0xFFFFFF38  }
0x28: {  	[tilespmem:s15], [sflag:$0x1] =	stream.indirect.gather [hbm4b:s3+s14], $0x80, s2, s14, $0xb8;
	[tilespmem:$0xCA00] =	vst v63  }
0x29: {  	_ =	swait.ge [sflag:s19], $0x6400  }
0x2a: {  	[sflag:s19] =	ssyncset.done $0x0  }
0x2b: {  	s31 =	sadd.s32 $0xC80, s10;
	[sflag:s19] =	ssyncadd.s32 $0xFFFF9C00  }
0x2c: {  	[hbm4b:s31+s2] =	stream.linear.scatter [tilespmem:s17], [sflag:$0x3], $0x6400, $0x38;
	[tilespmem:$0xCA00] =	vst v63  }
0x2d: {  	s23 =	simm.s32 $0x32;
	s24 =	simm.s32 $0x64;
	_ =	swait.ge [sflag:s13], $0x6400  }
0x2e: {  	s22 =	sadd.s32 $0x190, s11;
	s21 =	sadd.s32 $0x1900, s10;
	[sflag:s13] =	ssyncset.done $0x0  }
.LBB2_2:
0x2f: {  	s25 =	sadd.s32 s23, s12  }
0x30: {  	[sflag:s13] =	ssyncadd.s32 $0xFFFF9C00;
	s23 =	smov.u32 s24;
	s26 =	sadd.s32 $0x32, s24  }
0x31: {  	[tilespmem:s16], [sflag:$0x3] =	stream.linear.gather [hbm4b:s25+s2], $0xC8, $0x38;
	[tilespmem:$0xCA00] =	vst v63  }
0x32: {  	p0 =	sne.s32 s24, $0x96;
	_ =	swait.ge [sflag:s13], $0xC8  }
0x33: {  	[sflag:s13] =	ssyncset.done $0x0  }
0x34: {  	[sflag:s13] =	ssyncadd.s32 $0xFFFFFF38  }
0x35: {  	[tilespmem:s17], [sflag:$0x2] =	stream.indirect.gather [hbm4b:s3+s14], $0x80, s16, s14, $0xb8;
	[tilespmem:$0xCA00] =	vst v63  }
0x36: {  	_ =	swait.ge [sflag:s18], $0x6400  }
0x37: {  	[sflag:s18] =	ssyncset.done $0x0  }
0x38: {  	[sflag:s18] =	ssyncadd.s32 $0xFFFF9C00  }
0x39: {  	[hbm4b:s21+s2] =	stream.linear.scatter [tilespmem:s15], [sflag:$0x3], $0x6400, $0x38;
	[tilespmem:$0xCA00] =	vst v63  }
0x3a: {  	_ =	swait.ge [sflag:s13], $0x6400  }
0x3b: {  	s24 =	sshrl.u32 s22, $0x3;
	[sflag:s13] =	ssyncset.done $0x0  }
0x3c: {  	s24 =	sadd.s32 s4, s24;
	[sflag:s13] =	ssyncadd.s32 $0xFFFF9C00  }
0x3d: {  	[tilespmem:s2], [sflag:$0x3] =	stream.linear.gather [hbm4b:s24+s2], $0xC8, $0x38;
	[tilespmem:$0xCA00] =	vst v63  }
0x3e: {  	_ =	swait.ge [sflag:s13], $0xC8  }
0x3f: {  	[sflag:s13] =	ssyncset.done $0x0  }
0x40: {  	[sflag:s13] =	ssyncadd.s32 $0xFFFFFF38  }
0x41: {  	[tilespmem:s15], [sflag:$0x1] =	stream.indirect.gather [hbm4b:s3+s14], $0x80, s2, s14, $0xb8;
	[tilespmem:$0xCA00] =	vst v63  }
0x42: {  	_ =	swait.ge [sflag:s19], $0x6400  }
.Ltmp0:
0x43: {  	[sflag:s19] =	ssyncset.done $0x0;
	(pc) =	sbr.rel @p0 .LBB2_2-.Ltmp0, $4  }
0x44: {  	s24 =	sadd.s32 $0xC80, s21;
	[sflag:s19] =	ssyncadd.s32 $0xFFFF9C00  }
0x45: {  	[hbm4b:s24+s2] =	stream.linear.scatter [tilespmem:s17], [sflag:$0x3], $0x6400, $0x38;
	[tilespmem:$0xCA00] =	vst v63  }
0x46: {  	s22 =	sadd.s32 $0x190, s22;
	_ =	swait.ge [sflag:s13], $0x6400  }
0x47: {  	s21 =	sadd.s32 $0x1900, s21;
	s24 =	smov.u32 s26;
	[sflag:s13] =	ssyncset.done $0x0  }
0x48: {  	s23 =	sadd.s32 s23, s12;
	[sflag:s13] =	ssyncadd.s32 $0xFFFF9C00  }
0x49: {  	[tilespmem:s16], [sflag:$0x3] =	stream.linear.gather [hbm4b:s23+s2], $0xC8, $0x38;
	[tilespmem:$0xCA00] =	vst v63  }
0x4a: {  	_ =	swait.ge [sflag:s13], $0xC8  }
0x4b: {  	[sflag:s13] =	ssyncset.done $0x0  }
0x4c: {  	[sflag:s13] =	ssyncadd.s32 $0xFFFFFF38  }
0x4d: {  	[tilespmem:s17], [sflag:$0x2] =	stream.indirect.gather [hbm4b:s3+s14], $0x80, s16, s14, $0xb8;
	[tilespmem:$0xCA00] =	vst v63  }
0x4e: {  	_ =	swait.ge [sflag:s18], $0x6400  }
0x4f: {  	[sflag:s18] =	ssyncset.done $0x0  }
0x50: {  	[sflag:s18] =	ssyncadd.s32 $0xFFFF9C00  }
0x51: {  	[hbm4b:s21+s2] =	stream.linear.scatter [tilespmem:s15], [sflag:$0x3], $0x6400, $0x38;
	[tilespmem:$0xCA00] =	vst v63  }
0x52: {  	_ =	swait.ge [sflag:s13], $0x6400  }
0x53: {  	s22 =	sshrl.u32 s22, $0x3;
	[sflag:s13] =	ssyncset.done $0x0  }
0x54: {  	s22 =	sadd.s32 s4, s22;
	[sflag:s13] =	ssyncadd.s32 $0xFFFF9C00  }
0x55: {  	[tilespmem:s2], [sflag:$0x3] =	stream.linear.gather [hbm4b:s22+s2], $0xC8, $0x38;
	[tilespmem:$0xCA00] =	vst v63  }
0x56: {  	_ =	swait.ge [sflag:s13], $0xC8  }
0x57: {  	[sflag:s13] =	ssyncset.done $0x0  }
0x58: {  	[sflag:s13] =	ssyncadd.s32 $0xFFFFFF38  }
0x59: {  	[tilespmem:s15], [sflag:$0x1] =	stream.indirect.gather [hbm4b:s3+s14], $0x80, s2, s14, $0xb8;
	[tilespmem:$0xCA00] =	vst v63  }
0x5a: {  	_ =	swait.ge [sflag:s19], $0x6400  }
0x5b: {  	[sflag:s19] =	ssyncset.done $0x0  }
0x5c: {  	s31 =	sadd.s32 $0xC80, s21;
	[sflag:s19] =	ssyncadd.s32 $0xFFFF9C00  }
0x5d: {  	[hbm4b:s31+s2] =	stream.linear.scatter [tilespmem:s17], [sflag:$0x3], $0x6400, $0x38;
	[tilespmem:$0xCA00] =	vst v63  }
0x5e: {  	_ =	swait.ge [sflag:s13], $0x6400  }
0x5f: {  	[sflag:s13] =	ssyncset.done $0x0  }
0x60: {  	[sflag:s13] =	ssyncadd.s32 $0xFFFF9C00  }
0x61: {  	[tilespmem:s16], [sflag:$0x3] =	stream.linear.gather [hbm4b:s7+s2], $0xC8, $0x38;
	[tilespmem:$0xCA00] =	vst v63  }
0x62: {  	_ =	swait.ge [sflag:s13], $0xC8  }
0x63: {  	[sflag:s13] =	ssyncset.done $0x0  }
0x64: {  	[sflag:s13] =	ssyncadd.s32 $0xFFFFFF38  }
0x65: {  	[tilespmem:s17], [sflag:$0x2] =	stream.indirect.gather [hbm4b:s3+s14], $0x80, s16, s14, $0xb8;
	[tilespmem:$0xCA00] =	vst v63  }
0x66: {  	_ =	swait.ge [sflag:s18], $0x6400  }
0x67: {  	[sflag:s18] =	ssyncset.done $0x0  }
0x68: {  	[sflag:s18] =	ssyncadd.s32 $0xFFFF9C00  }
0x69: {  	[hbm4b:s8+s2] =	stream.linear.scatter [tilespmem:s15], [sflag:$0x3], $0x6400, $0x38;
	[tilespmem:$0xCA00] =	vst v63  }
0x6a: {  	_ =	swait.ge [sflag:s13], $0x6400  }
0x6b: {  	[sflag:s13] =	ssyncset.done $0x0  }
0x6c: {  	[sflag:s13] =	ssyncadd.s32 $0xFFFF9C00  }
0x6d: {  	s20 =	sadd.s32 $0x1, s20;
	_ =	swait.ge [sflag:s19], $0x6400  }
0x6e: {  	p0 =	sne.s32 s20, s6;
	[sflag:s19] =	ssyncset.done $0x0  }
.Ltmp1:
0x6f: {  	[sflag:s19] =	ssyncadd.s32 $0xFFFF9C00;
	(pc) =	sbr.rel @p0 .LBB2_1-.Ltmp1, $4  }
0x70: {  	[hbm4b:s9+s2] =	stream.linear.scatter [tilespmem:s17], [sflag:$0x3], $0x6400, $0x38;
	[tilespmem:$0xCA00] =	vst v63  }
0x71: {  	_ =	swait.ge [sflag:s13], $0x6400  }
0x72: {  	[sflag:s13] =	ssyncset.done $0x0  }
0x73: {  	[sflag:s13] =	ssyncadd.s32 $0xFFFF9C00  }
0x74: {  	_ =	sfence.sel $0x180000  }
0x75: {  	[bflag:$0x0] =	sbarrier.arrive $0xFFFF  }
0x76: {  	p0 =	sne.s32 s1, $0x0;
	_ =	strace $0x9000004D  }
0x77: {  	s0 =	sadd.s32 @!p0 $0x100000, s0;
	[bflag:$0x2] =	sbarrier.arrive $0xFFFF  }
0x78: {  	[sflag:s0] =	ssyncadd.tile.s32 @!p0 $0x1;
	_ =	shalt  }
.Lfunc_end2:
_tile_overlayer_lowered:
.L_overlay_start_2:
0x79: {  	(tag) =	ssettag $0x2  }
0x7a: {  	s0 =	rddreg [dreg:$0x0];
	s2 =	stileid.u32  }
0x7b: {  	s1 =	rddreg [dreg:$0x1];
	p0 =	sne.s32 s2, $0x0  }
0x7c: {  	s3 =	rddreg [dreg:$0x2];
	[bflag:$0x3] =	sbarrier.arrive $0xFFFF;
	s2 =	simm.s32 @!p0 $0x1C03  }
0x7d: {  	[timem:s3], [sflag:s2] =	dma.local @!p0 [hbm:s0], s1  }
0x7e: {  	s0 =	simm.s32 @!p0 $0x3  }
0x7f: {  	_ =	swait.ge @!p0 [sflag:s0], s1  }
0x80: {  	s1 =	ssub.s32 @!p0 $0x0, s1;
	[sflag:s0] =	ssyncset.done @!p0 $0x0  }
0x81: {  	[sflag:s0] =	ssyncadd.s32 @!p0 s1  }
0x82: {  	[bflag:$0x3] =	sbarrier.arrive $0xFFFF  }
0x83: {  	_ =	shalt  }

// kernel: kernel.19.cloned.1.call-start
scs
__scs_entry_jumppad:
0x0: {  	(pc) =	sbr.rel $0x88, $3  }
0x1: {  	(tag) =	ssettag $0x0;
	lr =	simm.s32 $0x1  }
0x2: {  	[smem:$0x3F98] =	sst lr;
	_ =	strace $0xD0000000  }
0x3: {  	_ = 	snop  }
0x4: {  	_ = 	snop  }
0x5: {  	_ = 	snop  }
0x6: {  	_ = 	snop  }
0x7: {  	_ = 	snop  }
__scs_overlays_trampoline_lowered:
0x8: {  	[smem:$0x3FA7] =	sst s0  }
0x9: {  	[smem:$0x3FA8] =	sst s1  }
0xa: {  	[smem:$0x3FA9] =	sst s2  }
0xb: {  	[smem:$0x3FAA] =	sst s3  }
0xc: {  	[smem:$0x3FAB] =	sst s4  }
0xd: {  	[smem:$0x3FAC] =	sst s5  }
0xe: {  	[smem:$0x3FAD] =	sst s6  }
0xf: {  	[smem:$0x3FAE] =	sst s7  }
0x10: {  	[smem:$0x3FAF] =	sst s8  }
0x11: {  	[smem:$0x3FB0] =	sst s9;
	s0 =	simm.s32 @!p0 $0x0  }
0x12: {  	s1 =	sld [smem:$0x3F96];
	s0 =	simm.s32 @p0 $0x1  }
0x13: {  	[smem:$0x3FB1] =	sst s0;
	s0 =	simm.s32 @!p1 $0x0  }
0x14: {  	s2 =	sld [smem:$0x3F95];
	s0 =	simm.s32 @p1 $0x1  }
0x15: {  	[smem:$0x3FB2] =	sst s0;
	s0 =	simm.s32 @!p2 $0x0  }
0x16: {  	s3 =	sld [smem:$0x3FDB];
	s0 =	simm.s32 @p2 $0x1  }
0x17: {  	s4 =	simm.s32 $0x1BF5;
	[smem:$0x3FB4] =	sst s0  }
0x18: {  	s0 =	sld [smem:$0x3F97];
	_ =	swait.ge [sflag:s4], $0x0  }
0x19: {  	s7 =	sld [smem:$0x3F98]  }
0x1a: {  	s8 =	sadd.s32 $0xFFFFE003, lr  }
0x1b: {  	s9 =	sadd.s32 $0xFFFFFEF7, lr;
	s5 =	simm.s32 $0xFFFFFFFF;
	p2 =	slt.u32 s8, $0xFFFFF086  }
0x1c: {  	p1 =	slt.u32 s9, $0xF7A;
	s5 =	simm.s32 @!p2 $0x0  }
0x1d: {  	s5 =	simm.s32 @p1 $0x1;
	p0 =	seq.s32 s7, s2  }
0x1e: {  	s7 =	smul.u32 @!p0 $0xF7A, s2;
	p2 =	seq.s32 @!p0 s5, $0x0  }
0x1f: {  	s9 =	smul.u32 $0xF7A, s1;
	s8 =	simm.s32 @!p0 $0x1BF5;
	p2 =	por !p2, p0  }
0x20: {  	[sflag:s8] =	ssyncset.s32 @!p0 $0xFFFFF086;
	s6 =	sadd.s32 @!p0 s3, s7;
	s7 =	simm.s32 @!p0 $0x108  }
0x21: {  	s3 =	sadd.s32 s3, s9;
	s6 =	sadd.s32 @!p0 $0x88, s6;
	s7 =	simm.s32 @p2 $0x1082  }
0x22: {  	[simem:s7], [sflag:s8] =	dma.local @!p0 [hbm:s6], $0xF7A  }
0x23: {  	s9 =	sor.u32 $0xD0000000, s2;
	s6 =	simm.s32 $0x108;
	_ =	swait.ge @!p0 [sflag:s8], $0x0  }
0x24: {  	s3 =	sadd.s32 $0x88, s3;
	s6 =	simm.s32 @!p1 $0x1082;
	[sflag:s4] =	ssyncset.s32 $0xFFFFF086  }
0x25: {  	[simem:s6], [sflag:s4] =	dma.local [hbm:s3], $0xF7A  }
0x26: {  	[smem:$0x3F98] =	sst s1;
	(tag) =	ssettag s2;
	_ =	strace s9  }
0x27: {  	s1 =	sld [smem:$0x3FA8]  }
0x28: {  	s2 =	sld [smem:$0x3FA9]  }
0x29: {  	s4 =	sld [smem:$0x3FAB]  }
0x2a: {  	p0 =	seq.s32 s5, $0x0;
	s5 =	sld [smem:$0x3FAC]  }
0x2b: {  	s6 =	sld [smem:$0x3FAD]  }
0x2c: {  	s7 =	sld [smem:$0x3FAE]  }
0x2d: {  	s3 =	simm.s32 $0x108;
	s8 =	sld [smem:$0x3FAF]  }
0x2e: {  	s3 =	simm.s32 @!p0 $0x1082;
	s9 =	sld [smem:$0x3FB0]  }
0x2f: {  	lr =	sadd.s32 s0, s3;
	s0 =	sld [smem:$0x3FA7]  }
0x30: {  	s3 =	sld [smem:$0x3FAA]  }
0x31: {  	[smem:$0x3FB3] =	sst s10  }
0x32: {  	s10 =	sld [smem:$0x3FB1];
	_ =	sdelay $0x3  }
0x33: {  	p0 =	seq.s32 s10, $0x1;
	s10 =	sld [smem:$0x3FB3];
	_ =	sdelay $0x3  }
0x34: {  	[smem:$0x3FB3] =	sst s10  }
0x35: {  	s10 =	sld [smem:$0x3FB2];
	_ =	sdelay $0x3  }
0x36: {  	p1 =	seq.s32 s10, $0x1;
	s10 =	sld [smem:$0x3FB3];
	_ =	sdelay $0x3  }
0x37: {  	[smem:$0x3FB3] =	sst s10  }
0x38: {  	s10 =	sld [smem:$0x3FB4]  }
0x39: {  	_ = 	snop;
	(pc) =	sbr.ind lr, $3  }
0x3a: {  	_ = 	snop  }
0x3b: {  	_ = 	snop  }
0x3c: {  	p2 =	seq.s32 s10, $0x1;
	s10 =	sld [smem:$0x3FB3]  }
0x3d: {  	_ =	shalt  }
0x3e: {  	_ =	shalt  }
0x3f: {  	_ =	shalt  }
0x40: {  	_ =	shalt  }
0x41: {  	_ =	shalt  }
0x42: {  	_ =	shalt  }
0x43: {  	_ =	shalt  }
0x44: {  	_ =	shalt  }
0x45: {  	_ =	shalt  }
0x46: {  	_ =	shalt  }
0x47: {  	_ =	shalt  }
0x48: {  	_ =	shalt  }
0x49: {  	_ =	shalt  }
0x4a: {  	_ =	shalt  }
0x4b: {  	_ =	shalt  }
0x4c: {  	_ =	shalt  }
0x4d: {  	_ =	shalt  }
0x4e: {  	_ =	shalt  }
0x4f: {  	_ =	shalt  }
0x50: {  	_ =	shalt  }
0x51: {  	_ =	shalt  }
0x52: {  	_ =	shalt  }
0x53: {  	_ =	shalt  }
0x54: {  	_ =	shalt  }
0x55: {  	_ =	shalt  }
0x56: {  	_ =	shalt  }
0x57: {  	_ =	shalt  }
0x58: {  	_ =	shalt  }
0x59: {  	_ =	shalt  }
0x5a: {  	_ =	shalt  }
0x5b: {  	_ =	shalt  }
0x5c: {  	_ =	shalt  }
0x5d: {  	_ =	shalt  }
0x5e: {  	_ =	shalt  }
0x5f: {  	_ =	shalt  }
0x60: {  	_ =	shalt  }
0x61: {  	_ =	shalt  }
0x62: {  	_ =	shalt  }
0x63: {  	_ =	shalt  }
0x64: {  	_ =	shalt  }
0x65: {  	_ =	shalt  }
0x66: {  	_ =	shalt  }
0x67: {  	_ =	shalt  }
0x68: {  	_ =	shalt  }
0x69: {  	_ =	shalt  }
0x6a: {  	_ =	shalt  }
0x6b: {  	_ =	shalt  }
0x6c: {  	_ =	shalt  }
0x6d: {  	_ =	shalt  }
0x6e: {  	_ =	shalt  }
0x6f: {  	_ =	shalt  }
0x70: {  	_ =	shalt  }
0x71: {  	_ =	shalt  }
0x72: {  	_ =	shalt  }
0x73: {  	_ =	shalt  }
0x74: {  	_ =	shalt  }
0x75: {  	_ =	shalt  }
0x76: {  	_ =	shalt  }
0x77: {  	_ =	shalt  }
0x78: {  	_ =	shalt  }
0x79: {  	_ =	shalt  }
0x7a: {  	_ =	shalt  }
0x7b: {  	_ =	shalt  }
0x7c: {  	_ =	shalt  }
0x7d: {  	_ =	shalt  }
0x7e: {  	_ =	shalt  }
0x7f: {  	_ =	shalt  }
0x80: {  	_ =	shalt  }
0x81: {  	_ =	shalt  }
0x82: {  	_ =	shalt  }
0x83: {  	_ =	shalt  }
0x84: {  	_ =	shalt  }
0x85: {  	_ =	shalt  }
0x86: {  	_ =	shalt  }
0x87: {  	_ =	shalt  }
.Lfunc_end0:
.L_simem_size_0:
called_computation.2_lowered:
.L_overlay_start_0:
0x88: {  	s2 =	sld [smem:$0x3FD9]  }
0x89: {  	s3 =	sld [smem:$0x3FFE];
	_ =	sdelay $0x1  }
0x8a: {  	s1 =	srdreg.scid  }
0x8b: {  	s0 =	sand.u32 $0x1, s1  }
0x8c: {  	s17 =	sshll.u32 s0, $0xA;
	s2 =	sadd.s32 s3, s2  }
0x8d: {  	s2 =	sadd.s32 s2, s17  }
0x8e: {  	[smem:$0x3FBF] =	sst s2  }
0x8f: {  	_ = 	snop  }
0x90: {  	(tm) =	ssettm $0x1  }
0x91: {  	s18 =	sld [smem:$0x3FFB];
	_ =	sdelay $0x3  }
0x92: {  	_ =	strace s18  }
0x93: {  	s2 =	sld [smem:$0x3FFC];
	_ =	sdelay $0x3  }
0x94: {  	_ =	strace s2  }
0x95: {  	s2 =	sld [smem:$0x3FFD];
	_ =	sdelay $0x3  }
0x96: {  	_ =	strace s2  }
0x97: {  	_ =	strace $0x8FFFFFFF  }
0x98: {  	s19 =	sld [smem:$0x3FDB];
	_ =	sdelay $0x1  }
0x99: {  	s20 =	simm.s32 $_scs_section_size  }
0x9a: {  	s4 =	simm.s32 $_size__tile_overlayer_lowered;
	s5 =	simm.s32 $_tile_overlayer_lowered  }
0x9b: {  	s6 =	simm.s32 $0x1BFF;
	s21 =	sshll.u32 s5, $0x1;
	s3 =	sadd.s32 s20, s19  }
0x9c: {  	s22 =	simm.s32 $0x0;
	s4 =	sshll.u32 s4, $0x1;
	s5 =	sadd.s32 s21, s3  }
0x9d: {  	[timem:s22], [sflag:s6] =	dma.local [hbm:s5], s4  }
0x9e: {  	_ =	swait.ge [sflag:s6], s4  }
0x9f: {  	s4 =	ssub.s32 $0x0, s4;
	[sflag:s6] =	ssyncset.done $0x0  }
0xa0: {  	[sflag:s6] =	ssyncadd.s32 s4;
	_ =	sdelay $0x1  }
0xa1: {  	s23 =	simm.s32 $0x1B8B  }
0xa2: {  	_ =	swait.ge [sflag:s23], $0x1  }
0xa3: {  	[sflag:s23] =	ssyncset.done $0x0  }
0xa4: {  	[sflag:s23] =	ssyncadd.s32 $0xFFFFFFFF  }
0xa5: {  	s4 =	sld [smem:$0x0]  }
0xa6: {  	s5 =	sand.u32 $0xFFFFFFFE, s1  }
0xa7: {  	p0 =	sne.s32 s1, s5  }
0xa8: {  	s5 =	sshll.u32 @p0 s5, $0xE  }
0xa9: {  	s5 =	sadd.s32 @p0 $0x11B8D, s5;
	s6 =	sshll.u32 @p0 s4, $0x11  }
0xaa: {  	s5 =	sor.u32 @p0 s6, s5  }
0xab: {  	[sflag:s5] =	ssyncadd.remote.s32 @p0 $0x1;
	_ =	sdelay $0x1  }
0xac: {  	s5 =	simm.s32 @p0 $0x1B8D  }
0xad: {  	_ =	swait.eq @p0 [sflag:s5], $0x1  }
0xae: {  	[sflag:s5] =	ssyncadd.s32 @p0 $0xFFFFFFFF  }
0xaf: {  	s6 =	sshll.u32 @!p0 s1, $0xE  }
0xb0: {  	s6 =	sor.u32 @!p0 $0x4000, s6;
	s5 =	simm.s32 @!p0 $0x1B8D  }
0xb1: {  	s4 =	sshll.u32 @!p0 s4, $0x11;
	s6 =	sadd.s32 @!p0 $0x11B8D, s6;
	_ =	swait.eq @!p0 [sflag:s5], $0x1  }
0xb2: {  	s4 =	sor.u32 @!p0 s4, s6;
	[sflag:s5] =	ssyncadd.s32 @!p0 $0xFFFFFFFF  }
0xb3: {  	s25 =	simm.s32 $0x1B8E;
	s24 =	sld [smem:$0x3FFE];
	[sflag:s4] =	ssyncadd.remote.s32 @!p0 $0x1  }
0xb4: {  	s26 =	simm.s32 $execute0_lowered;
	[smem:$0x3FD2] =	sst s25  }
0xb5: {  	s5 =	sshll.u32 s26, $0x1;
	_ =	strace $0x80000049;
	[dreg:$0x1] =	wrdreg $0xFFFFFFFF  }
0xb6: {  	s28 =	simm.s32 $_size_execute0_lowered;
	s3 =	sadd.s32 s3, s5;
	[dreg:$0x0] =	wrdreg $0x0  }
0xb7: {  	s5 =	sshll.u32 s28, $0x1;
	[dreg:$0x2] =	wrdreg s3  }
0xb8: {  	[dreg:$0x3] =	wrdreg s5  }
0xb9: {  	[dreg:$0x4] =	wrdreg $0xC0  }
0xba: {  	_ =	task [dreg:s22], $0x5FFFF  }
0xbb: {  	[dreg:$0x1] =	wrdreg $0xFFFFFFFF  }
0xbc: {  	[dreg:$0x0] =	wrdreg $0x60  }
0xbd: {  	[dreg:$0x2] =	wrdreg s24  }
0xbe: {  	[dreg:$0x3] =	wrdreg $0xB  }
0xbf: {  	_ =	task.clear_ibuf [dreg:s22], $0x4FFFF;
	_ =	strace $0x90000049  }
0xc0: {  	s29 =	simm.s32 $0xB;
	_ =	strace $0x8000004B  }
0xc1: {  	_ =	swait.ge [sflag:s29], $0x1  }
0xc2: {  	[sflag:s29] =	ssyncadd.s32 $0xFFFFFFFF  }
0xc3: {  	_ =	strace $0x9000004B  }
0xc4: {  	_ =	sfence  }
0xc5: {  	s30 =	sld [smem:$0x0];
	_ =	sdelay $0x2  }
0xc6: {  	s31 =	sshll.u32 s1, $0xD;
	s1 =	sshrl.u32 s1, $0x2  }
0xc7: {  	s4 =	sand.u32 $0x4000, s31;
	s1 =	sadd.s32 s1, s30  }
0xc8: {  	s0 =	sor.u32 s4, s0;
	s1 =	sshll.u32 s1, $0x11  }
0xc9: {  	s0 =	sor.u32 s1, s0  }
0xca: {  	s0 =	sadd.s32 $0x8F2B, s0  }
0xcb: {  	[sflag:s0] =	ssyncadd.remote.s32 $0x1  }
0xcc: {  	_ =	sfence.sel $0xFFFF  }
0xcd: {  	[dreg:$0x0] =	wrdreg $0xFFFFFFFF;
	(pc) =	sbr.abs _section_cstart, $3  }
0xce: {  	[dreg:$0x1] =	wrdreg $0xFFFFFFFF  }
0xcf: {  	_ =	task.clear_ibuf [dreg:s22], $0x2FFFF;
	_ =	strace $0x9FFFFFFF  }
0xd0: {  	(tm) =	ssettm $0x7FFFFFFF  }
0xd1: {  	_ =	shalt  }
tec
execute0_lowered:
.L_overlay_start_1:
0x0: {  	(tag) =	ssettag $0x1  }
0x1: {  	s5 =	rddreg [dreg:$0x0]  }
0x2: {  	s0 =	rddreg [dreg:$0x1]  }
0x3: {  	s3 =	srdreg.scid;
	s1 =	stileid.u32;
	s2 =	simm.s32 $0x0  }
0x4: {  	s16 =	simm.s32 $0x100;
	s17 =	simm.s32 $0x6600;
	s18 =	simm.s32 $0x1  }
0x5: {  	s19 =	simm.s32 $0x2;
	s20 =	simm.s32 $0x0;
	s9 =	sand.u32 $0x1, s3  }
0x6: {  	s25 =	sshll.u32 s1, $0x1;
	[smem:$0x7FF] =	sst s2;
	s13 =	smul.u32 $0xFA0, s1  }
0x7: {  	s3 =	sadd.s32 $0x9A00, s5;
	s4 =	sadd.s32 $0x3A00, s5;
	s14 =	smul.u32 $0xFA00, s1  }
0x8: {  	s6 =	sor.u32 s9, s25;
	s8 =	ssub.s32 $0x2, s9;
	s30 =	smul.u32 $0x7D0, s9  }
0x9: {  	s10 =	sadd.s32 $0x12AC00, s5;
	s7 =	smul.u32 $0x7D0, s6;
	s26 =	sshrl.u32 s8, $0x1  }
0xa: {  	_ =	strace $0x8000004A;
	s28 =	smul.u32 $0x7D00, s6;
	s8 =	ssub.s32 s8, s26  }
0xb: {  	s15 =	smul.u32 $0x7D00, s9;
	s11 =	sshrl.u32 s7, $0x3;
	s6 =	smax.u32 s8, $0x1  }
0xc: {  	s12 =	sadd.s32 $0x708, s7;
	s29 =	sadd.s32 s10, s28;
	s5 =	sadd.s32 s4, s11  }
0xd: {  	s7 =	sshrl.u32 s12, $0x3;
	s8 =	sadd.s32 $0x6400, s29;
	s12 =	sshll.u32 s12, $0x4  }
0xe: {  	s11 =	sadd.s32 s30, s13;
	s13 =	simm.s32 $0x3;
	s7 =	sadd.s32 s4, s7  }
0xf: {  	s9 =	sadd.s32 s10, s12;
	s10 =	sadd.s32 s14, s10;
	s31 =	sadd.s32 $0xC8, s11  }
0x10: {  	s11 =	sadd.s32 $0x190, s11;
	s14 =	simm.s32 $0xC8;
	s12 =	sshrl.u32 s31, $0x3  }
0x11: {  	s10 =	sadd.s32 s15, s10;
	s15 =	simm.s32 $0x200;
	s12 =	sadd.s32 s12, s4  }
.LBB2_1:
0x12: {  	[tilespmem:s2], [sflag:$0x3] =	stream.linear.gather [hbm4b:s5+s2], $0xC8, $0x38;
	[tilespmem:$0xCA00] =	vst v63  }
0x13: {  	_ =	swait.ge [sflag:s13], $0xC8  }
0x14: {  	[sflag:s13] =	ssyncset.done $0x0  }
0x15: {  	[sflag:s13] =	ssyncadd.s32 $0xFFFFFF38  }
0x16: {  	[tilespmem:s15], [sflag:$0x1] =	stream.indirect.gather [hbm4b:s3+s14], $0x80, s2, s14, $0xb8;
	[tilespmem:$0xCA00] =	vst v63  }
0x17: {  	s21 =	sadd.s32 $0x0, s12  }
0x18: {  	[tilespmem:s16], [sflag:$0x3] =	stream.linear.gather [hbm4b:s21+s2], $0xC8, $0x38;
	[tilespmem:$0xCA00] =	vst v63  }
0x19: {  	_ =	swait.ge [sflag:s13], $0xC8  }
0x1a: {  	[sflag:s13] =	ssyncset.done $0x0  }
0x1b: {  	[sflag:s13] =	ssyncadd.s32 $0xFFFFFF38  }
0x1c: {  	[tilespmem:s17], [sflag:$0x2] =	stream.indirect.gather [hbm4b:s3+s14], $0x80, s16, s14, $0xb8;
	[tilespmem:$0xCA00] =	vst v63  }
0x1d: {  	_ =	swait.ge [sflag:s18], $0x6400  }
0x1e: {  	[sflag:s18] =	ssyncset.done $0x0  }
0x1f: {  	[sflag:s18] =	ssyncadd.s32 $0xFFFF9C00  }
0x20: {  	[hbm4b:s10+s2] =	stream.linear.scatter [tilespmem:s15], [sflag:$0x3], $0x6400, $0x38;
	[tilespmem:$0xCA00] =	vst v63  }
0x21: {  	_ =	swait.ge [sflag:s13], $0x6400  }
0x22: {  	s30 =	sshrl.u32 s11, $0x3;
	[sflag:s13] =	ssyncset.done $0x0  }
0x23: {  	s21 =	sadd.s32 s4, s30;
	[sflag:s13] =	ssyncadd.s32 $0xFFFF9C00  }
0x24: {  	[tilespmem:s2], [sflag:$0x3] =	stream.linear.gather [hbm4b:s21+s2], $0xC8, $0x38;
	[tilespmem:$0xCA00] =	vst v63  }
0x25: {  	_ =	swait.ge [sflag:s13], $0xC8  }
0x26: {  	[sflag:s13] =	ssyncset.done $0x0  }
0x27: {  	[sflag:s13] =	ssyncadd.s32 $0xFFFFFF38  }
0x28: {  	[tilespmem:s15], [sflag:$0x1] =	stream.indirect.gather [hbm4b:s3+s14], $0x80, s2, s14, $0xb8;
	[tilespmem:$0xCA00] =	vst v63  }
0x29: {  	_ =	swait.ge [sflag:s19], $0x6400  }
0x2a: {  	[sflag:s19] =	ssyncset.done $0x0  }
0x2b: {  	s31 =	sadd.s32 $0xC80, s10;
	[sflag:s19] =	ssyncadd.s32 $0xFFFF9C00  }
0x2c: {  	[hbm4b:s31+s2] =	stream.linear.scatter [tilespmem:s17], [sflag:$0x3], $0x6400, $0x38;
	[tilespmem:$0xCA00] =	vst v63  }
0x2d: {  	s23 =	simm.s32 $0x32;
	s24 =	simm.s32 $0x64;
	_ =	swait.ge [sflag:s13], $0x6400  }
0x2e: {  	s22 =	sadd.s32 $0x190, s11;
	s21 =	sadd.s32 $0x1900, s10;
	[sflag:s13] =	ssyncset.done $0x0  }
.LBB2_2:
0x2f: {  	s25 =	sadd.s32 s23, s12  }
0x30: {  	[sflag:s13] =	ssyncadd.s32 $0xFFFF9C00;
	s23 =	smov.u32 s24;
	s26 =	sadd.s32 $0x32, s24  }
0x31: {  	[tilespmem:s16], [sflag:$0x3] =	stream.linear.gather [hbm4b:s25+s2], $0xC8, $0x38;
	[tilespmem:$0xCA00] =	vst v63  }
0x32: {  	p0 =	sne.s32 s24, $0x96;
	_ =	swait.ge [sflag:s13], $0xC8  }
0x33: {  	[sflag:s13] =	ssyncset.done $0x0  }
0x34: {  	[sflag:s13] =	ssyncadd.s32 $0xFFFFFF38  }
0x35: {  	[tilespmem:s17], [sflag:$0x2] =	stream.indirect.gather [hbm4b:s3+s14], $0x80, s16, s14, $0xb8;
	[tilespmem:$0xCA00] =	vst v63  }
0x36: {  	_ =	swait.ge [sflag:s18], $0x6400  }
0x37: {  	[sflag:s18] =	ssyncset.done $0x0  }
0x38: {  	[sflag:s18] =	ssyncadd.s32 $0xFFFF9C00  }
0x39: {  	[hbm4b:s21+s2] =	stream.linear.scatter [tilespmem:s15], [sflag:$0x3], $0x6400, $0x38;
	[tilespmem:$0xCA00] =	vst v63  }
0x3a: {  	_ =	swait.ge [sflag:s13], $0x6400  }
0x3b: {  	s24 =	sshrl.u32 s22, $0x3;
	[sflag:s13] =	ssyncset.done $0x0  }
0x3c: {  	s24 =	sadd.s32 s4, s24;
	[sflag:s13] =	ssyncadd.s32 $0xFFFF9C00  }
0x3d: {  	[tilespmem:s2], [sflag:$0x3] =	stream.linear.gather [hbm4b:s24+s2], $0xC8, $0x38;
	[tilespmem:$0xCA00] =	vst v63  }
0x3e: {  	_ =	swait.ge [sflag:s13], $0xC8  }
0x3f: {  	[sflag:s13] =	ssyncset.done $0x0  }
0x40: {  	[sflag:s13] =	ssyncadd.s32 $0xFFFFFF38  }
0x41: {  	[tilespmem:s15], [sflag:$0x1] =	stream.indirect.gather [hbm4b:s3+s14], $0x80, s2, s14, $0xb8;
	[tilespmem:$0xCA00] =	vst v63  }
0x42: {  	_ =	swait.ge [sflag:s19], $0x6400  }
.Ltmp0:
0x43: {  	[sflag:s19] =	ssyncset.done $0x0;
	(pc) =	sbr.rel @p0 .LBB2_2-.Ltmp0, $4  }
0x44: {  	s24 =	sadd.s32 $0xC80, s21;
	[sflag:s19] =	ssyncadd.s32 $0xFFFF9C00  }
0x45: {  	[hbm4b:s24+s2] =	stream.linear.scatter [tilespmem:s17], [sflag:$0x3], $0x6400, $0x38;
	[tilespmem:$0xCA00] =	vst v63  }
0x46: {  	s22 =	sadd.s32 $0x190, s22;
	_ =	swait.ge [sflag:s13], $0x6400  }
0x47: {  	s21 =	sadd.s32 $0x1900, s21;
	s24 =	smov.u32 s26;
	[sflag:s13] =	ssyncset.done $0x0  }
0x48: {  	s23 =	sadd.s32 s23, s12;
	[sflag:s13] =	ssyncadd.s32 $0xFFFF9C00  }
0x49: {  	[tilespmem:s16], [sflag:$0x3] =	stream.linear.gather [hbm4b:s23+s2], $0xC8, $0x38;
	[tilespmem:$0xCA00] =	vst v63  }
0x4a: {  	_ =	swait.ge [sflag:s13], $0xC8  }
0x4b: {  	[sflag:s13] =	ssyncset.done $0x0  }
0x4c: {  	[sflag:s13] =	ssyncadd.s32 $0xFFFFFF38  }
0x4d: {  	[tilespmem:s17], [sflag:$0x2] =	stream.indirect.gather [hbm4b:s3+s14], $0x80, s16, s14, $0xb8;
	[tilespmem:$0xCA00] =	vst v63  }
0x4e: {  	_ =	swait.ge [sflag:s18], $0x6400  }
0x4f: {  	[sflag:s18] =	ssyncset.done $0x0  }
0x50: {  	[sflag:s18] =	ssyncadd.s32 $0xFFFF9C00  }
0x51: {  	[hbm4b:s21+s2] =	stream.linear.scatter [tilespmem:s15], [sflag:$0x3], $0x6400, $0x38;
	[tilespmem:$0xCA00] =	vst v63  }
0x52: {  	_ =	swait.ge [sflag:s13], $0x6400  }
0x53: {  	s22 =	sshrl.u32 s22, $0x3;
	[sflag:s13] =	ssyncset.done $0x0  }
0x54: {  	s22 =	sadd.s32 s4, s22;
	[sflag:s13] =	ssyncadd.s32 $0xFFFF9C00  }
0x55: {  	[tilespmem:s2], [sflag:$0x3] =	stream.linear.gather [hbm4b:s22+s2], $0xC8, $0x38;
	[tilespmem:$0xCA00] =	vst v63  }
0x56: {  	_ =	swait.ge [sflag:s13], $0xC8  }
0x57: {  	[sflag:s13] =	ssyncset.done $0x0  }
0x58: {  	[sflag:s13] =	ssyncadd.s32 $0xFFFFFF38  }
0x59: {  	[tilespmem:s15], [sflag:$0x1] =	stream.indirect.gather [hbm4b:s3+s14], $0x80, s2, s14, $0xb8;
	[tilespmem:$0xCA00] =	vst v63  }
0x5a: {  	_ =	swait.ge [sflag:s19], $0x6400  }
0x5b: {  	[sflag:s19] =	ssyncset.done $0x0  }
0x5c: {  	s31 =	sadd.s32 $0xC80, s21;
	[sflag:s19] =	ssyncadd.s32 $0xFFFF9C00  }
0x5d: {  	[hbm4b:s31+s2] =	stream.linear.scatter [tilespmem:s17], [sflag:$0x3], $0x6400, $0x38;
	[tilespmem:$0xCA00] =	vst v63  }
0x5e: {  	_ =	swait.ge [sflag:s13], $0x6400  }
0x5f: {  	[sflag:s13] =	ssyncset.done $0x0  }
0x60: {  	[sflag:s13] =	ssyncadd.s32 $0xFFFF9C00  }
0x61: {  	[tilespmem:s16], [sflag:$0x3] =	stream.linear.gather [hbm4b:s7+s2], $0xC8, $0x38;
	[tilespmem:$0xCA00] =	vst v63  }
0x62: {  	_ =	swait.ge [sflag:s13], $0xC8  }
0x63: {  	[sflag:s13] =	ssyncset.done $0x0  }
0x64: {  	[sflag:s13] =	ssyncadd.s32 $0xFFFFFF38  }
0x65: {  	[tilespmem:s17], [sflag:$0x2] =	stream.indirect.gather [hbm4b:s3+s14], $0x80, s16, s14, $0xb8;
	[tilespmem:$0xCA00] =	vst v63  }
0x66: {  	_ =	swait.ge [sflag:s18], $0x6400  }
0x67: {  	[sflag:s18] =	ssyncset.done $0x0  }
0x68: {  	[sflag:s18] =	ssyncadd.s32 $0xFFFF9C00  }
0x69: {  	[hbm4b:s8+s2] =	stream.linear.scatter [tilespmem:s15], [sflag:$0x3], $0x6400, $0x38;
	[tilespmem:$0xCA00] =	vst v63  }
0x6a: {  	_ =	swait.ge [sflag:s13], $0x6400  }
0x6b: {  	[sflag:s13] =	ssyncset.done $0x0  }
0x6c: {  	[sflag:s13] =	ssyncadd.s32 $0xFFFF9C00  }
0x6d: {  	s20 =	sadd.s32 $0x1, s20;
	_ =	swait.ge [sflag:s19], $0x6400  }
0x6e: {  	p0 =	sne.s32 s20, s6;
	[sflag:s19] =	ssyncset.done $0x0  }
.Ltmp1:
0x6f: {  	[sflag:s19] =	ssyncadd.s32 $0xFFFF9C00;
	(pc) =	sbr.rel @p0 .LBB2_1-.Ltmp1, $4  }
0x70: {  	[hbm4b:s9+s2] =	stream.linear.scatter [tilespmem:s17], [sflag:$0x3], $0x6400, $0x38;
	[tilespmem:$0xCA00] =	vst v63  }
0x71: {  	_ =	swait.ge [sflag:s13], $0x6400  }
0x72: {  	[sflag:s13] =	ssyncset.done $0x0  }
0x73: {  	[sflag:s13] =	ssyncadd.s32 $0xFFFF9C00  }
0x74: {  	_ =	sfence.sel $0x180000  }
0x75: {  	[bflag:$0x0] =	sbarrier.arrive $0xFFFF  }
0x76: {  	p0 =	sne.s32 s1, $0x0;
	_ =	strace $0x9000004A  }
0x77: {  	s0 =	sadd.s32 @!p0 $0x100000, s0;
	[bflag:$0x2] =	sbarrier.arrive $0xFFFF  }
0x78: {  	[sflag:s0] =	ssyncadd.tile.s32 @!p0 $0x1;
	_ =	shalt  }
.Lfunc_end2:
_tile_overlayer_lowered:
.L_overlay_start_2:
0x79: {  	(tag) =	ssettag $0x2  }
0x7a: {  	s0 =	rddreg [dreg:$0x0];
	s2 =	stileid.u32  }
0x7b: {  	s1 =	rddreg [dreg:$0x1];
	p0 =	sne.s32 s2, $0x0  }
0x7c: {  	s3 =	rddreg [dreg:$0x2];
	[bflag:$0x3] =	sbarrier.arrive $0xFFFF;
	s2 =	simm.s32 @!p0 $0x1C03  }
0x7d: {  	[timem:s3], [sflag:s2] =	dma.local @!p0 [hbm:s0], s1  }
0x7e: {  	s0 =	simm.s32 @!p0 $0x3  }
0x7f: {  	_ =	swait.ge @!p0 [sflag:s0], s1  }
0x80: {  	s1 =	ssub.s32 @!p0 $0x0, s1;
	[sflag:s0] =	ssyncset.done @!p0 $0x0  }
0x81: {  	[sflag:s0] =	ssyncadd.s32 @!p0 s1  }
0x82: {  	[bflag:$0x3] =	sbarrier.arrive $0xFFFF  }
0x83: {  	_ =	shalt  }

// kernel: kernel.22.cloned.1.call-start
scs
__scs_entry_jumppad:
0x0: {  	(pc) =	sbr.rel $0x88, $3  }
0x1: {  	(tag) =	ssettag $0x0;
	lr =	simm.s32 $0x1  }
0x2: {  	[smem:$0x3F98] =	sst lr;
	_ =	strace $0xD0000000  }
0x3: {  	_ = 	snop  }
0x4: {  	_ = 	snop  }
0x5: {  	_ = 	snop  }
0x6: {  	_ = 	snop  }
0x7: {  	_ = 	snop  }
__scs_overlays_trampoline_lowered:
0x8: {  	[smem:$0x3FA7] =	sst s0  }
0x9: {  	[smem:$0x3FA8] =	sst s1  }
0xa: {  	[smem:$0x3FA9] =	sst s2  }
0xb: {  	[smem:$0x3FAA] =	sst s3  }
0xc: {  	[smem:$0x3FAB] =	sst s4  }
0xd: {  	[smem:$0x3FAC] =	sst s5  }
0xe: {  	[smem:$0x3FAD] =	sst s6  }
0xf: {  	[smem:$0x3FAE] =	sst s7  }
0x10: {  	[smem:$0x3FAF] =	sst s8  }
0x11: {  	[smem:$0x3FB0] =	sst s9;
	s0 =	simm.s32 @!p0 $0x0  }
0x12: {  	s1 =	sld [smem:$0x3F96];
	s0 =	simm.s32 @p0 $0x1  }
0x13: {  	[smem:$0x3FB1] =	sst s0;
	s0 =	simm.s32 @!p1 $0x0  }
0x14: {  	s2 =	sld [smem:$0x3F95];
	s0 =	simm.s32 @p1 $0x1  }
0x15: {  	[smem:$0x3FB2] =	sst s0;
	s0 =	simm.s32 @!p2 $0x0  }
0x16: {  	s3 =	sld [smem:$0x3FDB];
	s0 =	simm.s32 @p2 $0x1  }
0x17: {  	s4 =	simm.s32 $0x1BF5;
	[smem:$0x3FB4] =	sst s0  }
0x18: {  	s0 =	sld [smem:$0x3F97];
	_ =	swait.ge [sflag:s4], $0x0  }
0x19: {  	s7 =	sld [smem:$0x3F98]  }
0x1a: {  	s8 =	sadd.s32 $0xFFFFE003, lr  }
0x1b: {  	s9 =	sadd.s32 $0xFFFFFEF7, lr;
	s5 =	simm.s32 $0xFFFFFFFF;
	p2 =	slt.u32 s8, $0xFFFFF086  }
0x1c: {  	p1 =	slt.u32 s9, $0xF7A;
	s5 =	simm.s32 @!p2 $0x0  }
0x1d: {  	s5 =	simm.s32 @p1 $0x1;
	p0 =	seq.s32 s7, s2  }
0x1e: {  	s7 =	smul.u32 @!p0 $0xF7A, s2;
	p2 =	seq.s32 @!p0 s5, $0x0  }
0x1f: {  	s9 =	smul.u32 $0xF7A, s1;
	s8 =	simm.s32 @!p0 $0x1BF5;
	p2 =	por !p2, p0  }
0x20: {  	[sflag:s8] =	ssyncset.s32 @!p0 $0xFFFFF086;
	s6 =	sadd.s32 @!p0 s3, s7;
	s7 =	simm.s32 @!p0 $0x108  }
0x21: {  	s3 =	sadd.s32 s3, s9;
	s6 =	sadd.s32 @!p0 $0x88, s6;
	s7 =	simm.s32 @p2 $0x1082  }
0x22: {  	[simem:s7], [sflag:s8] =	dma.local @!p0 [hbm:s6], $0xF7A  }
0x23: {  	s9 =	sor.u32 $0xD0000000, s2;
	s6 =	simm.s32 $0x108;
	_ =	swait.ge @!p0 [sflag:s8], $0x0  }
0x24: {  	s3 =	sadd.s32 $0x88, s3;
	s6 =	simm.s32 @!p1 $0x1082;
	[sflag:s4] =	ssyncset.s32 $0xFFFFF086  }
0x25: {  	[simem:s6], [sflag:s4] =	dma.local [hbm:s3], $0xF7A  }
0x26: {  	[smem:$0x3F98] =	sst s1;
	(tag) =	ssettag s2;
	_ =	strace s9  }
0x27: {  	s1 =	sld [smem:$0x3FA8]  }
0x28: {  	s2 =	sld [smem:$0x3FA9]  }
0x29: {  	s4 =	sld [smem:$0x3FAB]  }
0x2a: {  	p0 =	seq.s32 s5, $0x0;
	s5 =	sld [smem:$0x3FAC]  }
0x2b: {  	s6 =	sld [smem:$0x3FAD]  }
0x2c: {  	s7 =	sld [smem:$0x3FAE]  }
0x2d: {  	s3 =	simm.s32 $0x108;
	s8 =	sld [smem:$0x3FAF]  }
0x2e: {  	s3 =	simm.s32 @!p0 $0x1082;
	s9 =	sld [smem:$0x3FB0]  }
0x2f: {  	lr =	sadd.s32 s0, s3;
	s0 =	sld [smem:$0x3FA7]  }
0x30: {  	s3 =	sld [smem:$0x3FAA]  }
0x31: {  	[smem:$0x3FB3] =	sst s10  }
0x32: {  	s10 =	sld [smem:$0x3FB1];
	_ =	sdelay $0x3  }
0x33: {  	p0 =	seq.s32 s10, $0x1;
	s10 =	sld [smem:$0x3FB3];
	_ =	sdelay $0x3  }
0x34: {  	[smem:$0x3FB3] =	sst s10  }
0x35: {  	s10 =	sld [smem:$0x3FB2];
	_ =	sdelay $0x3  }
0x36: {  	p1 =	seq.s32 s10, $0x1;
	s10 =	sld [smem:$0x3FB3];
	_ =	sdelay $0x3  }
0x37: {  	[smem:$0x3FB3] =	sst s10  }
0x38: {  	s10 =	sld [smem:$0x3FB4]  }
0x39: {  	_ = 	snop;
	(pc) =	sbr.ind lr, $3  }
0x3a: {  	_ = 	snop  }
0x3b: {  	_ = 	snop  }
0x3c: {  	p2 =	seq.s32 s10, $0x1;
	s10 =	sld [smem:$0x3FB3]  }
0x3d: {  	_ =	shalt  }
0x3e: {  	_ =	shalt  }
0x3f: {  	_ =	shalt  }
0x40: {  	_ =	shalt  }
0x41: {  	_ =	shalt  }
0x42: {  	_ =	shalt  }
0x43: {  	_ =	shalt  }
0x44: {  	_ =	shalt  }
0x45: {  	_ =	shalt  }
0x46: {  	_ =	shalt  }
0x47: {  	_ =	shalt  }
0x48: {  	_ =	shalt  }
0x49: {  	_ =	shalt  }
0x4a: {  	_ =	shalt  }
0x4b: {  	_ =	shalt  }
0x4c: {  	_ =	shalt  }
0x4d: {  	_ =	shalt  }
0x4e: {  	_ =	shalt  }
0x4f: {  	_ =	shalt  }
0x50: {  	_ =	shalt  }
0x51: {  	_ =	shalt  }
0x52: {  	_ =	shalt  }
0x53: {  	_ =	shalt  }
0x54: {  	_ =	shalt  }
0x55: {  	_ =	shalt  }
0x56: {  	_ =	shalt  }
0x57: {  	_ =	shalt  }
0x58: {  	_ =	shalt  }
0x59: {  	_ =	shalt  }
0x5a: {  	_ =	shalt  }
0x5b: {  	_ =	shalt  }
0x5c: {  	_ =	shalt  }
0x5d: {  	_ =	shalt  }
0x5e: {  	_ =	shalt  }
0x5f: {  	_ =	shalt  }
0x60: {  	_ =	shalt  }
0x61: {  	_ =	shalt  }
0x62: {  	_ =	shalt  }
0x63: {  	_ =	shalt  }
0x64: {  	_ =	shalt  }
0x65: {  	_ =	shalt  }
0x66: {  	_ =	shalt  }
0x67: {  	_ =	shalt  }
0x68: {  	_ =	shalt  }
0x69: {  	_ =	shalt  }
0x6a: {  	_ =	shalt  }
0x6b: {  	_ =	shalt  }
0x6c: {  	_ =	shalt  }
0x6d: {  	_ =	shalt  }
0x6e: {  	_ =	shalt  }
0x6f: {  	_ =	shalt  }
0x70: {  	_ =	shalt  }
0x71: {  	_ =	shalt  }
0x72: {  	_ =	shalt  }
0x73: {  	_ =	shalt  }
0x74: {  	_ =	shalt  }
0x75: {  	_ =	shalt  }
0x76: {  	_ =	shalt  }
0x77: {  	_ =	shalt  }
0x78: {  	_ =	shalt  }
0x79: {  	_ =	shalt  }
0x7a: {  	_ =	shalt  }
0x7b: {  	_ =	shalt  }
0x7c: {  	_ =	shalt  }
0x7d: {  	_ =	shalt  }
0x7e: {  	_ =	shalt  }
0x7f: {  	_ =	shalt  }
0x80: {  	_ =	shalt  }
0x81: {  	_ =	shalt  }
0x82: {  	_ =	shalt  }
0x83: {  	_ =	shalt  }
0x84: {  	_ =	shalt  }
0x85: {  	_ =	shalt  }
0x86: {  	_ =	shalt  }
0x87: {  	_ =	shalt  }
.Lfunc_end0:
.L_simem_size_0:
called_computation.3_lowered:
.L_overlay_start_0:
0x88: {  	s2 =	sld [smem:$0x3FD9]  }
0x89: {  	s3 =	sld [smem:$0x3FFE];
	_ =	sdelay $0x1  }
0x8a: {  	s1 =	srdreg.scid  }
0x8b: {  	s0 =	sand.u32 $0x1, s1  }
0x8c: {  	s17 =	sshll.u32 s0, $0xA;
	s2 =	sadd.s32 s3, s2  }
0x8d: {  	s2 =	sadd.s32 s2, s17  }
0x8e: {  	[smem:$0x3FBF] =	sst s2  }
0x8f: {  	_ = 	snop  }
0x90: {  	s2 =	sld [smem:$0x3FD0];
	(tm) =	ssettm $0x1  }
0x91: {  	s18 =	sld [smem:$0x3FFB];
	_ =	sdelay $0x3  }
0x92: {  	_ =	strace s18  }
0x93: {  	s3 =	sld [smem:$0x3FFC];
	_ =	sdelay $0x3  }
0x94: {  	_ =	strace s3  }
0x95: {  	s3 =	sld [smem:$0x3FFD];
	_ =	sdelay $0x3  }
0x96: {  	_ =	strace s3  }
0x97: {  	_ =	strace $0x8FFFFFFF  }
0x98: {  	s19 =	sld [smem:$0x3FDB];
	_ =	sdelay $0x1  }
0x99: {  	s4 =	simm.s32 $_scs_section_size  }
0x9a: {  	s5 =	simm.s32 $_size__tile_overlayer_lowered;
	s6 =	simm.s32 $_tile_overlayer_lowered  }
0x9b: {  	s22 =	simm.s32 $0x1BFF;
	s21 =	sshll.u32 s6, $0x1;
	s3 =	sadd.s32 s4, s19  }
0x9c: {  	s7 =	simm.s32 $0x0;
	s20 =	sshll.u32 s5, $0x1;
	s5 =	sadd.s32 s21, s3  }
0x9d: {  	[timem:s7], [sflag:s22] =	dma.local [hbm:s5], s20  }
0x9e: {  	_ =	swait.ge [sflag:s22], s20  }
0x9f: {  	s4 =	ssub.s32 $0x0, s20;
	[sflag:s22] =	ssyncset.done $0x0  }
0xa0: {  	[sflag:s22] =	ssyncadd.s32 s4;
	_ =	sdelay $0x1  }
0xa1: {  	s23 =	simm.s32 $0x1B8B  }
0xa2: {  	_ =	swait.ge [sflag:s23], $0x1  }
0xa3: {  	[sflag:s23] =	ssyncset.done $0x0  }
0xa4: {  	s25 =	simm.s32 $0x1B8E;
	s24 =	sld [smem:$0x3FFE];
	[sflag:s23] =	ssyncadd.s32 $0xFFFFFFFF  }
0xa5: {  	s26 =	simm.s32 $execute0_lowered;
	[smem:$0x3FD2] =	sst s25  }
0xa6: {  	s5 =	sshll.u32 s26, $0x1;
	_ =	strace $0x80000046;
	[dreg:$0x1] =	wrdreg $0xFFFFFFFF  }
0xa7: {  	s28 =	simm.s32 $_size_execute0_lowered;
	s3 =	sadd.s32 s3, s5;
	[dreg:$0x0] =	wrdreg $0x0  }
0xa8: {  	s5 =	sshll.u32 s28, $0x1;
	[dreg:$0x2] =	wrdreg s3  }
0xa9: {  	[dreg:$0x3] =	wrdreg s5  }
0xaa: {  	[dreg:$0x4] =	wrdreg $0xC0  }
0xab: {  	_ =	task [dreg:s7], $0x5FFFF  }
0xac: {  	[dreg:$0x1] =	wrdreg $0xFFFFFFFF  }
0xad: {  	[dreg:$0x0] =	wrdreg $0x60  }
0xae: {  	[dreg:$0x2] =	wrdreg s24  }
0xaf: {  	[dreg:$0x3] =	wrdreg s2  }
0xb0: {  	[dreg:$0x4] =	wrdreg $0xC  }
0xb1: {  	_ =	task.clear_ibuf [dreg:s7], $0x5FFFF;
	_ =	strace $0x90000046  }
0xb2: {  	s29 =	simm.s32 $0xC;
	_ =	strace $0x80000048  }
0xb3: {  	_ =	swait.ge [sflag:s29], $0x1  }
0xb4: {  	[sflag:s29] =	ssyncadd.s32 $0xFFFFFFFF  }
0xb5: {  	_ =	strace $0x90000048  }
0xb6: {  	_ =	sfence  }
0xb7: {  	s30 =	sld [smem:$0x0];
	_ =	sdelay $0x2  }
0xb8: {  	s31 =	sshll.u32 s1, $0xD;
	s1 =	sshrl.u32 s1, $0x2  }
0xb9: {  	s3 =	sand.u32 $0x4000, s31;
	s1 =	sadd.s32 s1, s30  }
0xba: {  	s0 =	sor.u32 s3, s0;
	s1 =	sshll.u32 s1, $0x11  }
0xbb: {  	s0 =	sor.u32 s1, s0  }
0xbc: {  	s0 =	sadd.s32 $0x8F2B, s0  }
0xbd: {  	[sflag:s0] =	ssyncadd.remote.s32 $0x1  }
0xbe: {  	_ =	sfence.sel $0xFFFF  }
0xbf: {  	[dreg:$0x0] =	wrdreg $0xFFFFFFFF;
	(pc) =	sbr.abs _section_cstart, $3  }
0xc0: {  	[dreg:$0x1] =	wrdreg $0xFFFFFFFF  }
0xc1: {  	_ =	task.clear_ibuf [dreg:s7], $0x2FFFF;
	_ =	strace $0x9FFFFFFF  }
0xc2: {  	(tm) =	ssettm $0x7FFFFFFF  }
0xc3: {  	_ =	shalt  }
tec
execute0_lowered:
.L_overlay_start_1:
0x0: {  	(tag) =	ssettag $0x1  }
0x1: {  	s5 =	rddreg [dreg:$0x0];
	s1 =	srdreg.scid  }
0x2: {  	s0 =	stileid.u32;
	s2 =	rddreg [dreg:$0x1];
	s3 =	simm.s32 $0x0  }
0x3: {  	s16 =	simm.s32 $0x100;
	s17 =	simm.s32 $0x6600;
	s18 =	simm.s32 $0x1  }
0x4: {  	s19 =	simm.s32 $0x2;
	s20 =	simm.s32 $0x0;
	s9 =	sand.u32 $0x1, s1  }
0x5: {  	s4 =	sshll.u32 s0, $0x1;
	s1 =	rddreg [dreg:$0x2];
	s13 =	smul.u32 $0xFA0, s0  }
0x6: {  	[smem:$0x7FF] =	sst s3;
	s10 =	sadd.s32 $0x30C00, s5;
	s14 =	smul.u32 $0xFA00, s0  }
0x7: {  	s6 =	sor.u32 s9, s4;
	s8 =	ssub.s32 $0x2, s9;
	s30 =	smul.u32 $0x7D0, s9  }
0x8: {  	_ =	strace $0x80000047;
	s7 =	smul.u32 $0x7D0, s6;
	s26 =	sshrl.u32 s8, $0x1  }
0x9: {  	s4 =	sadd.s32 $0x9A00, s5;
	s28 =	smul.u32 $0x7D00, s6;
	s8 =	ssub.s32 s8, s26  }
0xa: {  	s15 =	smul.u32 $0x7D00, s9;
	s11 =	sshrl.u32 s7, $0x3;
	s6 =	smax.u32 s8, $0x1  }
0xb: {  	s12 =	sadd.s32 $0x708, s7;
	s29 =	sadd.s32 s10, s28;
	s5 =	sadd.s32 s2, s11  }
0xc: {  	s7 =	sshrl.u32 s12, $0x3;
	s8 =	sadd.s32 $0x6400, s29;
	s12 =	sshll.u32 s12, $0x4  }
0xd: {  	s11 =	sadd.s32 s30, s13;
	s13 =	simm.s32 $0x3;
	s7 =	sadd.s32 s2, s7  }
0xe: {  	s9 =	sadd.s32 s10, s12;
	s10 =	sadd.s32 s14, s10;
	s31 =	sadd.s32 $0xC8, s11  }
0xf: {  	s11 =	sadd.s32 $0x190, s11;
	s14 =	simm.s32 $0xC8;
	s12 =	sshrl.u32 s31, $0x3  }
0x10: {  	s10 =	sadd.s32 s15, s10;
	s15 =	simm.s32 $0x200;
	s12 =	sadd.s32 s12, s2  }
.LBB2_1:
0x11: {  	[tilespmem:s3], [sflag:$0x3] =	stream.linear.gather [hbm4b:s5+s3], $0xC8, $0x38;
	[tilespmem:$0xCA00] =	vst v63  }
0x12: {  	_ =	swait.ge [sflag:s13], $0xC8  }
0x13: {  	[sflag:s13] =	ssyncset.done $0x0  }
0x14: {  	[sflag:s13] =	ssyncadd.s32 $0xFFFFFF38  }
0x15: {  	[tilespmem:s15], [sflag:$0x1] =	stream.indirect.gather [hbm4b:s4+s14], $0x80, s3, s14, $0xb8;
	[tilespmem:$0xCA00] =	vst v63  }
0x16: {  	s21 =	sadd.s32 $0x0, s12  }
0x17: {  	[tilespmem:s16], [sflag:$0x3] =	stream.linear.gather [hbm4b:s21+s3], $0xC8, $0x38;
	[tilespmem:$0xCA00] =	vst v63  }
0x18: {  	_ =	swait.ge [sflag:s13], $0xC8  }
0x19: {  	[sflag:s13] =	ssyncset.done $0x0  }
0x1a: {  	[sflag:s13] =	ssyncadd.s32 $0xFFFFFF38  }
0x1b: {  	[tilespmem:s17], [sflag:$0x2] =	stream.indirect.gather [hbm4b:s4+s14], $0x80, s16, s14, $0xb8;
	[tilespmem:$0xCA00] =	vst v63  }
0x1c: {  	_ =	swait.ge [sflag:s18], $0x6400  }
0x1d: {  	[sflag:s18] =	ssyncset.done $0x0  }
0x1e: {  	[sflag:s18] =	ssyncadd.s32 $0xFFFF9C00  }
0x1f: {  	[hbm4b:s10+s3] =	stream.linear.scatter [tilespmem:s15], [sflag:$0x3], $0x6400, $0x38;
	[tilespmem:$0xCA00] =	vst v63  }
0x20: {  	_ =	swait.ge [sflag:s13], $0x6400  }
0x21: {  	s30 =	sshrl.u32 s11, $0x3;
	[sflag:s13] =	ssyncset.done $0x0  }
0x22: {  	s21 =	sadd.s32 s2, s30;
	[sflag:s13] =	ssyncadd.s32 $0xFFFF9C00  }
0x23: {  	[tilespmem:s3], [sflag:$0x3] =	stream.linear.gather [hbm4b:s21+s3], $0xC8, $0x38;
	[tilespmem:$0xCA00] =	vst v63  }
0x24: {  	_ =	swait.ge [sflag:s13], $0xC8  }
0x25: {  	[sflag:s13] =	ssyncset.done $0x0  }
0x26: {  	[sflag:s13] =	ssyncadd.s32 $0xFFFFFF38  }
0x27: {  	[tilespmem:s15], [sflag:$0x1] =	stream.indirect.gather [hbm4b:s4+s14], $0x80, s3, s14, $0xb8;
	[tilespmem:$0xCA00] =	vst v63  }
0x28: {  	_ =	swait.ge [sflag:s19], $0x6400  }
0x29: {  	[sflag:s19] =	ssyncset.done $0x0  }
0x2a: {  	s31 =	sadd.s32 $0xC80, s10;
	[sflag:s19] =	ssyncadd.s32 $0xFFFF9C00  }
0x2b: {  	[hbm4b:s31+s3] =	stream.linear.scatter [tilespmem:s17], [sflag:$0x3], $0x6400, $0x38;
	[tilespmem:$0xCA00] =	vst v63  }
0x2c: {  	s23 =	simm.s32 $0x32;
	s24 =	simm.s32 $0x64;
	_ =	swait.ge [sflag:s13], $0x6400  }
0x2d: {  	s22 =	sadd.s32 $0x190, s11;
	s21 =	sadd.s32 $0x1900, s10;
	[sflag:s13] =	ssyncset.done $0x0  }
.LBB2_2:
0x2e: {  	s25 =	sadd.s32 s23, s12  }
0x2f: {  	[sflag:s13] =	ssyncadd.s32 $0xFFFF9C00;
	s23 =	smov.u32 s24;
	s26 =	sadd.s32 $0x32, s24  }
0x30: {  	[tilespmem:s16], [sflag:$0x3] =	stream.linear.gather [hbm4b:s25+s3], $0xC8, $0x38;
	[tilespmem:$0xCA00] =	vst v63  }
0x31: {  	p0 =	sne.s32 s24, $0x96;
	_ =	swait.ge [sflag:s13], $0xC8  }
0x32: {  	[sflag:s13] =	ssyncset.done $0x0  }
0x33: {  	[sflag:s13] =	ssyncadd.s32 $0xFFFFFF38  }
0x34: {  	[tilespmem:s17], [sflag:$0x2] =	stream.indirect.gather [hbm4b:s4+s14], $0x80, s16, s14, $0xb8;
	[tilespmem:$0xCA00] =	vst v63  }
0x35: {  	_ =	swait.ge [sflag:s18], $0x6400  }
0x36: {  	[sflag:s18] =	ssyncset.done $0x0  }
0x37: {  	[sflag:s18] =	ssyncadd.s32 $0xFFFF9C00  }
0x38: {  	[hbm4b:s21+s3] =	stream.linear.scatter [tilespmem:s15], [sflag:$0x3], $0x6400, $0x38;
	[tilespmem:$0xCA00] =	vst v63  }
0x39: {  	_ =	swait.ge [sflag:s13], $0x6400  }
0x3a: {  	s24 =	sshrl.u32 s22, $0x3;
	[sflag:s13] =	ssyncset.done $0x0  }
0x3b: {  	s24 =	sadd.s32 s2, s24;
	[sflag:s13] =	ssyncadd.s32 $0xFFFF9C00  }
0x3c: {  	[tilespmem:s3], [sflag:$0x3] =	stream.linear.gather [hbm4b:s24+s3], $0xC8, $0x38;
	[tilespmem:$0xCA00] =	vst v63  }
0x3d: {  	_ =	swait.ge [sflag:s13], $0xC8  }
0x3e: {  	[sflag:s13] =	ssyncset.done $0x0  }
0x3f: {  	[sflag:s13] =	ssyncadd.s32 $0xFFFFFF38  }
0x40: {  	[tilespmem:s15], [sflag:$0x1] =	stream.indirect.gather [hbm4b:s4+s14], $0x80, s3, s14, $0xb8;
	[tilespmem:$0xCA00] =	vst v63  }
0x41: {  	_ =	swait.ge [sflag:s19], $0x6400  }
.Ltmp0:
0x42: {  	[sflag:s19] =	ssyncset.done $0x0;
	(pc) =	sbr.rel @p0 .LBB2_2-.Ltmp0, $4  }
0x43: {  	s24 =	sadd.s32 $0xC80, s21;
	[sflag:s19] =	ssyncadd.s32 $0xFFFF9C00  }
0x44: {  	[hbm4b:s24+s3] =	stream.linear.scatter [tilespmem:s17], [sflag:$0x3], $0x6400, $0x38;
	[tilespmem:$0xCA00] =	vst v63  }
0x45: {  	s22 =	sadd.s32 $0x190, s22;
	_ =	swait.ge [sflag:s13], $0x6400  }
0x46: {  	s21 =	sadd.s32 $0x1900, s21;
	s24 =	smov.u32 s26;
	[sflag:s13] =	ssyncset.done $0x0  }
0x47: {  	s23 =	sadd.s32 s23, s12;
	[sflag:s13] =	ssyncadd.s32 $0xFFFF9C00  }
0x48: {  	[tilespmem:s16], [sflag:$0x3] =	stream.linear.gather [hbm4b:s23+s3], $0xC8, $0x38;
	[tilespmem:$0xCA00] =	vst v63  }
0x49: {  	_ =	swait.ge [sflag:s13], $0xC8  }
0x4a: {  	[sflag:s13] =	ssyncset.done $0x0  }
0x4b: {  	[sflag:s13] =	ssyncadd.s32 $0xFFFFFF38  }
0x4c: {  	[tilespmem:s17], [sflag:$0x2] =	stream.indirect.gather [hbm4b:s4+s14], $0x80, s16, s14, $0xb8;
	[tilespmem:$0xCA00] =	vst v63  }
0x4d: {  	_ =	swait.ge [sflag:s18], $0x6400  }
0x4e: {  	[sflag:s18] =	ssyncset.done $0x0  }
0x4f: {  	[sflag:s18] =	ssyncadd.s32 $0xFFFF9C00  }
0x50: {  	[hbm4b:s21+s3] =	stream.linear.scatter [tilespmem:s15], [sflag:$0x3], $0x6400, $0x38;
	[tilespmem:$0xCA00] =	vst v63  }
0x51: {  	_ =	swait.ge [sflag:s13], $0x6400  }
0x52: {  	s22 =	sshrl.u32 s22, $0x3;
	[sflag:s13] =	ssyncset.done $0x0  }
0x53: {  	s22 =	sadd.s32 s2, s22;
	[sflag:s13] =	ssyncadd.s32 $0xFFFF9C00  }
0x54: {  	[tilespmem:s3], [sflag:$0x3] =	stream.linear.gather [hbm4b:s22+s3], $0xC8, $0x38;
	[tilespmem:$0xCA00] =	vst v63  }
0x55: {  	_ =	swait.ge [sflag:s13], $0xC8  }
0x56: {  	[sflag:s13] =	ssyncset.done $0x0  }
0x57: {  	[sflag:s13] =	ssyncadd.s32 $0xFFFFFF38  }
0x58: {  	[tilespmem:s15], [sflag:$0x1] =	stream.indirect.gather [hbm4b:s4+s14], $0x80, s3, s14, $0xb8;
	[tilespmem:$0xCA00] =	vst v63  }
0x59: {  	_ =	swait.ge [sflag:s19], $0x6400  }
0x5a: {  	[sflag:s19] =	ssyncset.done $0x0  }
0x5b: {  	s31 =	sadd.s32 $0xC80, s21;
	[sflag:s19] =	ssyncadd.s32 $0xFFFF9C00  }
0x5c: {  	[hbm4b:s31+s3] =	stream.linear.scatter [tilespmem:s17], [sflag:$0x3], $0x6400, $0x38;
	[tilespmem:$0xCA00] =	vst v63  }
0x5d: {  	_ =	swait.ge [sflag:s13], $0x6400  }
0x5e: {  	[sflag:s13] =	ssyncset.done $0x0  }
0x5f: {  	[sflag:s13] =	ssyncadd.s32 $0xFFFF9C00  }
0x60: {  	[tilespmem:s16], [sflag:$0x3] =	stream.linear.gather [hbm4b:s7+s3], $0xC8, $0x38;
	[tilespmem:$0xCA00] =	vst v63  }
0x61: {  	_ =	swait.ge [sflag:s13], $0xC8  }
0x62: {  	[sflag:s13] =	ssyncset.done $0x0  }
0x63: {  	[sflag:s13] =	ssyncadd.s32 $0xFFFFFF38  }
0x64: {  	[tilespmem:s17], [sflag:$0x2] =	stream.indirect.gather [hbm4b:s4+s14], $0x80, s16, s14, $0xb8;
	[tilespmem:$0xCA00] =	vst v63  }
0x65: {  	_ =	swait.ge [sflag:s18], $0x6400  }
0x66: {  	[sflag:s18] =	ssyncset.done $0x0  }
0x67: {  	[sflag:s18] =	ssyncadd.s32 $0xFFFF9C00  }
0x68: {  	[hbm4b:s8+s3] =	stream.linear.scatter [tilespmem:s15], [sflag:$0x3], $0x6400, $0x38;
	[tilespmem:$0xCA00] =	vst v63  }
0x69: {  	_ =	swait.ge [sflag:s13], $0x6400  }
0x6a: {  	[sflag:s13] =	ssyncset.done $0x0  }
0x6b: {  	[sflag:s13] =	ssyncadd.s32 $0xFFFF9C00  }
0x6c: {  	s20 =	sadd.s32 $0x1, s20;
	_ =	swait.ge [sflag:s19], $0x6400  }
0x6d: {  	p0 =	sne.s32 s20, s6;
	[sflag:s19] =	ssyncset.done $0x0  }
.Ltmp1:
0x6e: {  	[sflag:s19] =	ssyncadd.s32 $0xFFFF9C00;
	(pc) =	sbr.rel @p0 .LBB2_1-.Ltmp1, $4  }
0x6f: {  	[hbm4b:s9+s3] =	stream.linear.scatter [tilespmem:s17], [sflag:$0x3], $0x6400, $0x38;
	[tilespmem:$0xCA00] =	vst v63  }
0x70: {  	_ =	swait.ge [sflag:s13], $0x6400  }
0x71: {  	[sflag:s13] =	ssyncset.done $0x0  }
0x72: {  	[sflag:s13] =	ssyncadd.s32 $0xFFFF9C00  }
0x73: {  	_ =	sfence.sel $0x180000  }
0x74: {  	[bflag:$0x0] =	sbarrier.arrive $0xFFFF  }
0x75: {  	p0 =	sne.s32 s0, $0x0;
	_ =	strace $0x90000047  }
0x76: {  	s0 =	sadd.s32 @!p0 $0x100000, s1;
	[bflag:$0x2] =	sbarrier.arrive $0xFFFF  }
0x77: {  	[sflag:s0] =	ssyncadd.tile.s32 @!p0 $0x1;
	_ =	shalt  }
.Lfunc_end2:
_tile_overlayer_lowered:
.L_overlay_start_2:
0x78: {  	(tag) =	ssettag $0x2  }
0x79: {  	s0 =	rddreg [dreg:$0x0];
	s2 =	stileid.u32  }
0x7a: {  	s1 =	rddreg [dreg:$0x1];
	p0 =	sne.s32 s2, $0x0  }
0x7b: {  	s3 =	rddreg [dreg:$0x2];
	[bflag:$0x3] =	sbarrier.arrive $0xFFFF;
	s2 =	simm.s32 @!p0 $0x1C03  }
0x7c: {  	[timem:s3], [sflag:s2] =	dma.local @!p0 [hbm:s0], s1  }
0x7d: {  	s0 =	simm.s32 @!p0 $0x3  }
0x7e: {  	_ =	swait.ge @!p0 [sflag:s0], s1  }
0x7f: {  	s1 =	ssub.s32 @!p0 $0x0, s1;
	[sflag:s0] =	ssyncset.done @!p0 $0x0  }
0x80: {  	[sflag:s0] =	ssyncadd.s32 @!p0 s1  }
0x81: {  	[bflag:$0x3] =	sbarrier.arrive $0xFFFF  }
0x82: {  	_ =	shalt  }

// kernel: kernel.25.cloned.1.call-start
scs
__scs_entry_jumppad:
0x0: {  	(pc) =	sbr.rel $0x88, $3  }
0x1: {  	(tag) =	ssettag $0x0;
	lr =	simm.s32 $0x1  }
0x2: {  	[smem:$0x3F98] =	sst lr;
	_ =	strace $0xD0000000  }
0x3: {  	_ = 	snop  }
0x4: {  	_ = 	snop  }
0x5: {  	_ = 	snop  }
0x6: {  	_ = 	snop  }
0x7: {  	_ = 	snop  }
__scs_overlays_trampoline_lowered:
0x8: {  	[smem:$0x3FA7] =	sst s0  }
0x9: {  	[smem:$0x3FA8] =	sst s1  }
0xa: {  	[smem:$0x3FA9] =	sst s2  }
0xb: {  	[smem:$0x3FAA] =	sst s3  }
0xc: {  	[smem:$0x3FAB] =	sst s4  }
0xd: {  	[smem:$0x3FAC] =	sst s5  }
0xe: {  	[smem:$0x3FAD] =	sst s6  }
0xf: {  	[smem:$0x3FAE] =	sst s7  }
0x10: {  	[smem:$0x3FAF] =	sst s8  }
0x11: {  	[smem:$0x3FB0] =	sst s9;
	s0 =	simm.s32 @!p0 $0x0  }
0x12: {  	s1 =	sld [smem:$0x3F96];
	s0 =	simm.s32 @p0 $0x1  }
0x13: {  	[smem:$0x3FB1] =	sst s0;
	s0 =	simm.s32 @!p1 $0x0  }
0x14: {  	s2 =	sld [smem:$0x3F95];
	s0 =	simm.s32 @p1 $0x1  }
0x15: {  	[smem:$0x3FB2] =	sst s0;
	s0 =	simm.s32 @!p2 $0x0  }
0x16: {  	s3 =	sld [smem:$0x3FDB];
	s0 =	simm.s32 @p2 $0x1  }
0x17: {  	s4 =	simm.s32 $0x1BF5;
	[smem:$0x3FB4] =	sst s0  }
0x18: {  	s0 =	sld [smem:$0x3F97];
	_ =	swait.ge [sflag:s4], $0x0  }
0x19: {  	s7 =	sld [smem:$0x3F98]  }
0x1a: {  	s8 =	sadd.s32 $0xFFFFE003, lr  }
0x1b: {  	s9 =	sadd.s32 $0xFFFFFEF7, lr;
	s5 =	simm.s32 $0xFFFFFFFF;
	p2 =	slt.u32 s8, $0xFFFFF086  }
0x1c: {  	p1 =	slt.u32 s9, $0xF7A;
	s5 =	simm.s32 @!p2 $0x0  }
0x1d: {  	s5 =	simm.s32 @p1 $0x1;
	p0 =	seq.s32 s7, s2  }
0x1e: {  	s7 =	smul.u32 @!p0 $0xF7A, s2;
	p2 =	seq.s32 @!p0 s5, $0x0  }
0x1f: {  	s9 =	smul.u32 $0xF7A, s1;
	s8 =	simm.s32 @!p0 $0x1BF5;
	p2 =	por !p2, p0  }
0x20: {  	[sflag:s8] =	ssyncset.s32 @!p0 $0xFFFFF086;
	s6 =	sadd.s32 @!p0 s3, s7;
	s7 =	simm.s32 @!p0 $0x108  }
0x21: {  	s3 =	sadd.s32 s3, s9;
	s6 =	sadd.s32 @!p0 $0x88, s6;
	s7 =	simm.s32 @p2 $0x1082  }
0x22: {  	[simem:s7], [sflag:s8] =	dma.local @!p0 [hbm:s6], $0xF7A  }
0x23: {  	s9 =	sor.u32 $0xD0000000, s2;
	s6 =	simm.s32 $0x108;
	_ =	swait.ge @!p0 [sflag:s8], $0x0  }
0x24: {  	s3 =	sadd.s32 $0x88, s3;
	s6 =	simm.s32 @!p1 $0x1082;
	[sflag:s4] =	ssyncset.s32 $0xFFFFF086  }
0x25: {  	[simem:s6], [sflag:s4] =	dma.local [hbm:s3], $0xF7A  }
0x26: {  	[smem:$0x3F98] =	sst s1;
	(tag) =	ssettag s2;
	_ =	strace s9  }
0x27: {  	s1 =	sld [smem:$0x3FA8]  }
0x28: {  	s2 =	sld [smem:$0x3FA9]  }
0x29: {  	s4 =	sld [smem:$0x3FAB]  }
0x2a: {  	p0 =	seq.s32 s5, $0x0;
	s5 =	sld [smem:$0x3FAC]  }
0x2b: {  	s6 =	sld [smem:$0x3FAD]  }
0x2c: {  	s7 =	sld [smem:$0x3FAE]  }
0x2d: {  	s3 =	simm.s32 $0x108;
	s8 =	sld [smem:$0x3FAF]  }
0x2e: {  	s3 =	simm.s32 @!p0 $0x1082;
	s9 =	sld [smem:$0x3FB0]  }
0x2f: {  	lr =	sadd.s32 s0, s3;
	s0 =	sld [smem:$0x3FA7]  }
0x30: {  	s3 =	sld [smem:$0x3FAA]  }
0x31: {  	[smem:$0x3FB3] =	sst s10  }
0x32: {  	s10 =	sld [smem:$0x3FB1];
	_ =	sdelay $0x3  }
0x33: {  	p0 =	seq.s32 s10, $0x1;
	s10 =	sld [smem:$0x3FB3];
	_ =	sdelay $0x3  }
0x34: {  	[smem:$0x3FB3] =	sst s10  }
0x35: {  	s10 =	sld [smem:$0x3FB2];
	_ =	sdelay $0x3  }
0x36: {  	p1 =	seq.s32 s10, $0x1;
	s10 =	sld [smem:$0x3FB3];
	_ =	sdelay $0x3  }
0x37: {  	[smem:$0x3FB3] =	sst s10  }
0x38: {  	s10 =	sld [smem:$0x3FB4]  }
0x39: {  	_ = 	snop;
	(pc) =	sbr.ind lr, $3  }
0x3a: {  	_ = 	snop  }
0x3b: {  	_ = 	snop  }
0x3c: {  	p2 =	seq.s32 s10, $0x1;
	s10 =	sld [smem:$0x3FB3]  }
0x3d: {  	_ =	shalt  }
0x3e: {  	_ =	shalt  }
0x3f: {  	_ =	shalt  }
0x40: {  	_ =	shalt  }
0x41: {  	_ =	shalt  }
0x42: {  	_ =	shalt  }
0x43: {  	_ =	shalt  }
0x44: {  	_ =	shalt  }
0x45: {  	_ =	shalt  }
0x46: {  	_ =	shalt  }
0x47: {  	_ =	shalt  }
0x48: {  	_ =	shalt  }
0x49: {  	_ =	shalt  }
0x4a: {  	_ =	shalt  }
0x4b: {  	_ =	shalt  }
0x4c: {  	_ =	shalt  }
0x4d: {  	_ =	shalt  }
0x4e: {  	_ =	shalt  }
0x4f: {  	_ =	shalt  }
0x50: {  	_ =	shalt  }
0x51: {  	_ =	shalt  }
0x52: {  	_ =	shalt  }
0x53: {  	_ =	shalt  }
0x54: {  	_ =	shalt  }
0x55: {  	_ =	shalt  }
0x56: {  	_ =	shalt  }
0x57: {  	_ =	shalt  }
0x58: {  	_ =	shalt  }
0x59: {  	_ =	shalt  }
0x5a: {  	_ =	shalt  }
0x5b: {  	_ =	shalt  }
0x5c: {  	_ =	shalt  }
0x5d: {  	_ =	shalt  }
0x5e: {  	_ =	shalt  }
0x5f: {  	_ =	shalt  }
0x60: {  	_ =	shalt  }
0x61: {  	_ =	shalt  }
0x62: {  	_ =	shalt  }
0x63: {  	_ =	shalt  }
0x64: {  	_ =	shalt  }
0x65: {  	_ =	shalt  }
0x66: {  	_ =	shalt  }
0x67: {  	_ =	shalt  }
0x68: {  	_ =	shalt  }
0x69: {  	_ =	shalt  }
0x6a: {  	_ =	shalt  }
0x6b: {  	_ =	shalt  }
0x6c: {  	_ =	shalt  }
0x6d: {  	_ =	shalt  }
0x6e: {  	_ =	shalt  }
0x6f: {  	_ =	shalt  }
0x70: {  	_ =	shalt  }
0x71: {  	_ =	shalt  }
0x72: {  	_ =	shalt  }
0x73: {  	_ =	shalt  }
0x74: {  	_ =	shalt  }
0x75: {  	_ =	shalt  }
0x76: {  	_ =	shalt  }
0x77: {  	_ =	shalt  }
0x78: {  	_ =	shalt  }
0x79: {  	_ =	shalt  }
0x7a: {  	_ =	shalt  }
0x7b: {  	_ =	shalt  }
0x7c: {  	_ =	shalt  }
0x7d: {  	_ =	shalt  }
0x7e: {  	_ =	shalt  }
0x7f: {  	_ =	shalt  }
0x80: {  	_ =	shalt  }
0x81: {  	_ =	shalt  }
0x82: {  	_ =	shalt  }
0x83: {  	_ =	shalt  }
0x84: {  	_ =	shalt  }
0x85: {  	_ =	shalt  }
0x86: {  	_ =	shalt  }
0x87: {  	_ =	shalt  }
.Lfunc_end0:
.L_simem_size_0:
called_computation.4_lowered:
.L_overlay_start_0:
0x88: {  	s2 =	sld [smem:$0x3FD9]  }
0x89: {  	s3 =	sld [smem:$0x3FFE];
	_ =	sdelay $0x1  }
0x8a: {  	s1 =	srdreg.scid  }
0x8b: {  	s0 =	sand.u32 $0x1, s1  }
0x8c: {  	s17 =	sshll.u32 s0, $0xA;
	s2 =	sadd.s32 s3, s2  }
0x8d: {  	s2 =	sadd.s32 s2, s17  }
0x8e: {  	[smem:$0x3FBF] =	sst s2  }
0x8f: {  	_ = 	snop  }
0x90: {  	(tm) =	ssettm $0x1  }
0x91: {  	s18 =	sld [smem:$0x3FFB];
	_ =	sdelay $0x3  }
0x92: {  	_ =	strace s18  }
0x93: {  	s2 =	sld [smem:$0x3FFC];
	_ =	sdelay $0x3  }
0x94: {  	_ =	strace s2  }
0x95: {  	s2 =	sld [smem:$0x3FFD];
	_ =	sdelay $0x3  }
0x96: {  	_ =	strace s2  }
0x97: {  	_ =	strace $0x8FFFFFFF  }
0x98: {  	s19 =	sld [smem:$0x3FDB];
	_ =	sdelay $0x1  }
0x99: {  	s20 =	simm.s32 $_scs_section_size  }
0x9a: {  	s4 =	simm.s32 $_size__tile_overlayer_lowered;
	s5 =	simm.s32 $_tile_overlayer_lowered  }
0x9b: {  	s6 =	simm.s32 $0x1BFF;
	s21 =	sshll.u32 s5, $0x1;
	s3 =	sadd.s32 s20, s19  }
0x9c: {  	s22 =	simm.s32 $0x0;
	s4 =	sshll.u32 s4, $0x1;
	s5 =	sadd.s32 s21, s3  }
0x9d: {  	[timem:s22], [sflag:s6] =	dma.local [hbm:s5], s4  }
0x9e: {  	_ =	swait.ge [sflag:s6], s4  }
0x9f: {  	s4 =	ssub.s32 $0x0, s4;
	[sflag:s6] =	ssyncset.done $0x0  }
0xa0: {  	[sflag:s6] =	ssyncadd.s32 s4;
	_ =	sdelay $0x1  }
0xa1: {  	s23 =	simm.s32 $0x1B8B  }
0xa2: {  	_ =	swait.ge [sflag:s23], $0x1  }
0xa3: {  	[sflag:s23] =	ssyncset.done $0x0  }
0xa4: {  	[sflag:s23] =	ssyncadd.s32 $0xFFFFFFFF  }
0xa5: {  	s4 =	sld [smem:$0x0]  }
0xa6: {  	s5 =	sand.u32 $0xFFFFFFFE, s1  }
0xa7: {  	p0 =	sne.s32 s1, s5  }
0xa8: {  	s5 =	sshll.u32 @p0 s5, $0xE  }
0xa9: {  	s5 =	sadd.s32 @p0 $0x11B8D, s5;
	s6 =	sshll.u32 @p0 s4, $0x11  }
0xaa: {  	s5 =	sor.u32 @p0 s6, s5  }
0xab: {  	[sflag:s5] =	ssyncadd.remote.s32 @p0 $0x1;
	_ =	sdelay $0x1  }
0xac: {  	s5 =	simm.s32 @p0 $0x1B8D  }
0xad: {  	_ =	swait.eq @p0 [sflag:s5], $0x1  }
0xae: {  	[sflag:s5] =	ssyncadd.s32 @p0 $0xFFFFFFFF  }
0xaf: {  	s6 =	sshll.u32 @!p0 s1, $0xE  }
0xb0: {  	s6 =	sor.u32 @!p0 $0x4000, s6;
	s5 =	simm.s32 @!p0 $0x1B8D  }
0xb1: {  	s4 =	sshll.u32 @!p0 s4, $0x11;
	s6 =	sadd.s32 @!p0 $0x11B8D, s6;
	_ =	swait.eq @!p0 [sflag:s5], $0x1  }
0xb2: {  	s4 =	sor.u32 @!p0 s4, s6;
	[sflag:s5] =	ssyncadd.s32 @!p0 $0xFFFFFFFF  }
0xb3: {  	s25 =	simm.s32 $0x1B8E;
	s24 =	sld [smem:$0x3FFE];
	[sflag:s4] =	ssyncadd.remote.s32 @!p0 $0x1  }
0xb4: {  	s26 =	simm.s32 $execute0_lowered;
	[smem:$0x3FD2] =	sst s25  }
0xb5: {  	s5 =	sshll.u32 s26, $0x1;
	_ =	strace $0x80000052;
	[dreg:$0x1] =	wrdreg $0xFFFFFFFF  }
0xb6: {  	s28 =	simm.s32 $_size_execute0_lowered;
	s3 =	sadd.s32 s3, s5;
	[dreg:$0x0] =	wrdreg $0x0  }
0xb7: {  	s5 =	sshll.u32 s28, $0x1;
	[dreg:$0x2] =	wrdreg s3  }
0xb8: {  	[dreg:$0x3] =	wrdreg s5  }
0xb9: {  	[dreg:$0x4] =	wrdreg $0xC0  }
0xba: {  	_ =	task [dreg:s22], $0x5FFFF  }
0xbb: {  	[dreg:$0x1] =	wrdreg $0xFFFFFFFF  }
0xbc: {  	[dreg:$0x0] =	wrdreg $0x60  }
0xbd: {  	[dreg:$0x2] =	wrdreg s24  }
0xbe: {  	[dreg:$0x3] =	wrdreg $0xD  }
0xbf: {  	_ =	task.clear_ibuf [dreg:s22], $0x4FFFF;
	_ =	strace $0x90000052  }
0xc0: {  	s29 =	simm.s32 $0xD;
	_ =	strace $0x80000054  }
0xc1: {  	_ =	swait.ge [sflag:s29], $0x1  }
0xc2: {  	[sflag:s29] =	ssyncadd.s32 $0xFFFFFFFF  }
0xc3: {  	_ =	strace $0x90000054  }
0xc4: {  	_ =	sfence  }
0xc5: {  	s30 =	sld [smem:$0x0];
	_ =	sdelay $0x2  }
0xc6: {  	s31 =	sshll.u32 s1, $0xD;
	s1 =	sshrl.u32 s1, $0x2  }
0xc7: {  	s4 =	sand.u32 $0x4000, s31;
	s1 =	sadd.s32 s1, s30  }
0xc8: {  	s0 =	sor.u32 s4, s0;
	s1 =	sshll.u32 s1, $0x11  }
0xc9: {  	s0 =	sor.u32 s1, s0  }
0xca: {  	s0 =	sadd.s32 $0x8F2B, s0  }
0xcb: {  	[sflag:s0] =	ssyncadd.remote.s32 $0x1  }
0xcc: {  	_ =	sfence.sel $0xFFFF  }
0xcd: {  	[dreg:$0x0] =	wrdreg $0xFFFFFFFF;
	(pc) =	sbr.abs _section_cstart, $3  }
0xce: {  	[dreg:$0x1] =	wrdreg $0xFFFFFFFF  }
0xcf: {  	_ =	task.clear_ibuf [dreg:s22], $0x2FFFF;
	_ =	strace $0x9FFFFFFF  }
0xd0: {  	(tm) =	ssettm $0x7FFFFFFF  }
0xd1: {  	_ =	shalt  }
tec
execute0_lowered:
.L_overlay_start_1:
0x0: {  	(tag) =	ssettag $0x1  }
0x1: {  	s5 =	rddreg [dreg:$0x0]  }
0x2: {  	s0 =	rddreg [dreg:$0x1]  }
0x3: {  	s3 =	srdreg.scid;
	s1 =	stileid.u32;
	s2 =	simm.s32 $0x0  }
0x4: {  	s16 =	simm.s32 $0x100;
	s17 =	simm.s32 $0x6600;
	s18 =	simm.s32 $0x1  }
0x5: {  	s19 =	simm.s32 $0x2;
	s20 =	simm.s32 $0x0;
	s9 =	sand.u32 $0x1, s3  }
0x6: {  	s25 =	sshll.u32 s1, $0x1;
	[smem:$0x7FF] =	sst s2;
	s13 =	smul.u32 $0xFA0, s1  }
0x7: {  	s3 =	sadd.s32 $0x9A00, s5;
	s4 =	sadd.s32 $0x7A00, s5;
	s14 =	smul.u32 $0xFA00, s1  }
0x8: {  	s6 =	sor.u32 s9, s25;
	s8 =	ssub.s32 $0x2, s9;
	s30 =	smul.u32 $0x7D0, s9  }
0x9: {  	s10 =	sadd.s32 $0x41AC00, s5;
	s7 =	smul.u32 $0x7D0, s6;
	s26 =	sshrl.u32 s8, $0x1  }
0xa: {  	_ =	strace $0x80000053;
	s28 =	smul.u32 $0x7D00, s6;
	s8 =	ssub.s32 s8, s26  }
0xb: {  	s15 =	smul.u32 $0x7D00, s9;
	s11 =	sshrl.u32 s7, $0x3;
	s6 =	smax.u32 s8, $0x1  }
0xc: {  	s12 =	sadd.s32 $0x708, s7;
	s29 =	sadd.s32 s10, s28;
	s5 =	sadd.s32 s4, s11  }
0xd: {  	s7 =	sshrl.u32 s12, $0x3;
	s8 =	sadd.s32 $0x6400, s29;
	s12 =	sshll.u32 s12, $0x4  }
0xe: {  	s11 =	sadd.s32 s30, s13;
	s13 =	simm.s32 $0x3;
	s7 =	sadd.s32 s4, s7  }
0xf: {  	s9 =	sadd.s32 s10, s12;
	s10 =	sadd.s32 s14, s10;
	s31 =	sadd.s32 $0xC8, s11  }
0x10: {  	s11 =	sadd.s32 $0x190, s11;
	s14 =	simm.s32 $0xC8;
	s12 =	sshrl.u32 s31, $0x3  }
0x11: {  	s10 =	sadd.s32 s15, s10;
	s15 =	simm.s32 $0x200;
	s12 =	sadd.s32 s12, s4  }
.LBB2_1:
0x12: {  	[tilespmem:s2], [sflag:$0x3] =	stream.linear.gather [hbm4b:s5+s2], $0xC8, $0x38;
	[tilespmem:$0xCA00] =	vst v63  }
0x13: {  	_ =	swait.ge [sflag:s13], $0xC8  }
0x14: {  	[sflag:s13] =	ssyncset.done $0x0  }
0x15: {  	[sflag:s13] =	ssyncadd.s32 $0xFFFFFF38  }
0x16: {  	[tilespmem:s15], [sflag:$0x1] =	stream.indirect.gather [hbm4b:s3+s14], $0x80, s2, s14, $0xb8;
	[tilespmem:$0xCA00] =	vst v63  }
0x17: {  	s21 =	sadd.s32 $0x0, s12  }
0x18: {  	[tilespmem:s16], [sflag:$0x3] =	stream.linear.gather [hbm4b:s21+s2], $0xC8, $0x38;
	[tilespmem:$0xCA00] =	vst v63  }
0x19: {  	_ =	swait.ge [sflag:s13], $0xC8  }
0x1a: {  	[sflag:s13] =	ssyncset.done $0x0  }
0x1b: {  	[sflag:s13] =	ssyncadd.s32 $0xFFFFFF38  }
0x1c: {  	[tilespmem:s17], [sflag:$0x2] =	stream.indirect.gather [hbm4b:s3+s14], $0x80, s16, s14, $0xb8;
	[tilespmem:$0xCA00] =	vst v63  }
0x1d: {  	_ =	swait.ge [sflag:s18], $0x6400  }
0x1e: {  	[sflag:s18] =	ssyncset.done $0x0  }
0x1f: {  	[sflag:s18] =	ssyncadd.s32 $0xFFFF9C00  }
0x20: {  	[hbm4b:s10+s2] =	stream.linear.scatter [tilespmem:s15], [sflag:$0x3], $0x6400, $0x38;
	[tilespmem:$0xCA00] =	vst v63  }
0x21: {  	_ =	swait.ge [sflag:s13], $0x6400  }
0x22: {  	s30 =	sshrl.u32 s11, $0x3;
	[sflag:s13] =	ssyncset.done $0x0  }
0x23: {  	s21 =	sadd.s32 s4, s30;
	[sflag:s13] =	ssyncadd.s32 $0xFFFF9C00  }
0x24: {  	[tilespmem:s2], [sflag:$0x3] =	stream.linear.gather [hbm4b:s21+s2], $0xC8, $0x38;
	[tilespmem:$0xCA00] =	vst v63  }
0x25: {  	_ =	swait.ge [sflag:s13], $0xC8  }
0x26: {  	[sflag:s13] =	ssyncset.done $0x0  }
0x27: {  	[sflag:s13] =	ssyncadd.s32 $0xFFFFFF38  }
0x28: {  	[tilespmem:s15], [sflag:$0x1] =	stream.indirect.gather [hbm4b:s3+s14], $0x80, s2, s14, $0xb8;
	[tilespmem:$0xCA00] =	vst v63  }
0x29: {  	_ =	swait.ge [sflag:s19], $0x6400  }
0x2a: {  	[sflag:s19] =	ssyncset.done $0x0  }
0x2b: {  	s31 =	sadd.s32 $0xC80, s10;
	[sflag:s19] =	ssyncadd.s32 $0xFFFF9C00  }
0x2c: {  	[hbm4b:s31+s2] =	stream.linear.scatter [tilespmem:s17], [sflag:$0x3], $0x6400, $0x38;
	[tilespmem:$0xCA00] =	vst v63  }
0x2d: {  	s23 =	simm.s32 $0x32;
	s24 =	simm.s32 $0x64;
	_ =	swait.ge [sflag:s13], $0x6400  }
0x2e: {  	s22 =	sadd.s32 $0x190, s11;
	s21 =	sadd.s32 $0x1900, s10;
	[sflag:s13] =	ssyncset.done $0x0  }
.LBB2_2:
0x2f: {  	s25 =	sadd.s32 s23, s12  }
0x30: {  	[sflag:s13] =	ssyncadd.s32 $0xFFFF9C00;
	s23 =	smov.u32 s24;
	s26 =	sadd.s32 $0x32, s24  }
0x31: {  	[tilespmem:s16], [sflag:$0x3] =	stream.linear.gather [hbm4b:s25+s2], $0xC8, $0x38;
	[tilespmem:$0xCA00] =	vst v63  }
0x32: {  	p0 =	sne.s32 s24, $0x96;
	_ =	swait.ge [sflag:s13], $0xC8  }
0x33: {  	[sflag:s13] =	ssyncset.done $0x0  }
0x34: {  	[sflag:s13] =	ssyncadd.s32 $0xFFFFFF38  }
0x35: {  	[tilespmem:s17], [sflag:$0x2] =	stream.indirect.gather [hbm4b:s3+s14], $0x80, s16, s14, $0xb8;
	[tilespmem:$0xCA00] =	vst v63  }
0x36: {  	_ =	swait.ge [sflag:s18], $0x6400  }
0x37: {  	[sflag:s18] =	ssyncset.done $0x0  }
0x38: {  	[sflag:s18] =	ssyncadd.s32 $0xFFFF9C00  }
0x39: {  	[hbm4b:s21+s2] =	stream.linear.scatter [tilespmem:s15], [sflag:$0x3], $0x6400, $0x38;
	[tilespmem:$0xCA00] =	vst v63  }
0x3a: {  	_ =	swait.ge [sflag:s13], $0x6400  }
0x3b: {  	s24 =	sshrl.u32 s22, $0x3;
	[sflag:s13] =	ssyncset.done $0x0  }
0x3c: {  	s24 =	sadd.s32 s4, s24;
	[sflag:s13] =	ssyncadd.s32 $0xFFFF9C00  }
0x3d: {  	[tilespmem:s2], [sflag:$0x3] =	stream.linear.gather [hbm4b:s24+s2], $0xC8, $0x38;
	[tilespmem:$0xCA00] =	vst v63  }
0x3e: {  	_ =	swait.ge [sflag:s13], $0xC8  }
0x3f: {  	[sflag:s13] =	ssyncset.done $0x0  }
0x40: {  	[sflag:s13] =	ssyncadd.s32 $0xFFFFFF38  }
0x41: {  	[tilespmem:s15], [sflag:$0x1] =	stream.indirect.gather [hbm4b:s3+s14], $0x80, s2, s14, $0xb8;
	[tilespmem:$0xCA00] =	vst v63  }
0x42: {  	_ =	swait.ge [sflag:s19], $0x6400  }
.Ltmp0:
0x43: {  	[sflag:s19] =	ssyncset.done $0x0;
	(pc) =	sbr.rel @p0 .LBB2_2-.Ltmp0, $4  }
0x44: {  	s24 =	sadd.s32 $0xC80, s21;
	[sflag:s19] =	ssyncadd.s32 $0xFFFF9C00  }
0x45: {  	[hbm4b:s24+s2] =	stream.linear.scatter [tilespmem:s17], [sflag:$0x3], $0x6400, $0x38;
	[tilespmem:$0xCA00] =	vst v63  }
0x46: {  	s22 =	sadd.s32 $0x190, s22;
	_ =	swait.ge [sflag:s13], $0x6400  }
0x47: {  	s21 =	sadd.s32 $0x1900, s21;
	s24 =	smov.u32 s26;
	[sflag:s13] =	ssyncset.done $0x0  }
0x48: {  	s23 =	sadd.s32 s23, s12;
	[sflag:s13] =	ssyncadd.s32 $0xFFFF9C00  }
0x49: {  	[tilespmem:s16], [sflag:$0x3] =	stream.linear.gather [hbm4b:s23+s2], $0xC8, $0x38;
	[tilespmem:$0xCA00] =	vst v63  }
0x4a: {  	_ =	swait.ge [sflag:s13], $0xC8  }
0x4b: {  	[sflag:s13] =	ssyncset.done $0x0  }
0x4c: {  	[sflag:s13] =	ssyncadd.s32 $0xFFFFFF38  }
0x4d: {  	[tilespmem:s17], [sflag:$0x2] =	stream.indirect.gather [hbm4b:s3+s14], $0x80, s16, s14, $0xb8;
	[tilespmem:$0xCA00] =	vst v63  }
0x4e: {  	_ =	swait.ge [sflag:s18], $0x6400  }
0x4f: {  	[sflag:s18] =	ssyncset.done $0x0  }
0x50: {  	[sflag:s18] =	ssyncadd.s32 $0xFFFF9C00  }
0x51: {  	[hbm4b:s21+s2] =	stream.linear.scatter [tilespmem:s15], [sflag:$0x3], $0x6400, $0x38;
	[tilespmem:$0xCA00] =	vst v63  }
0x52: {  	_ =	swait.ge [sflag:s13], $0x6400  }
0x53: {  	s22 =	sshrl.u32 s22, $0x3;
	[sflag:s13] =	ssyncset.done $0x0  }
0x54: {  	s22 =	sadd.s32 s4, s22;
	[sflag:s13] =	ssyncadd.s32 $0xFFFF9C00  }
0x55: {  	[tilespmem:s2], [sflag:$0x3] =	stream.linear.gather [hbm4b:s22+s2], $0xC8, $0x38;
	[tilespmem:$0xCA00] =	vst v63  }
0x56: {  	_ =	swait.ge [sflag:s13], $0xC8  }
0x57: {  	[sflag:s13] =	ssyncset.done $0x0  }
0x58: {  	[sflag:s13] =	ssyncadd.s32 $0xFFFFFF38  }
0x59: {  	[tilespmem:s15], [sflag:$0x1] =	stream.indirect.gather [hbm4b:s3+s14], $0x80, s2, s14, $0xb8;
	[tilespmem:$0xCA00] =	vst v63  }
0x5a: {  	_ =	swait.ge [sflag:s19], $0x6400  }
0x5b: {  	[sflag:s19] =	ssyncset.done $0x0  }
0x5c: {  	s31 =	sadd.s32 $0xC80, s21;
	[sflag:s19] =	ssyncadd.s32 $0xFFFF9C00  }
0x5d: {  	[hbm4b:s31+s2] =	stream.linear.scatter [tilespmem:s17], [sflag:$0x3], $0x6400, $0x38;
	[tilespmem:$0xCA00] =	vst v63  }
0x5e: {  	_ =	swait.ge [sflag:s13], $0x6400  }
0x5f: {  	[sflag:s13] =	ssyncset.done $0x0  }
0x60: {  	[sflag:s13] =	ssyncadd.s32 $0xFFFF9C00  }
0x61: {  	[tilespmem:s16], [sflag:$0x3] =	stream.linear.gather [hbm4b:s7+s2], $0xC8, $0x38;
	[tilespmem:$0xCA00] =	vst v63  }
0x62: {  	_ =	swait.ge [sflag:s13], $0xC8  }
0x63: {  	[sflag:s13] =	ssyncset.done $0x0  }
0x64: {  	[sflag:s13] =	ssyncadd.s32 $0xFFFFFF38  }
0x65: {  	[tilespmem:s17], [sflag:$0x2] =	stream.indirect.gather [hbm4b:s3+s14], $0x80, s16, s14, $0xb8;
	[tilespmem:$0xCA00] =	vst v63  }
0x66: {  	_ =	swait.ge [sflag:s18], $0x6400  }
0x67: {  	[sflag:s18] =	ssyncset.done $0x0  }
0x68: {  	[sflag:s18] =	ssyncadd.s32 $0xFFFF9C00  }
0x69: {  	[hbm4b:s8+s2] =	stream.linear.scatter [tilespmem:s15], [sflag:$0x3], $0x6400, $0x38;
	[tilespmem:$0xCA00] =	vst v63  }
0x6a: {  	_ =	swait.ge [sflag:s13], $0x6400  }
0x6b: {  	[sflag:s13] =	ssyncset.done $0x0  }
0x6c: {  	[sflag:s13] =	ssyncadd.s32 $0xFFFF9C00  }
0x6d: {  	s20 =	sadd.s32 $0x1, s20;
	_ =	swait.ge [sflag:s19], $0x6400  }
0x6e: {  	p0 =	sne.s32 s20, s6;
	[sflag:s19] =	ssyncset.done $0x0  }
.Ltmp1:
0x6f: {  	[sflag:s19] =	ssyncadd.s32 $0xFFFF9C00;
	(pc) =	sbr.rel @p0 .LBB2_1-.Ltmp1, $4  }
0x70: {  	[hbm4b:s9+s2] =	stream.linear.scatter [tilespmem:s17], [sflag:$0x3], $0x6400, $0x38;
	[tilespmem:$0xCA00] =	vst v63  }
0x71: {  	_ =	swait.ge [sflag:s13], $0x6400  }
0x72: {  	[sflag:s13] =	ssyncset.done $0x0  }
0x73: {  	[sflag:s13] =	ssyncadd.s32 $0xFFFF9C00  }
0x74: {  	_ =	sfence.sel $0x180000  }
0x75: {  	[bflag:$0x0] =	sbarrier.arrive $0xFFFF  }
0x76: {  	p0 =	sne.s32 s1, $0x0;
	_ =	strace $0x90000053  }
0x77: {  	s0 =	sadd.s32 @!p0 $0x100000, s0;
	[bflag:$0x2] =	sbarrier.arrive $0xFFFF  }
0x78: {  	[sflag:s0] =	ssyncadd.tile.s32 @!p0 $0x1;
	_ =	shalt  }
.Lfunc_end2:
_tile_overlayer_lowered:
.L_overlay_start_2:
0x79: {  	(tag) =	ssettag $0x2  }
0x7a: {  	s0 =	rddreg [dreg:$0x0];
	s2 =	stileid.u32  }
0x7b: {  	s1 =	rddreg [dreg:$0x1];
	p0 =	sne.s32 s2, $0x0  }
0x7c: {  	s3 =	rddreg [dreg:$0x2];
	[bflag:$0x3] =	sbarrier.arrive $0xFFFF;
	s2 =	simm.s32 @!p0 $0x1C03  }
0x7d: {  	[timem:s3], [sflag:s2] =	dma.local @!p0 [hbm:s0], s1  }
0x7e: {  	s0 =	simm.s32 @!p0 $0x3  }
0x7f: {  	_ =	swait.ge @!p0 [sflag:s0], s1  }
0x80: {  	s1 =	ssub.s32 @!p0 $0x0, s1;
	[sflag:s0] =	ssyncset.done @!p0 $0x0  }
0x81: {  	[sflag:s0] =	ssyncadd.s32 @!p0 s1  }
0x82: {  	[bflag:$0x3] =	sbarrier.arrive $0xFFFF  }
0x83: {  	_ =	shalt  }

</sc_bundles>
